<compile_context>
chip_gen: v7x
topology: tpu7x:2x2x1
jax: 0.10.2.dev20260603
libtpu: 0.0.44.dev20260713+nightly
codegen_flags: <defaults>
</compile_context>

<pallas_src>
import functools

import jax
import jax.numpy as jnp
import numpy as np
from jax import lax
from jax.experimental import pallas as pl
from jax.experimental.pallas import tpu as pltpu
from jax.experimental.pallas import tpu_sc as plsc

TOKENS = 98

NW = 32
CHUNK = 24
NBUF = 4


def _uniform_threefry_np(seed, rows, cols):
    size = rows * cols
    i = np.arange(size, dtype=np.uint64)
    x = [
        (i >> np.uint64(32)).astype(np.uint32),
        (i & np.uint64(0xFFFFFFFF)).astype(np.uint32),
    ]
    k0 = np.uint32(seed >> 32)
    k1 = np.uint32(seed & 0xFFFFFFFF)
    ks = [k0, k1, np.uint32(k0 ^ k1 ^ np.uint32(0x1BD11BDA))]
    rotations = [
        np.array([13, 15, 26, 6], dtype=np.uint32),
        np.array([17, 29, 16, 24], dtype=np.uint32),
    ]

    def rotl(v, d):
        return (v << d) | (v >> np.uint32(32 - int(d)))

    x[0] = x[0] + ks[0]
    x[1] = x[1] + ks[1]
    for r5 in range(5):
        for r in rotations[r5 % 2]:
            x[0] = x[0] + x[1]
            x[1] = x[0] ^ rotl(x[1], r)
        x[0] = x[0] + ks[(r5 + 1) % 3]
        x[1] = x[1] + ks[(r5 + 2) % 3] + np.uint32(r5 + 1)
    bits = (x[0] ^ x[1]).reshape(rows, cols)
    float_bits = (bits >> np.uint32(9)) | np.uint32(0x3F800000)
    floats = float_bits.view(np.float32) - np.float32(1.0)
    return np.maximum(np.float32(0.0), floats)


def _selected_token_indices(N, L):
    noise = _uniform_threefry_np(1, N, L - 1)
    patch_mask = np.argsort(noise, axis=1, kind="stable") + 1
    patch_mask = np.sort(patch_mask[:, :TOKENS], axis=1)
    cls_mask = np.zeros((N, 1), dtype=patch_mask.dtype)
    return np.concatenate([cls_mask, patch_mask], axis=1)


def _make_gather(B, D, nchunks):
    mesh = plsc.VectorSubcoreMesh(core_axis_name="c", subcore_axis_name="s")
    b_per_w = B // NW

    @functools.partial(
        pl.kernel,
        mesh=mesh,
        out_type=jax.ShapeDtypeStruct((B, D), jnp.float32),
        scratch_types=[
            pltpu.VMEM((nchunks, CHUNK), jnp.int32),
        ]
        + [pltpu.VMEM((CHUNK, D), jnp.float32)] * NBUF
        + [pltpu.SemaphoreType.DMA] * (2 * NBUF),
    )
    def gather_rows(table_hbm, idx_hbm, out_hbm, idx_v, *bufs_sems):
        bufs = bufs_sems[:NBUF]
        gsems = bufs_sems[NBUF:2 * NBUF]
        ssems = bufs_sems[2 * NBUF:]
        wid = lax.axis_index("s") * 2 + lax.axis_index("c")
        base = wid * b_per_w
        pltpu.sync_copy(idx_hbm.at[wid], idx_v)
        gh = [None] * NBUF
        sh = [None] * NBUF
        gh[0] = pltpu.async_copy(table_hbm.at[idx_v.at[0]], bufs[0], gsems[0])
        gh[1] = pltpu.async_copy(table_hbm.at[idx_v.at[1]], bufs[1], gsems[1])
        for j in range(nchunks):
            b = j % NBUF
            bn = (j + 2) % NBUF
            if j + 2 < nchunks:
                if sh[bn] is not None:
                    sh[bn].wait()
                gh[bn] = pltpu.async_copy(
                    table_hbm.at[idx_v.at[j + 2]], bufs[bn], gsems[bn])
            gh[b].wait()
            sh[b] = pltpu.async_copy(
                bufs[b], out_hbm.at[pl.ds(base + j * CHUNK, CHUNK)], ssems[b])
        for b in range(NBUF):
            if sh[b] is not None:
                sh[b].wait()

    return gather_rows


def kernel(x):
    N, L, D = x.shape
    T = TOKENS + 1
    mask = _selected_token_indices(N, L)
    B = N * T
    src = mask.T.astype(np.int64) * N + np.arange(N, dtype=np.int64)[None, :]
    nchunks = B // (NW * CHUNK)
    idx3 = jnp.asarray(src.reshape(NW, nchunks, CHUNK).astype(np.int32))
    xt = jnp.transpose(x, (1, 0, 2)).reshape(L * N, D)
    out2 = _make_gather(B, D, nchunks)(xt, idx3)
    return jnp.transpose(out2.reshape(T, N, D), (1, 0, 2))

# --- scband reference (transcript-rebuilt; emitter-appended) ---
"""Pipeline reference for scband-sensed-patch-dropout-9448928051826 (READ-ONLY COPY).

The authoritative reference and input builder live on the scoring server;
editing this copy changes nothing except your own understanding.
"""

import jax, jax.numpy as jnp
import numpy as np

TOKENS = 98
TOKEN_SHUFFLING = False


def setup_inputs(seed: int = 0) -> dict:
    key = jax.random.key(seed)
    x = jax.random.normal(key, (256, 197, 768), dtype=jnp.float32)
    return {"x": x}


def reference(x):
    # SensedPatchDropout.forward with sampling='random' (training or inference)
    N, L, D = x.shape
    _L = L - 1
    # random_mask: iid uniform scores over non-cls patches
    noise = jax.random.uniform(jax.random.key(1), (N, _L), dtype=jnp.float32)
    patch_mask = jnp.argsort(noise, axis=1) + 1  # indices into [1, L-1]
    patch_mask = patch_mask[:, :TOKENS]
    if not TOKEN_SHUFFLING:
        patch_mask = jnp.sort(patch_mask, axis=1)
    # prepend cls token index 0
    cls_mask = jnp.zeros((N, 1), dtype=patch_mask.dtype)
    mask = jnp.concatenate([cls_mask, patch_mask], axis=1)  # [N, TOKENS+1]
    idx = jnp.broadcast_to(mask[:, :, None], (N, TOKENS + 1, D))
    out = jnp.take_along_axis(x, idx, axis=1)
    return out

if __name__ == "__main__":
    import jax
    _d = setup_inputs()
    print(jax.jit(kernel)(*tuple(_d.values())))

</pallas_src>

<mosaic_0001>
#map = affine_map<(d0, d1) -> (0, 0)>
#map1 = affine_map<(d0, d1) -> (0, 0, 0)>
module attributes {stable_mosaic.version = 14 : i64} {
  func.func @gather_rows(%arg0: i32, %arg1: i32, %arg2: memref<50432x768xf32, #tpu.memory_space<hbm>>, %arg3: memref<32x33x24xi32, #tpu.memory_space<hbm>>, %arg4: memref<25344x768xf32, #tpu.memory_space<hbm>>, %arg5: memref<33x24xi32, #tpu.memory_space<vmem>>, %arg6: memref<24x768xf32, #tpu.memory_space<vmem>>, %arg7: memref<24x768xf32, #tpu.memory_space<vmem>>, %arg8: memref<24x768xf32, #tpu.memory_space<vmem>>, %arg9: memref<24x768xf32, #tpu.memory_space<vmem>>, %arg10: memref<!tpu.dma_semaphore, #tpu.memory_space<semaphore_mem>>, %arg11: memref<!tpu.dma_semaphore, #tpu.memory_space<semaphore_mem>>, %arg12: memref<!tpu.dma_semaphore, #tpu.memory_space<semaphore_mem>>, %arg13: memref<!tpu.dma_semaphore, #tpu.memory_space<semaphore_mem>>, %arg14: memref<!tpu.dma_semaphore, #tpu.memory_space<semaphore_mem>>, %arg15: memref<!tpu.dma_semaphore, #tpu.memory_space<semaphore_mem>>, %arg16: memref<!tpu.dma_semaphore, #tpu.memory_space<semaphore_mem>>, %arg17: memref<!tpu.dma_semaphore, #tpu.memory_space<semaphore_mem>>) attributes {dimension_semantics = [#tpu.dimension_semantics<core_parallel>, #tpu.dimension_semantics<subcore_parallel>], iteration_bounds = array<i64: 2, 16>, scalar_prefetch = 0 : i64, scratch_operands = 13 : i64, tpu.core_type = #tpu.core_type<sc_vector_subcore>, window_params = [{transform_indices = #map}, {transform_indices = #map1}, {transform_indices = #map}]} {
    %mul3A = arith.constant 2 : i32
    %mul3A_0 = arith.muli %arg1, %mul3A : i32
    %add3A = arith.addi %mul3A_0, %arg0 : i32
    %mul3A_1 = arith.constant 792 : i32
    %mul3A_2 = arith.muli %add3A, %mul3A_1 : i32
    "tpu.region"() ({
      %run_scoped3A = tpu.sem_alloc : memref<!tpu.dma_semaphore, #tpu.memory_space<semaphore_mem>>
      %dma_start3A_793 = arith.constant 0 : i32
      %dma_start3A_794 = arith.constant 0 : i32
      %dma_start3A_795 = tpu.memref_slice %arg3[%add3A, %dma_start3A_793, %dma_start3A_794] : memref<32x33x24xi32, #tpu.memory_space<hbm>> -> memref<1x33x24xi32, #tpu.memory_space<hbm>>
      %dma_start3A_796 = tpu.memref_squeeze %dma_start3A_795 : memref<1x33x24xi32, #tpu.memory_space<hbm>> -> memref<33x24xi32, #tpu.memory_space<hbm>>
      %dma_start3A_797 = arith.constant 0 : i32
      %dma_start3A_798 = arith.constant 0 : i32
      %dma_start3A_799 = tpu.memref_slice %arg3[%add3A, %dma_start3A_797, %dma_start3A_798] : memref<32x33x24xi32, #tpu.memory_space<hbm>> -> memref<1x33x24xi32, #tpu.memory_space<hbm>>
      %dma_start3A_800 = tpu.memref_squeeze %dma_start3A_799 : memref<1x33x24xi32, #tpu.memory_space<hbm>> -> memref<33x24xi32, #tpu.memory_space<hbm>>
      tpu.enqueue_dma source(%dma_start3A_800 : memref<33x24xi32, #tpu.memory_space<hbm>>) target(%arg5 : memref<33x24xi32, #tpu.memory_space<vmem>>) target_semaphore(%run_scoped3A : memref<!tpu.dma_semaphore, #tpu.memory_space<semaphore_mem>>)
      %dma_wait3A_801 = arith.constant 0 : i32
      %dma_wait3A_802 = arith.constant 0 : i32
      %dma_wait3A_803 = tpu.memref_slice %arg3[%add3A, %dma_wait3A_801, %dma_wait3A_802] : memref<32x33x24xi32, #tpu.memory_space<hbm>> -> memref<1x33x24xi32, #tpu.memory_space<hbm>>
      %dma_wait3A_804 = tpu.memref_squeeze %dma_wait3A_803 : memref<1x33x24xi32, #tpu.memory_space<hbm>> -> memref<33x24xi32, #tpu.memory_space<hbm>>
      %dma_wait3A_805 = arith.constant 0 : i32
      %dma_wait3A_806 = arith.constant 0 : i32
      %dma_wait3A_807 = tpu.memref_slice %arg3[%add3A, %dma_wait3A_805, %dma_wait3A_806] : memref<32x33x24xi32, #tpu.memory_space<hbm>> -> memref<1x33x24xi32, #tpu.memory_space<hbm>>
      %dma_wait3A_808 = tpu.memref_squeeze %dma_wait3A_807 : memref<1x33x24xi32, #tpu.memory_space<hbm>> -> memref<33x24xi32, #tpu.memory_space<hbm>>
      tpu.wait_dma2 semaphore(%run_scoped3A : memref<!tpu.dma_semaphore, #tpu.memory_space<semaphore_mem>>) src(%dma_wait3A_808 : memref<33x24xi32, #tpu.memory_space<hbm>>) dst(%arg5 : memref<33x24xi32, #tpu.memory_space<vmem>>)
      tpu.yield
    }) : () -> ()
    %dma_start3A = arith.constant 0 : i32
    %dma_start3A_3 = arith.constant 0 : i32
    %dma_start3A_4 = tpu.memref_slice %arg5[%dma_start3A, %dma_start3A_3] : memref<33x24xi32, #tpu.memory_space<vmem>> -> memref<1x24xi32, #tpu.memory_space<vmem>>
    %dma_start3A_5 = tpu.memref_squeeze %dma_start3A_4 : memref<1x24xi32, #tpu.memory_space<vmem>> -> memref<24xi32, #tpu.memory_space<vmem>>
    %dma_start3A_6 = arith.constant 0 : i32
    %dma_start3A_7 = arith.constant 0 : i32
    %dma_start3A_8 = tpu.memref_slice %arg2[%dma_start3A_6, %dma_start3A_7] : memref<50432x768xf32, #tpu.memory_space<hbm>> -> memref<50432x768xf32, #tpu.memory_space<hbm>>
    tpu.enqueue_indirect_dma source(%dma_start3A_8 : memref<50432x768xf32, #tpu.memory_space<hbm>>) target(%arg6 : memref<24x768xf32, #tpu.memory_space<vmem>>) offsets(%dma_start3A_5 : memref<24xi32, #tpu.memory_space<vmem>>) semaphore(%arg10 : memref<!tpu.dma_semaphore, #tpu.memory_space<semaphore_mem>>)
    %dma_start3A_9 = arith.constant 1 : i32
    %dma_start3A_10 = arith.constant 0 : i32
    %dma_start3A_11 = tpu.memref_slice %arg5[%dma_start3A_9, %dma_start3A_10] : memref<33x24xi32, #tpu.memory_space<vmem>> -> memref<1x24xi32, #tpu.memory_space<vmem>>
    %dma_start3A_12 = tpu.memref_squeeze %dma_start3A_11 : memref<1x24xi32, #tpu.memory_space<vmem>> -> memref<24xi32, #tpu.memory_space<vmem>>
    %dma_start3A_13 = arith.constant 0 : i32
    %dma_start3A_14 = arith.constant 0 : i32
    %dma_start3A_15 = tpu.memref_slice %arg2[%dma_start3A_13, %dma_start3A_14] : memref<50432x768xf32, #tpu.memory_space<hbm>> -> memref<50432x768xf32, #tpu.memory_space<hbm>>
    tpu.enqueue_indirect_dma source(%dma_start3A_15 : memref<50432x768xf32, #tpu.memory_space<hbm>>) target(%arg7 : memref<24x768xf32, #tpu.memory_space<vmem>>) offsets(%dma_start3A_12 : memref<24xi32, #tpu.memory_space<vmem>>) semaphore(%arg11 : memref<!tpu.dma_semaphore, #tpu.memory_space<semaphore_mem>>)
    %dma_start3A_16 = arith.constant 2 : i32
    %dma_start3A_17 = arith.constant 0 : i32
    %dma_start3A_18 = tpu.memref_slice %arg5[%dma_start3A_16, %dma_start3A_17] : memref<33x24xi32, #tpu.memory_space<vmem>> -> memref<1x24xi32, #tpu.memory_space<vmem>>
    %dma_start3A_19 = tpu.memref_squeeze %dma_start3A_18 : memref<1x24xi32, #tpu.memory_space<vmem>> -> memref<24xi32, #tpu.memory_space<vmem>>
    %dma_start3A_20 = arith.constant 0 : i32
    %dma_start3A_21 = arith.constant 0 : i32
    %dma_start3A_22 = tpu.memref_slice %arg2[%dma_start3A_20, %dma_start3A_21] : memref<50432x768xf32, #tpu.memory_space<hbm>> -> memref<50432x768xf32, #tpu.memory_space<hbm>>
    tpu.enqueue_indirect_dma source(%dma_start3A_22 : memref<50432x768xf32, #tpu.memory_space<hbm>>) target(%arg8 : memref<24x768xf32, #tpu.memory_space<vmem>>) offsets(%dma_start3A_19 : memref<24xi32, #tpu.memory_space<vmem>>) semaphore(%arg12 : memref<!tpu.dma_semaphore, #tpu.memory_space<semaphore_mem>>)
    %dma_wait3A = arith.constant 0 : i32
    %dma_wait3A_23 = arith.constant 0 : i32
    %dma_wait3A_24 = tpu.memref_slice %arg5[%dma_wait3A, %dma_wait3A_23] : memref<33x24xi32, #tpu.memory_space<vmem>> -> memref<1x24xi32, #tpu.memory_space<vmem>>
    %dma_wait3A_25 = tpu.memref_squeeze %dma_wait3A_24 : memref<1x24xi32, #tpu.memory_space<vmem>> -> memref<24xi32, #tpu.memory_space<vmem>>
    %dma_wait3A_26 = arith.constant 0 : i32
    %dma_wait3A_27 = arith.constant 0 : i32
    %dma_wait3A_28 = tpu.memref_slice %arg2[%dma_wait3A_26, %dma_wait3A_27] : memref<50432x768xf32, #tpu.memory_space<hbm>> -> memref<50432x768xf32, #tpu.memory_space<hbm>>
    tpu.wait_indirect_dma semaphore(%arg10 : memref<!tpu.dma_semaphore, #tpu.memory_space<semaphore_mem>>) src(%dma_wait3A_28 : memref<50432x768xf32, #tpu.memory_space<hbm>>) dst(%arg6 : memref<24x768xf32, #tpu.memory_space<vmem>>)
    %add3A_29 = arith.constant 0 : i32
    %add3A_30 = arith.addi %mul3A_2, %add3A_29 : i32
    %dma_start3A_31 = arith.constant 0 : i32
    %dma_start3A_32 = tpu.memref_slice %arg4[%add3A_30, %dma_start3A_31] : memref<25344x768xf32, #tpu.memory_space<hbm>> -> memref<24x768xf32, #tpu.memory_space<hbm>>
    %dma_start3A_33 = arith.constant 0 : i32
    %dma_start3A_34 = tpu.memref_slice %arg4[%add3A_30, %dma_start3A_33] : memref<25344x768xf32, #tpu.memory_space<hbm>> -> memref<24x768xf32, #tpu.memory_space<hbm>>
    tpu.enqueue_dma source(%arg6 : memref<24x768xf32, #tpu.memory_space<vmem>>) target(%dma_start3A_34 : memref<24x768xf32, #tpu.memory_space<hbm>>) target_semaphore(%arg14 : memref<!tpu.dma_semaphore, #tpu.memory_space<semaphore_mem>>)
    %dma_start3A_35 = arith.constant 3 : i32
    %dma_start3A_36 = arith.constant 0 : i32
    %dma_start3A_37 = tpu.memref_slice %arg5[%dma_start3A_35, %dma_start3A_36] : memref<33x24xi32, #tpu.memory_space<vmem>> -> memref<1x24xi32, #tpu.memory_space<vmem>>
    %dma_start3A_38 = tpu.memref_squeeze %dma_start3A_37 : memref<1x24xi32, #tpu.memory_space<vmem>> -> memref<24xi32, #tpu.memory_space<vmem>>
    %dma_start3A_39 = arith.constant 0 : i32
    %dma_start3A_40 = arith.constant 0 : i32
    %dma_start3A_41 = tpu.memref_slice %arg2[%dma_start3A_39, %dma_start3A_40] : memref<50432x768xf32, #tpu.memory_space<hbm>> -> memref<50432x768xf32, #tpu.memory_space<hbm>>
    tpu.enqueue_indirect_dma source(%dma_start3A_41 : memref<50432x768xf32, #tpu.memory_space<hbm>>) target(%arg9 : memref<24x768xf32, #tpu.memory_space<vmem>>) offsets(%dma_start3A_38 : memref<24xi32, #tpu.memory_space<vmem>>) semaphore(%arg13 : memref<!tpu.dma_semaphore, #tpu.memory_space<semaphore_mem>>)
    %dma_wait3A_42 = arith.constant 1 : i32
    %dma_wait3A_43 = arith.constant 0 : i32
    %dma_wait3A_44 = tpu.memref_slice %arg5[%dma_wait3A_42, %dma_wait3A_43] : memref<33x24xi32, #tpu.memory_space<vmem>> -> memref<1x24xi32, #tpu.memory_space<vmem>>
    %dma_wait3A_45 = tpu.memref_squeeze %dma_wait3A_44 : memref<1x24xi32, #tpu.memory_space<vmem>> -> memref<24xi32, #tpu.memory_space<vmem>>
    %dma_wait3A_46 = arith.constant 0 : i32
    %dma_wait3A_47 = arith.constant 0 : i32
    %dma_wait3A_48 = tpu.memref_slice %arg2[%dma_wait3A_46, %dma_wait3A_47] : memref<50432x768xf32, #tpu.memory_space<hbm>> -> memref<50432x768xf32, #tpu.memory_space<hbm>>
    tpu.wait_indirect_dma semaphore(%arg11 : memref<!tpu.dma_semaphore, #tpu.memory_space<semaphore_mem>>) src(%dma_wait3A_48 : memref<50432x768xf32, #tpu.memory_space<hbm>>) dst(%arg7 : memref<24x768xf32, #tpu.memory_space<vmem>>)
    %add3A_49 = arith.constant 24 : i32
    %add3A_50 = arith.addi %mul3A_2, %add3A_49 : i32
    %dma_start3A_51 = arith.constant 0 : i32
    %dma_start3A_52 = tpu.memref_slice %arg4[%add3A_50, %dma_start3A_51] : memref<25344x768xf32, #tpu.memory_space<hbm>> -> memref<24x768xf32, #tpu.memory_space<hbm>>
    %dma_start3A_53 = arith.constant 0 : i32
    %dma_start3A_54 = tpu.memref_slice %arg4[%add3A_50, %dma_start3A_53] : memref<25344x768xf32, #tpu.memory_space<hbm>> -> memref<24x768xf32, #tpu.memory_space<hbm>>
    tpu.enqueue_dma source(%arg7 : memref<24x768xf32, #tpu.memory_space<vmem>>) target(%dma_start3A_54 : memref<24x768xf32, #tpu.memory_space<hbm>>) target_semaphore(%arg15 : memref<!tpu.dma_semaphore, #tpu.memory_space<semaphore_mem>>)
    %dma_wait3A_55 = arith.constant 0 : i32
    %dma_wait3A_56 = tpu.memref_slice %arg4[%add3A_30, %dma_wait3A_55] : memref<25344x768xf32, #tpu.memory_space<hbm>> -> memref<24x768xf32, #tpu.memory_space<hbm>>
    %dma_wait3A_57 = arith.constant 0 : i32
    %dma_wait3A_58 = tpu.memref_slice %arg4[%add3A_30, %dma_wait3A_57] : memref<25344x768xf32, #tpu.memory_space<hbm>> -> memref<24x768xf32, #tpu.memory_space<hbm>>
    tpu.wait_dma2 semaphore(%arg14 : memref<!tpu.dma_semaphore, #tpu.memory_space<semaphore_mem>>) src(%arg6 : memref<24x768xf32, #tpu.memory_space<vmem>>) dst(%dma_wait3A_58 : memref<24x768xf32, #tpu.memory_space<hbm>>)
    %dma_start3A_59 = arith.constant 4 : i32
    %dma_start3A_60 = arith.constant 0 : i32
    %dma_start3A_61 = tpu.memref_slice %arg5[%dma_start3A_59, %dma_start3A_60] : memref<33x24xi32, #tpu.memory_space<vmem>> -> memref<1x24xi32, #tpu.memory_space<vmem>>
    %dma_start3A_62 = tpu.memref_squeeze %dma_start3A_61 : memref<1x24xi32, #tpu.memory_space<vmem>> -> memref<24xi32, #tpu.memory_space<vmem>>
    %dma_start3A_63 = arith.constant 0 : i32
    %dma_start3A_64 = arith.constant 0 : i32
    %dma_start3A_65 = tpu.memref_slice %arg2[%dma_start3A_63, %dma_start3A_64] : memref<50432x768xf32, #tpu.memory_space<hbm>> -> memref<50432x768xf32, #tpu.memory_space<hbm>>
    tpu.enqueue_indirect_dma source(%dma_start3A_65 : memref<50432x768xf32, #tpu.memory_space<hbm>>) target(%arg6 : memref<24x768xf32, #tpu.memory_space<vmem>>) offsets(%dma_start3A_62 : memref<24xi32, #tpu.memory_space<vmem>>) semaphore(%arg10 : memref<!tpu.dma_semaphore, #tpu.memory_space<semaphore_mem>>)
    %dma_wait3A_66 = arith.constant 2 : i32
    %dma_wait3A_67 = arith.constant 0 : i32
    %dma_wait3A_68 = tpu.memref_slice %arg5[%dma_wait3A_66, %dma_wait3A_67] : memref<33x24xi32, #tpu.memory_space<vmem>> -> memref<1x24xi32, #tpu.memory_space<vmem>>
    %dma_wait3A_69 = tpu.memref_squeeze %dma_wait3A_68 : memref<1x24xi32, #tpu.memory_space<vmem>> -> memref<24xi32, #tpu.memory_space<vmem>>
    %dma_wait3A_70 = arith.constant 0 : i32
    %dma_wait3A_71 = arith.constant 0 : i32
    %dma_wait3A_72 = tpu.memref_slice %arg2[%dma_wait3A_70, %dma_wait3A_71] : memref<50432x768xf32, #tpu.memory_space<hbm>> -> memref<50432x768xf32, #tpu.memory_space<hbm>>
    tpu.wait_indirect_dma semaphore(%arg12 : memref<!tpu.dma_semaphore, #tpu.memory_space<semaphore_mem>>) src(%dma_wait3A_72 : memref<50432x768xf32, #tpu.memory_space<hbm>>) dst(%arg8 : memref<24x768xf32, #tpu.memory_space<vmem>>)
    %add3A_73 = arith.constant 48 : i32
    %add3A_74 = arith.addi %mul3A_2, %add3A_73 : i32
    %dma_start3A_75 = arith.constant 0 : i32
    %dma_start3A_76 = tpu.memref_slice %arg4[%add3A_74, %dma_start3A_75] : memref<25344x768xf32, #tpu.memory_space<hbm>> -> memref<24x768xf32, #tpu.memory_space<hbm>>
    %dma_start3A_77 = arith.constant 0 : i32
    %dma_start3A_78 = tpu.memref_slice %arg4[%add3A_74, %dma_start3A_77] : memref<25344x768xf32, #tpu.memory_space<hbm>> -> memref<24x768xf32, #tpu.memory_space<hbm>>
    tpu.enqueue_dma source(%arg8 : memref<24x768xf32, #tpu.memory_space<vmem>>) target(%dma_start3A_78 : memref<24x768xf32, #tpu.memory_space<hbm>>) target_semaphore(%arg16 : memref<!tpu.dma_semaphore, #tpu.memory_space<semaphore_mem>>)
    %dma_wait3A_79 = arith.constant 0 : i32
    %dma_wait3A_80 = tpu.memref_slice %arg4[%add3A_50, %dma_wait3A_79] : memref<25344x768xf32, #tpu.memory_space<hbm>> -> memref<24x768xf32, #tpu.memory_space<hbm>>
    %dma_wait3A_81 = arith.constant 0 : i32
    %dma_wait3A_82 = tpu.memref_slice %arg4[%add3A_50, %dma_wait3A_81] : memref<25344x768xf32, #tpu.memory_space<hbm>> -> memref<24x768xf32, #tpu.memory_space<hbm>>
    tpu.wait_dma2 semaphore(%arg15 : memref<!tpu.dma_semaphore, #tpu.memory_space<semaphore_mem>>) src(%arg7 : memref<24x768xf32, #tpu.memory_space<vmem>>) dst(%dma_wait3A_82 : memref<24x768xf32, #tpu.memory_space<hbm>>)
    %dma_start3A_83 = arith.constant 5 : i32
    %dma_start3A_84 = arith.constant 0 : i32
    %dma_start3A_85 = tpu.memref_slice %arg5[%dma_start3A_83, %dma_start3A_84] : memref<33x24xi32, #tpu.memory_space<vmem>> -> memref<1x24xi32, #tpu.memory_space<vmem>>
    %dma_start3A_86 = tpu.memref_squeeze %dma_start3A_85 : memref<1x24xi32, #tpu.memory_space<vmem>> -> memref<24xi32, #tpu.memory_space<vmem>>
    %dma_start3A_87 = arith.constant 0 : i32
    %dma_start3A_88 = arith.constant 0 : i32
    %dma_start3A_89 = tpu.memref_slice %arg2[%dma_start3A_87, %dma_start3A_88] : memref<50432x768xf32, #tpu.memory_space<hbm>> -> memref<50432x768xf32, #tpu.memory_space<hbm>>
    tpu.enqueue_indirect_dma source(%dma_start3A_89 : memref<50432x768xf32, #tpu.memory_space<hbm>>) target(%arg7 : memref<24x768xf32, #tpu.memory_space<vmem>>) offsets(%dma_start3A_86 : memref<24xi32, #tpu.memory_space<vmem>>) semaphore(%arg11 : memref<!tpu.dma_semaphore, #tpu.memory_space<semaphore_mem>>)
    %dma_wait3A_90 = arith.constant 3 : i32
    %dma_wait3A_91 = arith.constant 0 : i32
    %dma_wait3A_92 = tpu.memref_slice %arg5[%dma_wait3A_90, %dma_wait3A_91] : memref<33x24xi32, #tpu.memory_space<vmem>> -> memref<1x24xi32, #tpu.memory_space<vmem>>
    %dma_wait3A_93 = tpu.memref_squeeze %dma_wait3A_92 : memref<1x24xi32, #tpu.memory_space<vmem>> -> memref<24xi32, #tpu.memory_space<vmem>>
    %dma_wait3A_94 = arith.constant 0 : i32
    %dma_wait3A_95 = arith.constant 0 : i32
    %dma_wait3A_96 = tpu.memref_slice %arg2[%dma_wait3A_94, %dma_wait3A_95] : memref<50432x768xf32, #tpu.memory_space<hbm>> -> memref<50432x768xf32, #tpu.memory_space<hbm>>
    tpu.wait_indirect_dma semaphore(%arg13 : memref<!tpu.dma_semaphore, #tpu.memory_space<semaphore_mem>>) src(%dma_wait3A_96 : memref<50432x768xf32, #tpu.memory_space<hbm>>) dst(%arg9 : memref<24x768xf32, #tpu.memory_space<vmem>>)
    %add3A_97 = arith.constant 72 : i32
    %add3A_98 = arith.addi %mul3A_2, %add3A_97 : i32
    %dma_start3A_99 = arith.constant 0 : i32
    %dma_start3A_100 = tpu.memref_slice %arg4[%add3A_98, %dma_start3A_99] : memref<25344x768xf32, #tpu.memory_space<hbm>> -> memref<24x768xf32, #tpu.memory_space<hbm>>
    %dma_start3A_101 = arith.constant 0 : i32
    %dma_start3A_102 = tpu.memref_slice %arg4[%add3A_98, %dma_start3A_101] : memref<25344x768xf32, #tpu.memory_space<hbm>> -> memref<24x768xf32, #tpu.memory_space<hbm>>
    tpu.enqueue_dma source(%arg9 : memref<24x768xf32, #tpu.memory_space<vmem>>) target(%dma_start3A_102 : memref<24x768xf32, #tpu.memory_space<hbm>>) target_semaphore(%arg17 : memref<!tpu.dma_semaphore, #tpu.memory_space<semaphore_mem>>)
    %dma_wait3A_103 = arith.constant 0 : i32
    %dma_wait3A_104 = tpu.memref_slice %arg4[%add3A_74, %dma_wait3A_103] : memref<25344x768xf32, #tpu.memory_space<hbm>> -> memref<24x768xf32, #tpu.memory_space<hbm>>
    %dma_wait3A_105 = arith.constant 0 : i32
    %dma_wait3A_106 = tpu.memref_slice %arg4[%add3A_74, %dma_wait3A_105] : memref<25344x768xf32, #tpu.memory_space<hbm>> -> memref<24x768xf32, #tpu.memory_space<hbm>>
    tpu.wait_dma2 semaphore(%arg16 : memref<!tpu.dma_semaphore, #tpu.memory_space<semaphore_mem>>) src(%arg8 : memref<24x768xf32, #tpu.memory_space<vmem>>) dst(%dma_wait3A_106 : memref<24x768xf32, #tpu.memory_space<hbm>>)
    %dma_start3A_107 = arith.constant 6 : i32
    %dma_start3A_108 = arith.constant 0 : i32
    %dma_start3A_109 = tpu.memref_slice %arg5[%dma_start3A_107, %dma_start3A_108] : memref<33x24xi32, #tpu.memory_space<vmem>> -> memref<1x24xi32, #tpu.memory_space<vmem>>
    %dma_start3A_110 = tpu.memref_squeeze %dma_start3A_109 : memref<1x24xi32, #tpu.memory_space<vmem>> -> memref<24xi32, #tpu.memory_space<vmem>>
    %dma_start3A_111 = arith.constant 0 : i32
    %dma_start3A_112 = arith.constant 0 : i32
    %dma_start3A_113 = tpu.memref_slice %arg2[%dma_start3A_111, %dma_start3A_112] : memref<50432x768xf32, #tpu.memory_space<hbm>> -> memref<50432x768xf32, #tpu.memory_space<hbm>>
    tpu.enqueue_indirect_dma source(%dma_start3A_113 : memref<50432x768xf32, #tpu.memory_space<hbm>>) target(%arg8 : memref<24x768xf32, #tpu.memory_space<vmem>>) offsets(%dma_start3A_110 : memref<24xi32, #tpu.memory_space<vmem>>) semaphore(%arg12 : memref<!tpu.dma_semaphore, #tpu.memory_space<semaphore_mem>>)
    %dma_wait3A_114 = arith.constant 4 : i32
    %dma_wait3A_115 = arith.constant 0 : i32
    %dma_wait3A_116 = tpu.memref_slice %arg5[%dma_wait3A_114, %dma_wait3A_115] : memref<33x24xi32, #tpu.memory_space<vmem>> -> memref<1x24xi32, #tpu.memory_space<vmem>>
    %dma_wait3A_117 = tpu.memref_squeeze %dma_wait3A_116 : memref<1x24xi32, #tpu.memory_space<vmem>> -> memref<24xi32, #tpu.memory_space<vmem>>
    %dma_wait3A_118 = arith.constant 0 : i32
    %dma_wait3A_119 = arith.constant 0 : i32
    %dma_wait3A_120 = tpu.memref_slice %arg2[%dma_wait3A_118, %dma_wait3A_119] : memref<50432x768xf32, #tpu.memory_space<hbm>> -> memref<50432x768xf32, #tpu.memory_space<hbm>>
    tpu.wait_indirect_dma semaphore(%arg10 : memref<!tpu.dma_semaphore, #tpu.memory_space<semaphore_mem>>) src(%dma_wait3A_120 : memref<50432x768xf32, #tpu.memory_space<hbm>>) dst(%arg6 : memref<24x768xf32, #tpu.memory_space<vmem>>)
    %add3A_121 = arith.constant 96 : i32
    %add3A_122 = arith.addi %mul3A_2, %add3A_121 : i32
    %dma_start3A_123 = arith.constant 0 : i32
    %dma_start3A_124 = tpu.memref_slice %arg4[%add3A_122, %dma_start3A_123] : memref<25344x768xf32, #tpu.memory_space<hbm>> -> memref<24x768xf32, #tpu.memory_space<hbm>>
    %dma_start3A_125 = arith.constant 0 : i32
    %dma_start3A_126 = tpu.memref_slice %arg4[%add3A_122, %dma_start3A_125] : memref<25344x768xf32, #tpu.memory_space<hbm>> -> memref<24x768xf32, #tpu.memory_space<hbm>>
    tpu.enqueue_dma source(%arg6 : memref<24x768xf32, #tpu.memory_space<vmem>>) target(%dma_start3A_126 : memref<24x768xf32, #tpu.memory_space<hbm>>) target_semaphore(%arg14 : memref<!tpu.dma_semaphore, #tpu.memory_space<semaphore_mem>>)
    %dma_wait3A_127 = arith.constant 0 : i32
    %dma_wait3A_128 = tpu.memref_slice %arg4[%add3A_98, %dma_wait3A_127] : memref<25344x768xf32, #tpu.memory_space<hbm>> -> memref<24x768xf32, #tpu.memory_space<hbm>>
    %dma_wait3A_129 = arith.constant 0 : i32
    %dma_wait3A_130 = tpu.memref_slice %arg4[%add3A_98, %dma_wait3A_129] : memref<25344x768xf32, #tpu.memory_space<hbm>> -> memref<24x768xf32, #tpu.memory_space<hbm>>
    tpu.wait_dma2 semaphore(%arg17 : memref<!tpu.dma_semaphore, #tpu.memory_space<semaphore_mem>>) src(%arg9 : memref<24x768xf32, #tpu.memory_space<vmem>>) dst(%dma_wait3A_130 : memref<24x768xf32, #tpu.memory_space<hbm>>)
    %dma_start3A_131 = arith.constant 7 : i32
    %dma_start3A_132 = arith.constant 0 : i32
    %dma_start3A_133 = tpu.memref_slice %arg5[%dma_start3A_131, %dma_start3A_132] : memref<33x24xi32, #tpu.memory_space<vmem>> -> memref<1x24xi32, #tpu.memory_space<vmem>>
    %dma_start3A_134 = tpu.memref_squeeze %dma_start3A_133 : memref<1x24xi32, #tpu.memory_space<vmem>> -> memref<24xi32, #tpu.memory_space<vmem>>
    %dma_start3A_135 = arith.constant 0 : i32
    %dma_start3A_136 = arith.constant 0 : i32
    %dma_start3A_137 = tpu.memref_slice %arg2[%dma_start3A_135, %dma_start3A_136] : memref<50432x768xf32, #tpu.memory_space<hbm>> -> memref<50432x768xf32, #tpu.memory_space<hbm>>
    tpu.enqueue_indirect_dma source(%dma_start3A_137 : memref<50432x768xf32, #tpu.memory_space<hbm>>) target(%arg9 : memref<24x768xf32, #tpu.memory_space<vmem>>) offsets(%dma_start3A_134 : memref<24xi32, #tpu.memory_space<vmem>>) semaphore(%arg13 : memref<!tpu.dma_semaphore, #tpu.memory_space<semaphore_mem>>)
    %dma_wait3A_138 = arith.constant 5 : i32
    %dma_wait3A_139 = arith.constant 0 : i32
    %dma_wait3A_140 = tpu.memref_slice %arg5[%dma_wait3A_138, %dma_wait3A_139] : memref<33x24xi32, #tpu.memory_space<vmem>> -> memref<1x24xi32, #tpu.memory_space<vmem>>
    %dma_wait3A_141 = tpu.memref_squeeze %dma_wait3A_140 : memref<1x24xi32, #tpu.memory_space<vmem>> -> memref<24xi32, #tpu.memory_space<vmem>>
    %dma_wait3A_142 = arith.constant 0 : i32
    %dma_wait3A_143 = arith.constant 0 : i32
    %dma_wait3A_144 = tpu.memref_slice %arg2[%dma_wait3A_142, %dma_wait3A_143] : memref<50432x768xf32, #tpu.memory_space<hbm>> -> memref<50432x768xf32, #tpu.memory_space<hbm>>
    tpu.wait_indirect_dma semaphore(%arg11 : memref<!tpu.dma_semaphore, #tpu.memory_space<semaphore_mem>>) src(%dma_wait3A_144 : memref<50432x768xf32, #tpu.memory_space<hbm>>) dst(%arg7 : memref<24x768xf32, #tpu.memory_space<vmem>>)
    %add3A_145 = arith.constant 120 : i32
    %add3A_146 = arith.addi %mul3A_2, %add3A_145 : i32
    %dma_start3A_147 = arith.constant 0 : i32
    %dma_start3A_148 = tpu.memref_slice %arg4[%add3A_146, %dma_start3A_147] : memref<25344x768xf32, #tpu.memory_space<hbm>> -> memref<24x768xf32, #tpu.memory_space<hbm>>
    %dma_start3A_149 = arith.constant 0 : i32
    %dma_start3A_150 = tpu.memref_slice %arg4[%add3A_146, %dma_start3A_149] : memref<25344x768xf32, #tpu.memory_space<hbm>> -> memref<24x768xf32, #tpu.memory_space<hbm>>
    tpu.enqueue_dma source(%arg7 : memref<24x768xf32, #tpu.memory_space<vmem>>) target(%dma_start3A_150 : memref<24x768xf32, #tpu.memory_space<hbm>>) target_semaphore(%arg15 : memref<!tpu.dma_semaphore, #tpu.memory_space<semaphore_mem>>)
    %dma_wait3A_151 = arith.constant 0 : i32
    %dma_wait3A_152 = tpu.memref_slice %arg4[%add3A_122, %dma_wait3A_151] : memref<25344x768xf32, #tpu.memory_space<hbm>> -> memref<24x768xf32, #tpu.memory_space<hbm>>
    %dma_wait3A_153 = arith.constant 0 : i32
    %dma_wait3A_154 = tpu.memref_slice %arg4[%add3A_122, %dma_wait3A_153] : memref<25344x768xf32, #tpu.memory_space<hbm>> -> memref<24x768xf32, #tpu.memory_space<hbm>>
    tpu.wait_dma2 semaphore(%arg14 : memref<!tpu.dma_semaphore, #tpu.memory_space<semaphore_mem>>) src(%arg6 : memref<24x768xf32, #tpu.memory_space<vmem>>) dst(%dma_wait3A_154 : memref<24x768xf32, #tpu.memory_space<hbm>>)
    %dma_start3A_155 = arith.constant 8 : i32
    %dma_start3A_156 = arith.constant 0 : i32
    %dma_start3A_157 = tpu.memref_slice %arg5[%dma_start3A_155, %dma_start3A_156] : memref<33x24xi32, #tpu.memory_space<vmem>> -> memref<1x24xi32, #tpu.memory_space<vmem>>
    %dma_start3A_158 = tpu.memref_squeeze %dma_start3A_157 : memref<1x24xi32, #tpu.memory_space<vmem>> -> memref<24xi32, #tpu.memory_space<vmem>>
    %dma_start3A_159 = arith.constant 0 : i32
    %dma_start3A_160 = arith.constant 0 : i32
    %dma_start3A_161 = tpu.memref_slice %arg2[%dma_start3A_159, %dma_start3A_160] : memref<50432x768xf32, #tpu.memory_space<hbm>> -> memref<50432x768xf32, #tpu.memory_space<hbm>>
    tpu.enqueue_indirect_dma source(%dma_start3A_161 : memref<50432x768xf32, #tpu.memory_space<hbm>>) target(%arg6 : memref<24x768xf32, #tpu.memory_space<vmem>>) offsets(%dma_start3A_158 : memref<24xi32, #tpu.memory_space<vmem>>) semaphore(%arg10 : memref<!tpu.dma_semaphore, #tpu.memory_space<semaphore_mem>>)
    %dma_wait3A_162 = arith.constant 6 : i32
    %dma_wait3A_163 = arith.constant 0 : i32
    %dma_wait3A_164 = tpu.memref_slice %arg5[%dma_wait3A_162, %dma_wait3A_163] : memref<33x24xi32, #tpu.memory_space<vmem>> -> memref<1x24xi32, #tpu.memory_space<vmem>>
    %dma_wait3A_165 = tpu.memref_squeeze %dma_wait3A_164 : memref<1x24xi32, #tpu.memory_space<vmem>> -> memref<24xi32, #tpu.memory_space<vmem>>
    %dma_wait3A_166 = arith.constant 0 : i32
    %dma_wait3A_167 = arith.constant 0 : i32
    %dma_wait3A_168 = tpu.memref_slice %arg2[%dma_wait3A_166, %dma_wait3A_167] : memref<50432x768xf32, #tpu.memory_space<hbm>> -> memref<50432x768xf32, #tpu.memory_space<hbm>>
    tpu.wait_indirect_dma semaphore(%arg12 : memref<!tpu.dma_semaphore, #tpu.memory_space<semaphore_mem>>) src(%dma_wait3A_168 : memref<50432x768xf32, #tpu.memory_space<hbm>>) dst(%arg8 : memref<24x768xf32, #tpu.memory_space<vmem>>)
    %add3A_169 = arith.constant 144 : i32
    %add3A_170 = arith.addi %mul3A_2, %add3A_169 : i32
    %dma_start3A_171 = arith.constant 0 : i32
    %dma_start3A_172 = tpu.memref_slice %arg4[%add3A_170, %dma_start3A_171] : memref<25344x768xf32, #tpu.memory_space<hbm>> -> memref<24x768xf32, #tpu.memory_space<hbm>>
    %dma_start3A_173 = arith.constant 0 : i32
    %dma_start3A_174 = tpu.memref_slice %arg4[%add3A_170, %dma_start3A_173] : memref<25344x768xf32, #tpu.memory_space<hbm>> -> memref<24x768xf32, #tpu.memory_space<hbm>>
    tpu.enqueue_dma source(%arg8 : memref<24x768xf32, #tpu.memory_space<vmem>>) target(%dma_start3A_174 : memref<24x768xf32, #tpu.memory_space<hbm>>) target_semaphore(%arg16 : memref<!tpu.dma_semaphore, #tpu.memory_space<semaphore_mem>>)
    %dma_wait3A_175 = arith.constant 0 : i32
    %dma_wait3A_176 = tpu.memref_slice %arg4[%add3A_146, %dma_wait3A_175] : memref<25344x768xf32, #tpu.memory_space<hbm>> -> memref<24x768xf32, #tpu.memory_space<hbm>>
    %dma_wait3A_177 = arith.constant 0 : i32
    %dma_wait3A_178 = tpu.memref_slice %arg4[%add3A_146, %dma_wait3A_177] : memref<25344x768xf32, #tpu.memory_space<hbm>> -> memref<24x768xf32, #tpu.memory_space<hbm>>
    tpu.wait_dma2 semaphore(%arg15 : memref<!tpu.dma_semaphore, #tpu.memory_space<semaphore_mem>>) src(%arg7 : memref<24x768xf32, #tpu.memory_space<vmem>>) dst(%dma_wait3A_178 : memref<24x768xf32, #tpu.memory_space<hbm>>)
    %dma_start3A_179 = arith.constant 9 : i32
    %dma_start3A_180 = arith.constant 0 : i32
    %dma_start3A_181 = tpu.memref_slice %arg5[%dma_start3A_179, %dma_start3A_180] : memref<33x24xi32, #tpu.memory_space<vmem>> -> memref<1x24xi32, #tpu.memory_space<vmem>>
    %dma_start3A_182 = tpu.memref_squeeze %dma_start3A_181 : memref<1x24xi32, #tpu.memory_space<vmem>> -> memref<24xi32, #tpu.memory_space<vmem>>
    %dma_start3A_183 = arith.constant 0 : i32
    %dma_start3A_184 = arith.constant 0 : i32
    %dma_start3A_185 = tpu.memref_slice %arg2[%dma_start3A_183, %dma_start3A_184] : memref<50432x768xf32, #tpu.memory_space<hbm>> -> memref<50432x768xf32, #tpu.memory_space<hbm>>
    tpu.enqueue_indirect_dma source(%dma_start3A_185 : memref<50432x768xf32, #tpu.memory_space<hbm>>) target(%arg7 : memref<24x768xf32, #tpu.memory_space<vmem>>) offsets(%dma_start3A_182 : memref<24xi32, #tpu.memory_space<vmem>>) semaphore(%arg11 : memref<!tpu.dma_semaphore, #tpu.memory_space<semaphore_mem>>)
    %dma_wait3A_186 = arith.constant 7 : i32
    %dma_wait3A_187 = arith.constant 0 : i32
    %dma_wait3A_188 = tpu.memref_slice %arg5[%dma_wait3A_186, %dma_wait3A_187] : memref<33x24xi32, #tpu.memory_space<vmem>> -> memref<1x24xi32, #tpu.memory_space<vmem>>
    %dma_wait3A_189 = tpu.memref_squeeze %dma_wait3A_188 : memref<1x24xi32, #tpu.memory_space<vmem>> -> memref<24xi32, #tpu.memory_space<vmem>>
    %dma_wait3A_190 = arith.constant 0 : i32
    %dma_wait3A_191 = arith.constant 0 : i32
    %dma_wait3A_192 = tpu.memref_slice %arg2[%dma_wait3A_190, %dma_wait3A_191] : memref<50432x768xf32, #tpu.memory_space<hbm>> -> memref<50432x768xf32, #tpu.memory_space<hbm>>
    tpu.wait_indirect_dma semaphore(%arg13 : memref<!tpu.dma_semaphore, #tpu.memory_space<semaphore_mem>>) src(%dma_wait3A_192 : memref<50432x768xf32, #tpu.memory_space<hbm>>) dst(%arg9 : memref<24x768xf32, #tpu.memory_space<vmem>>)
    %add3A_193 = arith.constant 168 : i32
    %add3A_194 = arith.addi %mul3A_2, %add3A_193 : i32
    %dma_start3A_195 = arith.constant 0 : i32
    %dma_start3A_196 = tpu.memref_slice %arg4[%add3A_194, %dma_start3A_195] : memref<25344x768xf32, #tpu.memory_space<hbm>> -> memref<24x768xf32, #tpu.memory_space<hbm>>
    %dma_start3A_197 = arith.constant 0 : i32
    %dma_start3A_198 = tpu.memref_slice %arg4[%add3A_194, %dma_start3A_197] : memref<25344x768xf32, #tpu.memory_space<hbm>> -> memref<24x768xf32, #tpu.memory_space<hbm>>
    tpu.enqueue_dma source(%arg9 : memref<24x768xf32, #tpu.memory_space<vmem>>) target(%dma_start3A_198 : memref<24x768xf32, #tpu.memory_space<hbm>>) target_semaphore(%arg17 : memref<!tpu.dma_semaphore, #tpu.memory_space<semaphore_mem>>)
    %dma_wait3A_199 = arith.constant 0 : i32
    %dma_wait3A_200 = tpu.memref_slice %arg4[%add3A_170, %dma_wait3A_199] : memref<25344x768xf32, #tpu.memory_space<hbm>> -> memref<24x768xf32, #tpu.memory_space<hbm>>
    %dma_wait3A_201 = arith.constant 0 : i32
    %dma_wait3A_202 = tpu.memref_slice %arg4[%add3A_170, %dma_wait3A_201] : memref<25344x768xf32, #tpu.memory_space<hbm>> -> memref<24x768xf32, #tpu.memory_space<hbm>>
    tpu.wait_dma2 semaphore(%arg16 : memref<!tpu.dma_semaphore, #tpu.memory_space<semaphore_mem>>) src(%arg8 : memref<24x768xf32, #tpu.memory_space<vmem>>) dst(%dma_wait3A_202 : memref<24x768xf32, #tpu.memory_space<hbm>>)
    %dma_start3A_203 = arith.constant 10 : i32
    %dma_start3A_204 = arith.constant 0 : i32
    %dma_start3A_205 = tpu.memref_slice %arg5[%dma_start3A_203, %dma_start3A_204] : memref<33x24xi32, #tpu.memory_space<vmem>> -> memref<1x24xi32, #tpu.memory_space<vmem>>
    %dma_start3A_206 = tpu.memref_squeeze %dma_start3A_205 : memref<1x24xi32, #tpu.memory_space<vmem>> -> memref<24xi32, #tpu.memory_space<vmem>>
    %dma_start3A_207 = arith.constant 0 : i32
    %dma_start3A_208 = arith.constant 0 : i32
    %dma_start3A_209 = tpu.memref_slice %arg2[%dma_start3A_207, %dma_start3A_208] : memref<50432x768xf32, #tpu.memory_space<hbm>> -> memref<50432x768xf32, #tpu.memory_space<hbm>>
    tpu.enqueue_indirect_dma source(%dma_start3A_209 : memref<50432x768xf32, #tpu.memory_space<hbm>>) target(%arg8 : memref<24x768xf32, #tpu.memory_space<vmem>>) offsets(%dma_start3A_206 : memref<24xi32, #tpu.memory_space<vmem>>) semaphore(%arg12 : memref<!tpu.dma_semaphore, #tpu.memory_space<semaphore_mem>>)
    %dma_wait3A_210 = arith.constant 8 : i32
    %dma_wait3A_211 = arith.constant 0 : i32
    %dma_wait3A_212 = tpu.memref_slice %arg5[%dma_wait3A_210, %dma_wait3A_211] : memref<33x24xi32, #tpu.memory_space<vmem>> -> memref<1x24xi32, #tpu.memory_space<vmem>>
    %dma_wait3A_213 = tpu.memref_squeeze %dma_wait3A_212 : memref<1x24xi32, #tpu.memory_space<vmem>> -> memref<24xi32, #tpu.memory_space<vmem>>
    %dma_wait3A_214 = arith.constant 0 : i32
    %dma_wait3A_215 = arith.constant 0 : i32
    %dma_wait3A_216 = tpu.memref_slice %arg2[%dma_wait3A_214, %dma_wait3A_215] : memref<50432x768xf32, #tpu.memory_space<hbm>> -> memref<50432x768xf32, #tpu.memory_space<hbm>>
    tpu.wait_indirect_dma semaphore(%arg10 : memref<!tpu.dma_semaphore, #tpu.memory_space<semaphore_mem>>) src(%dma_wait3A_216 : memref<50432x768xf32, #tpu.memory_space<hbm>>) dst(%arg6 : memref<24x768xf32, #tpu.memory_space<vmem>>)
    %add3A_217 = arith.constant 192 : i32
    %add3A_218 = arith.addi %mul3A_2, %add3A_217 : i32
    %dma_start3A_219 = arith.constant 0 : i32
    %dma_start3A_220 = tpu.memref_slice %arg4[%add3A_218, %dma_start3A_219] : memref<25344x768xf32, #tpu.memory_space<hbm>> -> memref<24x768xf32, #tpu.memory_space<hbm>>
    %dma_start3A_221 = arith.constant 0 : i32
    %dma_start3A_222 = tpu.memref_slice %arg4[%add3A_218, %dma_start3A_221] : memref<25344x768xf32, #tpu.memory_space<hbm>> -> memref<24x768xf32, #tpu.memory_space<hbm>>
    tpu.enqueue_dma source(%arg6 : memref<24x768xf32, #tpu.memory_space<vmem>>) target(%dma_start3A_222 : memref<24x768xf32, #tpu.memory_space<hbm>>) target_semaphore(%arg14 : memref<!tpu.dma_semaphore, #tpu.memory_space<semaphore_mem>>)
    %dma_wait3A_223 = arith.constant 0 : i32
    %dma_wait3A_224 = tpu.memref_slice %arg4[%add3A_194, %dma_wait3A_223] : memref<25344x768xf32, #tpu.memory_space<hbm>> -> memref<24x768xf32, #tpu.memory_space<hbm>>
    %dma_wait3A_225 = arith.constant 0 : i32
    %dma_wait3A_226 = tpu.memref_slice %arg4[%add3A_194, %dma_wait3A_225] : memref<25344x768xf32, #tpu.memory_space<hbm>> -> memref<24x768xf32, #tpu.memory_space<hbm>>
    tpu.wait_dma2 semaphore(%arg17 : memref<!tpu.dma_semaphore, #tpu.memory_space<semaphore_mem>>) src(%arg9 : memref<24x768xf32, #tpu.memory_space<vmem>>) dst(%dma_wait3A_226 : memref<24x768xf32, #tpu.memory_space<hbm>>)
    %dma_start3A_227 = arith.constant 11 : i32
    %dma_start3A_228 = arith.constant 0 : i32
    %dma_start3A_229 = tpu.memref_slice %arg5[%dma_start3A_227, %dma_start3A_228] : memref<33x24xi32, #tpu.memory_space<vmem>> -> memref<1x24xi32, #tpu.memory_space<vmem>>
    %dma_start3A_230 = tpu.memref_squeeze %dma_start3A_229 : memref<1x24xi32, #tpu.memory_space<vmem>> -> memref<24xi32, #tpu.memory_space<vmem>>
    %dma_start3A_231 = arith.constant 0 : i32
    %dma_start3A_232 = arith.constant 0 : i32
    %dma_start3A_233 = tpu.memref_slice %arg2[%dma_start3A_231, %dma_start3A_232] : memref<50432x768xf32, #tpu.memory_space<hbm>> -> memref<50432x768xf32, #tpu.memory_space<hbm>>
    tpu.enqueue_indirect_dma source(%dma_start3A_233 : memref<50432x768xf32, #tpu.memory_space<hbm>>) target(%arg9 : memref<24x768xf32, #tpu.memory_space<vmem>>) offsets(%dma_start3A_230 : memref<24xi32, #tpu.memory_space<vmem>>) semaphore(%arg13 : memref<!tpu.dma_semaphore, #tpu.memory_space<semaphore_mem>>)
    %dma_wait3A_234 = arith.constant 9 : i32
    %dma_wait3A_235 = arith.constant 0 : i32
    %dma_wait3A_236 = tpu.memref_slice %arg5[%dma_wait3A_234, %dma_wait3A_235] : memref<33x24xi32, #tpu.memory_space<vmem>> -> memref<1x24xi32, #tpu.memory_space<vmem>>
    %dma_wait3A_237 = tpu.memref_squeeze %dma_wait3A_236 : memref<1x24xi32, #tpu.memory_space<vmem>> -> memref<24xi32, #tpu.memory_space<vmem>>
    %dma_wait3A_238 = arith.constant 0 : i32
    %dma_wait3A_239 = arith.constant 0 : i32
    %dma_wait3A_240 = tpu.memref_slice %arg2[%dma_wait3A_238, %dma_wait3A_239] : memref<50432x768xf32, #tpu.memory_space<hbm>> -> memref<50432x768xf32, #tpu.memory_space<hbm>>
    tpu.wait_indirect_dma semaphore(%arg11 : memref<!tpu.dma_semaphore, #tpu.memory_space<semaphore_mem>>) src(%dma_wait3A_240 : memref<50432x768xf32, #tpu.memory_space<hbm>>) dst(%arg7 : memref<24x768xf32, #tpu.memory_space<vmem>>)
    %add3A_241 = arith.constant 216 : i32
    %add3A_242 = arith.addi %mul3A_2, %add3A_241 : i32
    %dma_start3A_243 = arith.constant 0 : i32
    %dma_start3A_244 = tpu.memref_slice %arg4[%add3A_242, %dma_start3A_243] : memref<25344x768xf32, #tpu.memory_space<hbm>> -> memref<24x768xf32, #tpu.memory_space<hbm>>
    %dma_start3A_245 = arith.constant 0 : i32
    %dma_start3A_246 = tpu.memref_slice %arg4[%add3A_242, %dma_start3A_245] : memref<25344x768xf32, #tpu.memory_space<hbm>> -> memref<24x768xf32, #tpu.memory_space<hbm>>
    tpu.enqueue_dma source(%arg7 : memref<24x768xf32, #tpu.memory_space<vmem>>) target(%dma_start3A_246 : memref<24x768xf32, #tpu.memory_space<hbm>>) target_semaphore(%arg15 : memref<!tpu.dma_semaphore, #tpu.memory_space<semaphore_mem>>)
    %dma_wait3A_247 = arith.constant 0 : i32
    %dma_wait3A_248 = tpu.memref_slice %arg4[%add3A_218, %dma_wait3A_247] : memref<25344x768xf32, #tpu.memory_space<hbm>> -> memref<24x768xf32, #tpu.memory_space<hbm>>
    %dma_wait3A_249 = arith.constant 0 : i32
    %dma_wait3A_250 = tpu.memref_slice %arg4[%add3A_218, %dma_wait3A_249] : memref<25344x768xf32, #tpu.memory_space<hbm>> -> memref<24x768xf32, #tpu.memory_space<hbm>>
    tpu.wait_dma2 semaphore(%arg14 : memref<!tpu.dma_semaphore, #tpu.memory_space<semaphore_mem>>) src(%arg6 : memref<24x768xf32, #tpu.memory_space<vmem>>) dst(%dma_wait3A_250 : memref<24x768xf32, #tpu.memory_space<hbm>>)
    %dma_start3A_251 = arith.constant 12 : i32
    %dma_start3A_252 = arith.constant 0 : i32
    %dma_start3A_253 = tpu.memref_slice %arg5[%dma_start3A_251, %dma_start3A_252] : memref<33x24xi32, #tpu.memory_space<vmem>> -> memref<1x24xi32, #tpu.memory_space<vmem>>
    %dma_start3A_254 = tpu.memref_squeeze %dma_start3A_253 : memref<1x24xi32, #tpu.memory_space<vmem>> -> memref<24xi32, #tpu.memory_space<vmem>>
    %dma_start3A_255 = arith.constant 0 : i32
    %dma_start3A_256 = arith.constant 0 : i32
    %dma_start3A_257 = tpu.memref_slice %arg2[%dma_start3A_255, %dma_start3A_256] : memref<50432x768xf32, #tpu.memory_space<hbm>> -> memref<50432x768xf32, #tpu.memory_space<hbm>>
    tpu.enqueue_indirect_dma source(%dma_start3A_257 : memref<50432x768xf32, #tpu.memory_space<hbm>>) target(%arg6 : memref<24x768xf32, #tpu.memory_space<vmem>>) offsets(%dma_start3A_254 : memref<24xi32, #tpu.memory_space<vmem>>) semaphore(%arg10 : memref<!tpu.dma_semaphore, #tpu.memory_space<semaphore_mem>>)
    %dma_wait3A_258 = arith.constant 10 : i32
    %dma_wait3A_259 = arith.constant 0 : i32
    %dma_wait3A_260 = tpu.memref_slice %arg5[%dma_wait3A_258, %dma_wait3A_259] : memref<33x24xi32, #tpu.memory_space<vmem>> -> memref<1x24xi32, #tpu.memory_space<vmem>>
    %dma_wait3A_261 = tpu.memref_squeeze %dma_wait3A_260 : memref<1x24xi32, #tpu.memory_space<vmem>> -> memref<24xi32, #tpu.memory_space<vmem>>
    %dma_wait3A_262 = arith.constant 0 : i32
    %dma_wait3A_263 = arith.constant 0 : i32
    %dma_wait3A_264 = tpu.memref_slice %arg2[%dma_wait3A_262, %dma_wait3A_263] : memref<50432x768xf32, #tpu.memory_space<hbm>> -> memref<50432x768xf32, #tpu.memory_space<hbm>>
    tpu.wait_indirect_dma semaphore(%arg12 : memref<!tpu.dma_semaphore, #tpu.memory_space<semaphore_mem>>) src(%dma_wait3A_264 : memref<50432x768xf32, #tpu.memory_space<hbm>>) dst(%arg8 : memref<24x768xf32, #tpu.memory_space<vmem>>)
    %add3A_265 = arith.constant 240 : i32
    %add3A_266 = arith.addi %mul3A_2, %add3A_265 : i32
    %dma_start3A_267 = arith.constant 0 : i32
    %dma_start3A_268 = tpu.memref_slice %arg4[%add3A_266, %dma_start3A_267] : memref<25344x768xf32, #tpu.memory_space<hbm>> -> memref<24x768xf32, #tpu.memory_space<hbm>>
    %dma_start3A_269 = arith.constant 0 : i32
    %dma_start3A_270 = tpu.memref_slice %arg4[%add3A_266, %dma_start3A_269] : memref<25344x768xf32, #tpu.memory_space<hbm>> -> memref<24x768xf32, #tpu.memory_space<hbm>>
    tpu.enqueue_dma source(%arg8 : memref<24x768xf32, #tpu.memory_space<vmem>>) target(%dma_start3A_270 : memref<24x768xf32, #tpu.memory_space<hbm>>) target_semaphore(%arg16 : memref<!tpu.dma_semaphore, #tpu.memory_space<semaphore_mem>>)
    %dma_wait3A_271 = arith.constant 0 : i32
    %dma_wait3A_272 = tpu.memref_slice %arg4[%add3A_242, %dma_wait3A_271] : memref<25344x768xf32, #tpu.memory_space<hbm>> -> memref<24x768xf32, #tpu.memory_space<hbm>>
    %dma_wait3A_273 = arith.constant 0 : i32
    %dma_wait3A_274 = tpu.memref_slice %arg4[%add3A_242, %dma_wait3A_273] : memref<25344x768xf32, #tpu.memory_space<hbm>> -> memref<24x768xf32, #tpu.memory_space<hbm>>
    tpu.wait_dma2 semaphore(%arg15 : memref<!tpu.dma_semaphore, #tpu.memory_space<semaphore_mem>>) src(%arg7 : memref<24x768xf32, #tpu.memory_space<vmem>>) dst(%dma_wait3A_274 : memref<24x768xf32, #tpu.memory_space<hbm>>)
    %dma_start3A_275 = arith.constant 13 : i32
    %dma_start3A_276 = arith.constant 0 : i32
    %dma_start3A_277 = tpu.memref_slice %arg5[%dma_start3A_275, %dma_start3A_276] : memref<33x24xi32, #tpu.memory_space<vmem>> -> memref<1x24xi32, #tpu.memory_space<vmem>>
    %dma_start3A_278 = tpu.memref_squeeze %dma_start3A_277 : memref<1x24xi32, #tpu.memory_space<vmem>> -> memref<24xi32, #tpu.memory_space<vmem>>
    %dma_start3A_279 = arith.constant 0 : i32
    %dma_start3A_280 = arith.constant 0 : i32
    %dma_start3A_281 = tpu.memref_slice %arg2[%dma_start3A_279, %dma_start3A_280] : memref<50432x768xf32, #tpu.memory_space<hbm>> -> memref<50432x768xf32, #tpu.memory_space<hbm>>
    tpu.enqueue_indirect_dma source(%dma_start3A_281 : memref<50432x768xf32, #tpu.memory_space<hbm>>) target(%arg7 : memref<24x768xf32, #tpu.memory_space<vmem>>) offsets(%dma_start3A_278 : memref<24xi32, #tpu.memory_space<vmem>>) semaphore(%arg11 : memref<!tpu.dma_semaphore, #tpu.memory_space<semaphore_mem>>)
    %dma_wait3A_282 = arith.constant 11 : i32
    %dma_wait3A_283 = arith.constant 0 : i32
    %dma_wait3A_284 = tpu.memref_slice %arg5[%dma_wait3A_282, %dma_wait3A_283] : memref<33x24xi32, #tpu.memory_space<vmem>> -> memref<1x24xi32, #tpu.memory_space<vmem>>
    %dma_wait3A_285 = tpu.memref_squeeze %dma_wait3A_284 : memref<1x24xi32, #tpu.memory_space<vmem>> -> memref<24xi32, #tpu.memory_space<vmem>>
    %dma_wait3A_286 = arith.constant 0 : i32
    %dma_wait3A_287 = arith.constant 0 : i32
    %dma_wait3A_288 = tpu.memref_slice %arg2[%dma_wait3A_286, %dma_wait3A_287] : memref<50432x768xf32, #tpu.memory_space<hbm>> -> memref<50432x768xf32, #tpu.memory_space<hbm>>
    tpu.wait_indirect_dma semaphore(%arg13 : memref<!tpu.dma_semaphore, #tpu.memory_space<semaphore_mem>>) src(%dma_wait3A_288 : memref<50432x768xf32, #tpu.memory_space<hbm>>) dst(%arg9 : memref<24x768xf32, #tpu.memory_space<vmem>>)
    %add3A_289 = arith.constant 264 : i32
    %add3A_290 = arith.addi %mul3A_2, %add3A_289 : i32
    %dma_start3A_291 = arith.constant 0 : i32
    %dma_start3A_292 = tpu.memref_slice %arg4[%add3A_290, %dma_start3A_291] : memref<25344x768xf32, #tpu.memory_space<hbm>> -> memref<24x768xf32, #tpu.memory_space<hbm>>
    %dma_start3A_293 = arith.constant 0 : i32
    %dma_start3A_294 = tpu.memref_slice %arg4[%add3A_290, %dma_start3A_293] : memref<25344x768xf32, #tpu.memory_space<hbm>> -> memref<24x768xf32, #tpu.memory_space<hbm>>
    tpu.enqueue_dma source(%arg9 : memref<24x768xf32, #tpu.memory_space<vmem>>) target(%dma_start3A_294 : memref<24x768xf32, #tpu.memory_space<hbm>>) target_semaphore(%arg17 : memref<!tpu.dma_semaphore, #tpu.memory_space<semaphore_mem>>)
    %dma_wait3A_295 = arith.constant 0 : i32
    %dma_wait3A_296 = tpu.memref_slice %arg4[%add3A_266, %dma_wait3A_295] : memref<25344x768xf32, #tpu.memory_space<hbm>> -> memref<24x768xf32, #tpu.memory_space<hbm>>
    %dma_wait3A_297 = arith.constant 0 : i32
    %dma_wait3A_298 = tpu.memref_slice %arg4[%add3A_266, %dma_wait3A_297] : memref<25344x768xf32, #tpu.memory_space<hbm>> -> memref<24x768xf32, #tpu.memory_space<hbm>>
    tpu.wait_dma2 semaphore(%arg16 : memref<!tpu.dma_semaphore, #tpu.memory_space<semaphore_mem>>) src(%arg8 : memref<24x768xf32, #tpu.memory_space<vmem>>) dst(%dma_wait3A_298 : memref<24x768xf32, #tpu.memory_space<hbm>>)
    %dma_start3A_299 = arith.constant 14 : i32
    %dma_start3A_300 = arith.constant 0 : i32
    %dma_start3A_301 = tpu.memref_slice %arg5[%dma_start3A_299, %dma_start3A_300] : memref<33x24xi32, #tpu.memory_space<vmem>> -> memref<1x24xi32, #tpu.memory_space<vmem>>
    %dma_start3A_302 = tpu.memref_squeeze %dma_start3A_301 : memref<1x24xi32, #tpu.memory_space<vmem>> -> memref<24xi32, #tpu.memory_space<vmem>>
    %dma_start3A_303 = arith.constant 0 : i32
    %dma_start3A_304 = arith.constant 0 : i32
    %dma_start3A_305 = tpu.memref_slice %arg2[%dma_start3A_303, %dma_start3A_304] : memref<50432x768xf32, #tpu.memory_space<hbm>> -> memref<50432x768xf32, #tpu.memory_space<hbm>>
    tpu.enqueue_indirect_dma source(%dma_start3A_305 : memref<50432x768xf32, #tpu.memory_space<hbm>>) target(%arg8 : memref<24x768xf32, #tpu.memory_space<vmem>>) offsets(%dma_start3A_302 : memref<24xi32, #tpu.memory_space<vmem>>) semaphore(%arg12 : memref<!tpu.dma_semaphore, #tpu.memory_space<semaphore_mem>>)
    %dma_wait3A_306 = arith.constant 12 : i32
    %dma_wait3A_307 = arith.constant 0 : i32
    %dma_wait3A_308 = tpu.memref_slice %arg5[%dma_wait3A_306, %dma_wait3A_307] : memref<33x24xi32, #tpu.memory_space<vmem>> -> memref<1x24xi32, #tpu.memory_space<vmem>>
    %dma_wait3A_309 = tpu.memref_squeeze %dma_wait3A_308 : memref<1x24xi32, #tpu.memory_space<vmem>> -> memref<24xi32, #tpu.memory_space<vmem>>
    %dma_wait3A_310 = arith.constant 0 : i32
    %dma_wait3A_311 = arith.constant 0 : i32
    %dma_wait3A_312 = tpu.memref_slice %arg2[%dma_wait3A_310, %dma_wait3A_311] : memref<50432x768xf32, #tpu.memory_space<hbm>> -> memref<50432x768xf32, #tpu.memory_space<hbm>>
    tpu.wait_indirect_dma semaphore(%arg10 : memref<!tpu.dma_semaphore, #tpu.memory_space<semaphore_mem>>) src(%dma_wait3A_312 : memref<50432x768xf32, #tpu.memory_space<hbm>>) dst(%arg6 : memref<24x768xf32, #tpu.memory_space<vmem>>)
    %add3A_313 = arith.constant 288 : i32
    %add3A_314 = arith.addi %mul3A_2, %add3A_313 : i32
    %dma_start3A_315 = arith.constant 0 : i32
    %dma_start3A_316 = tpu.memref_slice %arg4[%add3A_314, %dma_start3A_315] : memref<25344x768xf32, #tpu.memory_space<hbm>> -> memref<24x768xf32, #tpu.memory_space<hbm>>
    %dma_start3A_317 = arith.constant 0 : i32
    %dma_start3A_318 = tpu.memref_slice %arg4[%add3A_314, %dma_start3A_317] : memref<25344x768xf32, #tpu.memory_space<hbm>> -> memref<24x768xf32, #tpu.memory_space<hbm>>
    tpu.enqueue_dma source(%arg6 : memref<24x768xf32, #tpu.memory_space<vmem>>) target(%dma_start3A_318 : memref<24x768xf32, #tpu.memory_space<hbm>>) target_semaphore(%arg14 : memref<!tpu.dma_semaphore, #tpu.memory_space<semaphore_mem>>)
    %dma_wait3A_319 = arith.constant 0 : i32
    %dma_wait3A_320 = tpu.memref_slice %arg4[%add3A_290, %dma_wait3A_319] : memref<25344x768xf32, #tpu.memory_space<hbm>> -> memref<24x768xf32, #tpu.memory_space<hbm>>
    %dma_wait3A_321 = arith.constant 0 : i32
    %dma_wait3A_322 = tpu.memref_slice %arg4[%add3A_290, %dma_wait3A_321] : memref<25344x768xf32, #tpu.memory_space<hbm>> -> memref<24x768xf32, #tpu.memory_space<hbm>>
    tpu.wait_dma2 semaphore(%arg17 : memref<!tpu.dma_semaphore, #tpu.memory_space<semaphore_mem>>) src(%arg9 : memref<24x768xf32, #tpu.memory_space<vmem>>) dst(%dma_wait3A_322 : memref<24x768xf32, #tpu.memory_space<hbm>>)
    %dma_start3A_323 = arith.constant 15 : i32
    %dma_start3A_324 = arith.constant 0 : i32
    %dma_start3A_325 = tpu.memref_slice %arg5[%dma_start3A_323, %dma_start3A_324] : memref<33x24xi32, #tpu.memory_space<vmem>> -> memref<1x24xi32, #tpu.memory_space<vmem>>
    %dma_start3A_326 = tpu.memref_squeeze %dma_start3A_325 : memref<1x24xi32, #tpu.memory_space<vmem>> -> memref<24xi32, #tpu.memory_space<vmem>>
    %dma_start3A_327 = arith.constant 0 : i32
    %dma_start3A_328 = arith.constant 0 : i32
    %dma_start3A_329 = tpu.memref_slice %arg2[%dma_start3A_327, %dma_start3A_328] : memref<50432x768xf32, #tpu.memory_space<hbm>> -> memref<50432x768xf32, #tpu.memory_space<hbm>>
    tpu.enqueue_indirect_dma source(%dma_start3A_329 : memref<50432x768xf32, #tpu.memory_space<hbm>>) target(%arg9 : memref<24x768xf32, #tpu.memory_space<vmem>>) offsets(%dma_start3A_326 : memref<24xi32, #tpu.memory_space<vmem>>) semaphore(%arg13 : memref<!tpu.dma_semaphore, #tpu.memory_space<semaphore_mem>>)
    %dma_wait3A_330 = arith.constant 13 : i32
    %dma_wait3A_331 = arith.constant 0 : i32
    %dma_wait3A_332 = tpu.memref_slice %arg5[%dma_wait3A_330, %dma_wait3A_331] : memref<33x24xi32, #tpu.memory_space<vmem>> -> memref<1x24xi32, #tpu.memory_space<vmem>>
    %dma_wait3A_333 = tpu.memref_squeeze %dma_wait3A_332 : memref<1x24xi32, #tpu.memory_space<vmem>> -> memref<24xi32, #tpu.memory_space<vmem>>
    %dma_wait3A_334 = arith.constant 0 : i32
    %dma_wait3A_335 = arith.constant 0 : i32
    %dma_wait3A_336 = tpu.memref_slice %arg2[%dma_wait3A_334, %dma_wait3A_335] : memref<50432x768xf32, #tpu.memory_space<hbm>> -> memref<50432x768xf32, #tpu.memory_space<hbm>>
    tpu.wait_indirect_dma semaphore(%arg11 : memref<!tpu.dma_semaphore, #tpu.memory_space<semaphore_mem>>) src(%dma_wait3A_336 : memref<50432x768xf32, #tpu.memory_space<hbm>>) dst(%arg7 : memref<24x768xf32, #tpu.memory_space<vmem>>)
    %add3A_337 = arith.constant 312 : i32
    %add3A_338 = arith.addi %mul3A_2, %add3A_337 : i32
    %dma_start3A_339 = arith.constant 0 : i32
    %dma_start3A_340 = tpu.memref_slice %arg4[%add3A_338, %dma_start3A_339] : memref<25344x768xf32, #tpu.memory_space<hbm>> -> memref<24x768xf32, #tpu.memory_space<hbm>>
    %dma_start3A_341 = arith.constant 0 : i32
    %dma_start3A_342 = tpu.memref_slice %arg4[%add3A_338, %dma_start3A_341] : memref<25344x768xf32, #tpu.memory_space<hbm>> -> memref<24x768xf32, #tpu.memory_space<hbm>>
    tpu.enqueue_dma source(%arg7 : memref<24x768xf32, #tpu.memory_space<vmem>>) target(%dma_start3A_342 : memref<24x768xf32, #tpu.memory_space<hbm>>) target_semaphore(%arg15 : memref<!tpu.dma_semaphore, #tpu.memory_space<semaphore_mem>>)
    %dma_wait3A_343 = arith.constant 0 : i32
    %dma_wait3A_344 = tpu.memref_slice %arg4[%add3A_314, %dma_wait3A_343] : memref<25344x768xf32, #tpu.memory_space<hbm>> -> memref<24x768xf32, #tpu.memory_space<hbm>>
    %dma_wait3A_345 = arith.constant 0 : i32
    %dma_wait3A_346 = tpu.memref_slice %arg4[%add3A_314, %dma_wait3A_345] : memref<25344x768xf32, #tpu.memory_space<hbm>> -> memref<24x768xf32, #tpu.memory_space<hbm>>
    tpu.wait_dma2 semaphore(%arg14 : memref<!tpu.dma_semaphore, #tpu.memory_space<semaphore_mem>>) src(%arg6 : memref<24x768xf32, #tpu.memory_space<vmem>>) dst(%dma_wait3A_346 : memref<24x768xf32, #tpu.memory_space<hbm>>)
    %dma_start3A_347 = arith.constant 16 : i32
    %dma_start3A_348 = arith.constant 0 : i32
    %dma_start3A_349 = tpu.memref_slice %arg5[%dma_start3A_347, %dma_start3A_348] : memref<33x24xi32, #tpu.memory_space<vmem>> -> memref<1x24xi32, #tpu.memory_space<vmem>>
    %dma_start3A_350 = tpu.memref_squeeze %dma_start3A_349 : memref<1x24xi32, #tpu.memory_space<vmem>> -> memref<24xi32, #tpu.memory_space<vmem>>
    %dma_start3A_351 = arith.constant 0 : i32
    %dma_start3A_352 = arith.constant 0 : i32
    %dma_start3A_353 = tpu.memref_slice %arg2[%dma_start3A_351, %dma_start3A_352] : memref<50432x768xf32, #tpu.memory_space<hbm>> -> memref<50432x768xf32, #tpu.memory_space<hbm>>
    tpu.enqueue_indirect_dma source(%dma_start3A_353 : memref<50432x768xf32, #tpu.memory_space<hbm>>) target(%arg6 : memref<24x768xf32, #tpu.memory_space<vmem>>) offsets(%dma_start3A_350 : memref<24xi32, #tpu.memory_space<vmem>>) semaphore(%arg10 : memref<!tpu.dma_semaphore, #tpu.memory_space<semaphore_mem>>)
    %dma_wait3A_354 = arith.constant 14 : i32
    %dma_wait3A_355 = arith.constant 0 : i32
    %dma_wait3A_356 = tpu.memref_slice %arg5[%dma_wait3A_354, %dma_wait3A_355] : memref<33x24xi32, #tpu.memory_space<vmem>> -> memref<1x24xi32, #tpu.memory_space<vmem>>
    %dma_wait3A_357 = tpu.memref_squeeze %dma_wait3A_356 : memref<1x24xi32, #tpu.memory_space<vmem>> -> memref<24xi32, #tpu.memory_space<vmem>>
    %dma_wait3A_358 = arith.constant 0 : i32
    %dma_wait3A_359 = arith.constant 0 : i32
    %dma_wait3A_360 = tpu.memref_slice %arg2[%dma_wait3A_358, %dma_wait3A_359] : memref<50432x768xf32, #tpu.memory_space<hbm>> -> memref<50432x768xf32, #tpu.memory_space<hbm>>
    tpu.wait_indirect_dma semaphore(%arg12 : memref<!tpu.dma_semaphore, #tpu.memory_space<semaphore_mem>>) src(%dma_wait3A_360 : memref<50432x768xf32, #tpu.memory_space<hbm>>) dst(%arg8 : memref<24x768xf32, #tpu.memory_space<vmem>>)
    %add3A_361 = arith.constant 336 : i32
    %add3A_362 = arith.addi %mul3A_2, %add3A_361 : i32
    %dma_start3A_363 = arith.constant 0 : i32
    %dma_start3A_364 = tpu.memref_slice %arg4[%add3A_362, %dma_start3A_363] : memref<25344x768xf32, #tpu.memory_space<hbm>> -> memref<24x768xf32, #tpu.memory_space<hbm>>
    %dma_start3A_365 = arith.constant 0 : i32
    %dma_start3A_366 = tpu.memref_slice %arg4[%add3A_362, %dma_start3A_365] : memref<25344x768xf32, #tpu.memory_space<hbm>> -> memref<24x768xf32, #tpu.memory_space<hbm>>
    tpu.enqueue_dma source(%arg8 : memref<24x768xf32, #tpu.memory_space<vmem>>) target(%dma_start3A_366 : memref<24x768xf32, #tpu.memory_space<hbm>>) target_semaphore(%arg16 : memref<!tpu.dma_semaphore, #tpu.memory_space<semaphore_mem>>)
    %dma_wait3A_367 = arith.constant 0 : i32
    %dma_wait3A_368 = tpu.memref_slice %arg4[%add3A_338, %dma_wait3A_367] : memref<25344x768xf32, #tpu.memory_space<hbm>> -> memref<24x768xf32, #tpu.memory_space<hbm>>
    %dma_wait3A_369 = arith.constant 0 : i32
    %dma_wait3A_370 = tpu.memref_slice %arg4[%add3A_338, %dma_wait3A_369] : memref<25344x768xf32, #tpu.memory_space<hbm>> -> memref<24x768xf32, #tpu.memory_space<hbm>>
    tpu.wait_dma2 semaphore(%arg15 : memref<!tpu.dma_semaphore, #tpu.memory_space<semaphore_mem>>) src(%arg7 : memref<24x768xf32, #tpu.memory_space<vmem>>) dst(%dma_wait3A_370 : memref<24x768xf32, #tpu.memory_space<hbm>>)
    %dma_start3A_371 = arith.constant 17 : i32
    %dma_start3A_372 = arith.constant 0 : i32
    %dma_start3A_373 = tpu.memref_slice %arg5[%dma_start3A_371, %dma_start3A_372] : memref<33x24xi32, #tpu.memory_space<vmem>> -> memref<1x24xi32, #tpu.memory_space<vmem>>
    %dma_start3A_374 = tpu.memref_squeeze %dma_start3A_373 : memref<1x24xi32, #tpu.memory_space<vmem>> -> memref<24xi32, #tpu.memory_space<vmem>>
    %dma_start3A_375 = arith.constant 0 : i32
    %dma_start3A_376 = arith.constant 0 : i32
    %dma_start3A_377 = tpu.memref_slice %arg2[%dma_start3A_375, %dma_start3A_376] : memref<50432x768xf32, #tpu.memory_space<hbm>> -> memref<50432x768xf32, #tpu.memory_space<hbm>>
    tpu.enqueue_indirect_dma source(%dma_start3A_377 : memref<50432x768xf32, #tpu.memory_space<hbm>>) target(%arg7 : memref<24x768xf32, #tpu.memory_space<vmem>>) offsets(%dma_start3A_374 : memref<24xi32, #tpu.memory_space<vmem>>) semaphore(%arg11 : memref<!tpu.dma_semaphore, #tpu.memory_space<semaphore_mem>>)
    %dma_wait3A_378 = arith.constant 15 : i32
    %dma_wait3A_379 = arith.constant 0 : i32
    %dma_wait3A_380 = tpu.memref_slice %arg5[%dma_wait3A_378, %dma_wait3A_379] : memref<33x24xi32, #tpu.memory_space<vmem>> -> memref<1x24xi32, #tpu.memory_space<vmem>>
    %dma_wait3A_381 = tpu.memref_squeeze %dma_wait3A_380 : memref<1x24xi32, #tpu.memory_space<vmem>> -> memref<24xi32, #tpu.memory_space<vmem>>
    %dma_wait3A_382 = arith.constant 0 : i32
    %dma_wait3A_383 = arith.constant 0 : i32
    %dma_wait3A_384 = tpu.memref_slice %arg2[%dma_wait3A_382, %dma_wait3A_383] : memref<50432x768xf32, #tpu.memory_space<hbm>> -> memref<50432x768xf32, #tpu.memory_space<hbm>>
    tpu.wait_indirect_dma semaphore(%arg13 : memref<!tpu.dma_semaphore, #tpu.memory_space<semaphore_mem>>) src(%dma_wait3A_384 : memref<50432x768xf32, #tpu.memory_space<hbm>>) dst(%arg9 : memref<24x768xf32, #tpu.memory_space<vmem>>)
    %add3A_385 = arith.constant 360 : i32
    %add3A_386 = arith.addi %mul3A_2, %add3A_385 : i32
    %dma_start3A_387 = arith.constant 0 : i32
    %dma_start3A_388 = tpu.memref_slice %arg4[%add3A_386, %dma_start3A_387] : memref<25344x768xf32, #tpu.memory_space<hbm>> -> memref<24x768xf32, #tpu.memory_space<hbm>>
    %dma_start3A_389 = arith.constant 0 : i32
    %dma_start3A_390 = tpu.memref_slice %arg4[%add3A_386, %dma_start3A_389] : memref<25344x768xf32, #tpu.memory_space<hbm>> -> memref<24x768xf32, #tpu.memory_space<hbm>>
    tpu.enqueue_dma source(%arg9 : memref<24x768xf32, #tpu.memory_space<vmem>>) target(%dma_start3A_390 : memref<24x768xf32, #tpu.memory_space<hbm>>) target_semaphore(%arg17 : memref<!tpu.dma_semaphore, #tpu.memory_space<semaphore_mem>>)
    %dma_wait3A_391 = arith.constant 0 : i32
    %dma_wait3A_392 = tpu.memref_slice %arg4[%add3A_362, %dma_wait3A_391] : memref<25344x768xf32, #tpu.memory_space<hbm>> -> memref<24x768xf32, #tpu.memory_space<hbm>>
    %dma_wait3A_393 = arith.constant 0 : i32
    %dma_wait3A_394 = tpu.memref_slice %arg4[%add3A_362, %dma_wait3A_393] : memref<25344x768xf32, #tpu.memory_space<hbm>> -> memref<24x768xf32, #tpu.memory_space<hbm>>
    tpu.wait_dma2 semaphore(%arg16 : memref<!tpu.dma_semaphore, #tpu.memory_space<semaphore_mem>>) src(%arg8 : memref<24x768xf32, #tpu.memory_space<vmem>>) dst(%dma_wait3A_394 : memref<24x768xf32, #tpu.memory_space<hbm>>)
    %dma_start3A_395 = arith.constant 18 : i32
    %dma_start3A_396 = arith.constant 0 : i32
    %dma_start3A_397 = tpu.memref_slice %arg5[%dma_start3A_395, %dma_start3A_396] : memref<33x24xi32, #tpu.memory_space<vmem>> -> memref<1x24xi32, #tpu.memory_space<vmem>>
    %dma_start3A_398 = tpu.memref_squeeze %dma_start3A_397 : memref<1x24xi32, #tpu.memory_space<vmem>> -> memref<24xi32, #tpu.memory_space<vmem>>
    %dma_start3A_399 = arith.constant 0 : i32
    %dma_start3A_400 = arith.constant 0 : i32
    %dma_start3A_401 = tpu.memref_slice %arg2[%dma_start3A_399, %dma_start3A_400] : memref<50432x768xf32, #tpu.memory_space<hbm>> -> memref<50432x768xf32, #tpu.memory_space<hbm>>
    tpu.enqueue_indirect_dma source(%dma_start3A_401 : memref<50432x768xf32, #tpu.memory_space<hbm>>) target(%arg8 : memref<24x768xf32, #tpu.memory_space<vmem>>) offsets(%dma_start3A_398 : memref<24xi32, #tpu.memory_space<vmem>>) semaphore(%arg12 : memref<!tpu.dma_semaphore, #tpu.memory_space<semaphore_mem>>)
    %dma_wait3A_402 = arith.constant 16 : i32
    %dma_wait3A_403 = arith.constant 0 : i32
    %dma_wait3A_404 = tpu.memref_slice %arg5[%dma_wait3A_402, %dma_wait3A_403] : memref<33x24xi32, #tpu.memory_space<vmem>> -> memref<1x24xi32, #tpu.memory_space<vmem>>
    %dma_wait3A_405 = tpu.memref_squeeze %dma_wait3A_404 : memref<1x24xi32, #tpu.memory_space<vmem>> -> memref<24xi32, #tpu.memory_space<vmem>>
    %dma_wait3A_406 = arith.constant 0 : i32
    %dma_wait3A_407 = arith.constant 0 : i32
    %dma_wait3A_408 = tpu.memref_slice %arg2[%dma_wait3A_406, %dma_wait3A_407] : memref<50432x768xf32, #tpu.memory_space<hbm>> -> memref<50432x768xf32, #tpu.memory_space<hbm>>
    tpu.wait_indirect_dma semaphore(%arg10 : memref<!tpu.dma_semaphore, #tpu.memory_space<semaphore_mem>>) src(%dma_wait3A_408 : memref<50432x768xf32, #tpu.memory_space<hbm>>) dst(%arg6 : memref<24x768xf32, #tpu.memory_space<vmem>>)
    %add3A_409 = arith.constant 384 : i32
    %add3A_410 = arith.addi %mul3A_2, %add3A_409 : i32
    %dma_start3A_411 = arith.constant 0 : i32
    %dma_start3A_412 = tpu.memref_slice %arg4[%add3A_410, %dma_start3A_411] : memref<25344x768xf32, #tpu.memory_space<hbm>> -> memref<24x768xf32, #tpu.memory_space<hbm>>
    %dma_start3A_413 = arith.constant 0 : i32
    %dma_start3A_414 = tpu.memref_slice %arg4[%add3A_410, %dma_start3A_413] : memref<25344x768xf32, #tpu.memory_space<hbm>> -> memref<24x768xf32, #tpu.memory_space<hbm>>
    tpu.enqueue_dma source(%arg6 : memref<24x768xf32, #tpu.memory_space<vmem>>) target(%dma_start3A_414 : memref<24x768xf32, #tpu.memory_space<hbm>>) target_semaphore(%arg14 : memref<!tpu.dma_semaphore, #tpu.memory_space<semaphore_mem>>)
    %dma_wait3A_415 = arith.constant 0 : i32
    %dma_wait3A_416 = tpu.memref_slice %arg4[%add3A_386, %dma_wait3A_415] : memref<25344x768xf32, #tpu.memory_space<hbm>> -> memref<24x768xf32, #tpu.memory_space<hbm>>
    %dma_wait3A_417 = arith.constant 0 : i32
    %dma_wait3A_418 = tpu.memref_slice %arg4[%add3A_386, %dma_wait3A_417] : memref<25344x768xf32, #tpu.memory_space<hbm>> -> memref<24x768xf32, #tpu.memory_space<hbm>>
    tpu.wait_dma2 semaphore(%arg17 : memref<!tpu.dma_semaphore, #tpu.memory_space<semaphore_mem>>) src(%arg9 : memref<24x768xf32, #tpu.memory_space<vmem>>) dst(%dma_wait3A_418 : memref<24x768xf32, #tpu.memory_space<hbm>>)
    %dma_start3A_419 = arith.constant 19 : i32
    %dma_start3A_420 = arith.constant 0 : i32
    %dma_start3A_421 = tpu.memref_slice %arg5[%dma_start3A_419, %dma_start3A_420] : memref<33x24xi32, #tpu.memory_space<vmem>> -> memref<1x24xi32, #tpu.memory_space<vmem>>
    %dma_start3A_422 = tpu.memref_squeeze %dma_start3A_421 : memref<1x24xi32, #tpu.memory_space<vmem>> -> memref<24xi32, #tpu.memory_space<vmem>>
    %dma_start3A_423 = arith.constant 0 : i32
    %dma_start3A_424 = arith.constant 0 : i32
    %dma_start3A_425 = tpu.memref_slice %arg2[%dma_start3A_423, %dma_start3A_424] : memref<50432x768xf32, #tpu.memory_space<hbm>> -> memref<50432x768xf32, #tpu.memory_space<hbm>>
    tpu.enqueue_indirect_dma source(%dma_start3A_425 : memref<50432x768xf32, #tpu.memory_space<hbm>>) target(%arg9 : memref<24x768xf32, #tpu.memory_space<vmem>>) offsets(%dma_start3A_422 : memref<24xi32, #tpu.memory_space<vmem>>) semaphore(%arg13 : memref<!tpu.dma_semaphore, #tpu.memory_space<semaphore_mem>>)
    %dma_wait3A_426 = arith.constant 17 : i32
    %dma_wait3A_427 = arith.constant 0 : i32
    %dma_wait3A_428 = tpu.memref_slice %arg5[%dma_wait3A_426, %dma_wait3A_427] : memref<33x24xi32, #tpu.memory_space<vmem>> -> memref<1x24xi32, #tpu.memory_space<vmem>>
    %dma_wait3A_429 = tpu.memref_squeeze %dma_wait3A_428 : memref<1x24xi32, #tpu.memory_space<vmem>> -> memref<24xi32, #tpu.memory_space<vmem>>
    %dma_wait3A_430 = arith.constant 0 : i32
    %dma_wait3A_431 = arith.constant 0 : i32
    %dma_wait3A_432 = tpu.memref_slice %arg2[%dma_wait3A_430, %dma_wait3A_431] : memref<50432x768xf32, #tpu.memory_space<hbm>> -> memref<50432x768xf32, #tpu.memory_space<hbm>>
    tpu.wait_indirect_dma semaphore(%arg11 : memref<!tpu.dma_semaphore, #tpu.memory_space<semaphore_mem>>) src(%dma_wait3A_432 : memref<50432x768xf32, #tpu.memory_space<hbm>>) dst(%arg7 : memref<24x768xf32, #tpu.memory_space<vmem>>)
    %add3A_433 = arith.constant 408 : i32
    %add3A_434 = arith.addi %mul3A_2, %add3A_433 : i32
    %dma_start3A_435 = arith.constant 0 : i32
    %dma_start3A_436 = tpu.memref_slice %arg4[%add3A_434, %dma_start3A_435] : memref<25344x768xf32, #tpu.memory_space<hbm>> -> memref<24x768xf32, #tpu.memory_space<hbm>>
    %dma_start3A_437 = arith.constant 0 : i32
    %dma_start3A_438 = tpu.memref_slice %arg4[%add3A_434, %dma_start3A_437] : memref<25344x768xf32, #tpu.memory_space<hbm>> -> memref<24x768xf32, #tpu.memory_space<hbm>>
    tpu.enqueue_dma source(%arg7 : memref<24x768xf32, #tpu.memory_space<vmem>>) target(%dma_start3A_438 : memref<24x768xf32, #tpu.memory_space<hbm>>) target_semaphore(%arg15 : memref<!tpu.dma_semaphore, #tpu.memory_space<semaphore_mem>>)
    %dma_wait3A_439 = arith.constant 0 : i32
    %dma_wait3A_440 = tpu.memref_slice %arg4[%add3A_410, %dma_wait3A_439] : memref<25344x768xf32, #tpu.memory_space<hbm>> -> memref<24x768xf32, #tpu.memory_space<hbm>>
    %dma_wait3A_441 = arith.constant 0 : i32
    %dma_wait3A_442 = tpu.memref_slice %arg4[%add3A_410, %dma_wait3A_441] : memref<25344x768xf32, #tpu.memory_space<hbm>> -> memref<24x768xf32, #tpu.memory_space<hbm>>
    tpu.wait_dma2 semaphore(%arg14 : memref<!tpu.dma_semaphore, #tpu.memory_space<semaphore_mem>>) src(%arg6 : memref<24x768xf32, #tpu.memory_space<vmem>>) dst(%dma_wait3A_442 : memref<24x768xf32, #tpu.memory_space<hbm>>)
    %dma_start3A_443 = arith.constant 20 : i32
    %dma_start3A_444 = arith.constant 0 : i32
    %dma_start3A_445 = tpu.memref_slice %arg5[%dma_start3A_443, %dma_start3A_444] : memref<33x24xi32, #tpu.memory_space<vmem>> -> memref<1x24xi32, #tpu.memory_space<vmem>>
    %dma_start3A_446 = tpu.memref_squeeze %dma_start3A_445 : memref<1x24xi32, #tpu.memory_space<vmem>> -> memref<24xi32, #tpu.memory_space<vmem>>
    %dma_start3A_447 = arith.constant 0 : i32
    %dma_start3A_448 = arith.constant 0 : i32
    %dma_start3A_449 = tpu.memref_slice %arg2[%dma_start3A_447, %dma_start3A_448] : memref<50432x768xf32, #tpu.memory_space<hbm>> -> memref<50432x768xf32, #tpu.memory_space<hbm>>
    tpu.enqueue_indirect_dma source(%dma_start3A_449 : memref<50432x768xf32, #tpu.memory_space<hbm>>) target(%arg6 : memref<24x768xf32, #tpu.memory_space<vmem>>) offsets(%dma_start3A_446 : memref<24xi32, #tpu.memory_space<vmem>>) semaphore(%arg10 : memref<!tpu.dma_semaphore, #tpu.memory_space<semaphore_mem>>)
    %dma_wait3A_450 = arith.constant 18 : i32
    %dma_wait3A_451 = arith.constant 0 : i32
    %dma_wait3A_452 = tpu.memref_slice %arg5[%dma_wait3A_450, %dma_wait3A_451] : memref<33x24xi32, #tpu.memory_space<vmem>> -> memref<1x24xi32, #tpu.memory_space<vmem>>
    %dma_wait3A_453 = tpu.memref_squeeze %dma_wait3A_452 : memref<1x24xi32, #tpu.memory_space<vmem>> -> memref<24xi32, #tpu.memory_space<vmem>>
    %dma_wait3A_454 = arith.constant 0 : i32
    %dma_wait3A_455 = arith.constant 0 : i32
    %dma_wait3A_456 = tpu.memref_slice %arg2[%dma_wait3A_454, %dma_wait3A_455] : memref<50432x768xf32, #tpu.memory_space<hbm>> -> memref<50432x768xf32, #tpu.memory_space<hbm>>
    tpu.wait_indirect_dma semaphore(%arg12 : memref<!tpu.dma_semaphore, #tpu.memory_space<semaphore_mem>>) src(%dma_wait3A_456 : memref<50432x768xf32, #tpu.memory_space<hbm>>) dst(%arg8 : memref<24x768xf32, #tpu.memory_space<vmem>>)
    %add3A_457 = arith.constant 432 : i32
    %add3A_458 = arith.addi %mul3A_2, %add3A_457 : i32
    %dma_start3A_459 = arith.constant 0 : i32
    %dma_start3A_460 = tpu.memref_slice %arg4[%add3A_458, %dma_start3A_459] : memref<25344x768xf32, #tpu.memory_space<hbm>> -> memref<24x768xf32, #tpu.memory_space<hbm>>
    %dma_start3A_461 = arith.constant 0 : i32
    %dma_start3A_462 = tpu.memref_slice %arg4[%add3A_458, %dma_start3A_461] : memref<25344x768xf32, #tpu.memory_space<hbm>> -> memref<24x768xf32, #tpu.memory_space<hbm>>
    tpu.enqueue_dma source(%arg8 : memref<24x768xf32, #tpu.memory_space<vmem>>) target(%dma_start3A_462 : memref<24x768xf32, #tpu.memory_space<hbm>>) target_semaphore(%arg16 : memref<!tpu.dma_semaphore, #tpu.memory_space<semaphore_mem>>)
    %dma_wait3A_463 = arith.constant 0 : i32
    %dma_wait3A_464 = tpu.memref_slice %arg4[%add3A_434, %dma_wait3A_463] : memref<25344x768xf32, #tpu.memory_space<hbm>> -> memref<24x768xf32, #tpu.memory_space<hbm>>
    %dma_wait3A_465 = arith.constant 0 : i32
    %dma_wait3A_466 = tpu.memref_slice %arg4[%add3A_434, %dma_wait3A_465] : memref<25344x768xf32, #tpu.memory_space<hbm>> -> memref<24x768xf32, #tpu.memory_space<hbm>>
    tpu.wait_dma2 semaphore(%arg15 : memref<!tpu.dma_semaphore, #tpu.memory_space<semaphore_mem>>) src(%arg7 : memref<24x768xf32, #tpu.memory_space<vmem>>) dst(%dma_wait3A_466 : memref<24x768xf32, #tpu.memory_space<hbm>>)
    %dma_start3A_467 = arith.constant 21 : i32
    %dma_start3A_468 = arith.constant 0 : i32
    %dma_start3A_469 = tpu.memref_slice %arg5[%dma_start3A_467, %dma_start3A_468] : memref<33x24xi32, #tpu.memory_space<vmem>> -> memref<1x24xi32, #tpu.memory_space<vmem>>
    %dma_start3A_470 = tpu.memref_squeeze %dma_start3A_469 : memref<1x24xi32, #tpu.memory_space<vmem>> -> memref<24xi32, #tpu.memory_space<vmem>>
    %dma_start3A_471 = arith.constant 0 : i32
    %dma_start3A_472 = arith.constant 0 : i32
    %dma_start3A_473 = tpu.memref_slice %arg2[%dma_start3A_471, %dma_start3A_472] : memref<50432x768xf32, #tpu.memory_space<hbm>> -> memref<50432x768xf32, #tpu.memory_space<hbm>>
    tpu.enqueue_indirect_dma source(%dma_start3A_473 : memref<50432x768xf32, #tpu.memory_space<hbm>>) target(%arg7 : memref<24x768xf32, #tpu.memory_space<vmem>>) offsets(%dma_start3A_470 : memref<24xi32, #tpu.memory_space<vmem>>) semaphore(%arg11 : memref<!tpu.dma_semaphore, #tpu.memory_space<semaphore_mem>>)
    %dma_wait3A_474 = arith.constant 19 : i32
    %dma_wait3A_475 = arith.constant 0 : i32
    %dma_wait3A_476 = tpu.memref_slice %arg5[%dma_wait3A_474, %dma_wait3A_475] : memref<33x24xi32, #tpu.memory_space<vmem>> -> memref<1x24xi32, #tpu.memory_space<vmem>>
    %dma_wait3A_477 = tpu.memref_squeeze %dma_wait3A_476 : memref<1x24xi32, #tpu.memory_space<vmem>> -> memref<24xi32, #tpu.memory_space<vmem>>
    %dma_wait3A_478 = arith.constant 0 : i32
    %dma_wait3A_479 = arith.constant 0 : i32
    %dma_wait3A_480 = tpu.memref_slice %arg2[%dma_wait3A_478, %dma_wait3A_479] : memref<50432x768xf32, #tpu.memory_space<hbm>> -> memref<50432x768xf32, #tpu.memory_space<hbm>>
    tpu.wait_indirect_dma semaphore(%arg13 : memref<!tpu.dma_semaphore, #tpu.memory_space<semaphore_mem>>) src(%dma_wait3A_480 : memref<50432x768xf32, #tpu.memory_space<hbm>>) dst(%arg9 : memref<24x768xf32, #tpu.memory_space<vmem>>)
    %add3A_481 = arith.constant 456 : i32
    %add3A_482 = arith.addi %mul3A_2, %add3A_481 : i32
    %dma_start3A_483 = arith.constant 0 : i32
    %dma_start3A_484 = tpu.memref_slice %arg4[%add3A_482, %dma_start3A_483] : memref<25344x768xf32, #tpu.memory_space<hbm>> -> memref<24x768xf32, #tpu.memory_space<hbm>>
    %dma_start3A_485 = arith.constant 0 : i32
    %dma_start3A_486 = tpu.memref_slice %arg4[%add3A_482, %dma_start3A_485] : memref<25344x768xf32, #tpu.memory_space<hbm>> -> memref<24x768xf32, #tpu.memory_space<hbm>>
    tpu.enqueue_dma source(%arg9 : memref<24x768xf32, #tpu.memory_space<vmem>>) target(%dma_start3A_486 : memref<24x768xf32, #tpu.memory_space<hbm>>) target_semaphore(%arg17 : memref<!tpu.dma_semaphore, #tpu.memory_space<semaphore_mem>>)
    %dma_wait3A_487 = arith.constant 0 : i32
    %dma_wait3A_488 = tpu.memref_slice %arg4[%add3A_458, %dma_wait3A_487] : memref<25344x768xf32, #tpu.memory_space<hbm>> -> memref<24x768xf32, #tpu.memory_space<hbm>>
    %dma_wait3A_489 = arith.constant 0 : i32
    %dma_wait3A_490 = tpu.memref_slice %arg4[%add3A_458, %dma_wait3A_489] : memref<25344x768xf32, #tpu.memory_space<hbm>> -> memref<24x768xf32, #tpu.memory_space<hbm>>
    tpu.wait_dma2 semaphore(%arg16 : memref<!tpu.dma_semaphore, #tpu.memory_space<semaphore_mem>>) src(%arg8 : memref<24x768xf32, #tpu.memory_space<vmem>>) dst(%dma_wait3A_490 : memref<24x768xf32, #tpu.memory_space<hbm>>)
    %dma_start3A_491 = arith.constant 22 : i32
    %dma_start3A_492 = arith.constant 0 : i32
    %dma_start3A_493 = tpu.memref_slice %arg5[%dma_start3A_491, %dma_start3A_492] : memref<33x24xi32, #tpu.memory_space<vmem>> -> memref<1x24xi32, #tpu.memory_space<vmem>>
    %dma_start3A_494 = tpu.memref_squeeze %dma_start3A_493 : memref<1x24xi32, #tpu.memory_space<vmem>> -> memref<24xi32, #tpu.memory_space<vmem>>
    %dma_start3A_495 = arith.constant 0 : i32
    %dma_start3A_496 = arith.constant 0 : i32
    %dma_start3A_497 = tpu.memref_slice %arg2[%dma_start3A_495, %dma_start3A_496] : memref<50432x768xf32, #tpu.memory_space<hbm>> -> memref<50432x768xf32, #tpu.memory_space<hbm>>
    tpu.enqueue_indirect_dma source(%dma_start3A_497 : memref<50432x768xf32, #tpu.memory_space<hbm>>) target(%arg8 : memref<24x768xf32, #tpu.memory_space<vmem>>) offsets(%dma_start3A_494 : memref<24xi32, #tpu.memory_space<vmem>>) semaphore(%arg12 : memref<!tpu.dma_semaphore, #tpu.memory_space<semaphore_mem>>)
    %dma_wait3A_498 = arith.constant 20 : i32
    %dma_wait3A_499 = arith.constant 0 : i32
    %dma_wait3A_500 = tpu.memref_slice %arg5[%dma_wait3A_498, %dma_wait3A_499] : memref<33x24xi32, #tpu.memory_space<vmem>> -> memref<1x24xi32, #tpu.memory_space<vmem>>
    %dma_wait3A_501 = tpu.memref_squeeze %dma_wait3A_500 : memref<1x24xi32, #tpu.memory_space<vmem>> -> memref<24xi32, #tpu.memory_space<vmem>>
    %dma_wait3A_502 = arith.constant 0 : i32
    %dma_wait3A_503 = arith.constant 0 : i32
    %dma_wait3A_504 = tpu.memref_slice %arg2[%dma_wait3A_502, %dma_wait3A_503] : memref<50432x768xf32, #tpu.memory_space<hbm>> -> memref<50432x768xf32, #tpu.memory_space<hbm>>
    tpu.wait_indirect_dma semaphore(%arg10 : memref<!tpu.dma_semaphore, #tpu.memory_space<semaphore_mem>>) src(%dma_wait3A_504 : memref<50432x768xf32, #tpu.memory_space<hbm>>) dst(%arg6 : memref<24x768xf32, #tpu.memory_space<vmem>>)
    %add3A_505 = arith.constant 480 : i32
    %add3A_506 = arith.addi %mul3A_2, %add3A_505 : i32
    %dma_start3A_507 = arith.constant 0 : i32
    %dma_start3A_508 = tpu.memref_slice %arg4[%add3A_506, %dma_start3A_507] : memref<25344x768xf32, #tpu.memory_space<hbm>> -> memref<24x768xf32, #tpu.memory_space<hbm>>
    %dma_start3A_509 = arith.constant 0 : i32
    %dma_start3A_510 = tpu.memref_slice %arg4[%add3A_506, %dma_start3A_509] : memref<25344x768xf32, #tpu.memory_space<hbm>> -> memref<24x768xf32, #tpu.memory_space<hbm>>
    tpu.enqueue_dma source(%arg6 : memref<24x768xf32, #tpu.memory_space<vmem>>) target(%dma_start3A_510 : memref<24x768xf32, #tpu.memory_space<hbm>>) target_semaphore(%arg14 : memref<!tpu.dma_semaphore, #tpu.memory_space<semaphore_mem>>)
    %dma_wait3A_511 = arith.constant 0 : i32
    %dma_wait3A_512 = tpu.memref_slice %arg4[%add3A_482, %dma_wait3A_511] : memref<25344x768xf32, #tpu.memory_space<hbm>> -> memref<24x768xf32, #tpu.memory_space<hbm>>
    %dma_wait3A_513 = arith.constant 0 : i32
    %dma_wait3A_514 = tpu.memref_slice %arg4[%add3A_482, %dma_wait3A_513] : memref<25344x768xf32, #tpu.memory_space<hbm>> -> memref<24x768xf32, #tpu.memory_space<hbm>>
    tpu.wait_dma2 semaphore(%arg17 : memref<!tpu.dma_semaphore, #tpu.memory_space<semaphore_mem>>) src(%arg9 : memref<24x768xf32, #tpu.memory_space<vmem>>) dst(%dma_wait3A_514 : memref<24x768xf32, #tpu.memory_space<hbm>>)
    %dma_start3A_515 = arith.constant 23 : i32
    %dma_start3A_516 = arith.constant 0 : i32
    %dma_start3A_517 = tpu.memref_slice %arg5[%dma_start3A_515, %dma_start3A_516] : memref<33x24xi32, #tpu.memory_space<vmem>> -> memref<1x24xi32, #tpu.memory_space<vmem>>
    %dma_start3A_518 = tpu.memref_squeeze %dma_start3A_517 : memref<1x24xi32, #tpu.memory_space<vmem>> -> memref<24xi32, #tpu.memory_space<vmem>>
    %dma_start3A_519 = arith.constant 0 : i32
    %dma_start3A_520 = arith.constant 0 : i32
    %dma_start3A_521 = tpu.memref_slice %arg2[%dma_start3A_519, %dma_start3A_520] : memref<50432x768xf32, #tpu.memory_space<hbm>> -> memref<50432x768xf32, #tpu.memory_space<hbm>>
    tpu.enqueue_indirect_dma source(%dma_start3A_521 : memref<50432x768xf32, #tpu.memory_space<hbm>>) target(%arg9 : memref<24x768xf32, #tpu.memory_space<vmem>>) offsets(%dma_start3A_518 : memref<24xi32, #tpu.memory_space<vmem>>) semaphore(%arg13 : memref<!tpu.dma_semaphore, #tpu.memory_space<semaphore_mem>>)
    %dma_wait3A_522 = arith.constant 21 : i32
    %dma_wait3A_523 = arith.constant 0 : i32
    %dma_wait3A_524 = tpu.memref_slice %arg5[%dma_wait3A_522, %dma_wait3A_523] : memref<33x24xi32, #tpu.memory_space<vmem>> -> memref<1x24xi32, #tpu.memory_space<vmem>>
    %dma_wait3A_525 = tpu.memref_squeeze %dma_wait3A_524 : memref<1x24xi32, #tpu.memory_space<vmem>> -> memref<24xi32, #tpu.memory_space<vmem>>
    %dma_wait3A_526 = arith.constant 0 : i32
    %dma_wait3A_527 = arith.constant 0 : i32
    %dma_wait3A_528 = tpu.memref_slice %arg2[%dma_wait3A_526, %dma_wait3A_527] : memref<50432x768xf32, #tpu.memory_space<hbm>> -> memref<50432x768xf32, #tpu.memory_space<hbm>>
    tpu.wait_indirect_dma semaphore(%arg11 : memref<!tpu.dma_semaphore, #tpu.memory_space<semaphore_mem>>) src(%dma_wait3A_528 : memref<50432x768xf32, #tpu.memory_space<hbm>>) dst(%arg7 : memref<24x768xf32, #tpu.memory_space<vmem>>)
    %add3A_529 = arith.constant 504 : i32
    %add3A_530 = arith.addi %mul3A_2, %add3A_529 : i32
    %dma_start3A_531 = arith.constant 0 : i32
    %dma_start3A_532 = tpu.memref_slice %arg4[%add3A_530, %dma_start3A_531] : memref<25344x768xf32, #tpu.memory_space<hbm>> -> memref<24x768xf32, #tpu.memory_space<hbm>>
    %dma_start3A_533 = arith.constant 0 : i32
    %dma_start3A_534 = tpu.memref_slice %arg4[%add3A_530, %dma_start3A_533] : memref<25344x768xf32, #tpu.memory_space<hbm>> -> memref<24x768xf32, #tpu.memory_space<hbm>>
    tpu.enqueue_dma source(%arg7 : memref<24x768xf32, #tpu.memory_space<vmem>>) target(%dma_start3A_534 : memref<24x768xf32, #tpu.memory_space<hbm>>) target_semaphore(%arg15 : memref<!tpu.dma_semaphore, #tpu.memory_space<semaphore_mem>>)
    %dma_wait3A_535 = arith.constant 0 : i32
    %dma_wait3A_536 = tpu.memref_slice %arg4[%add3A_506, %dma_wait3A_535] : memref<25344x768xf32, #tpu.memory_space<hbm>> -> memref<24x768xf32, #tpu.memory_space<hbm>>
    %dma_wait3A_537 = arith.constant 0 : i32
    %dma_wait3A_538 = tpu.memref_slice %arg4[%add3A_506, %dma_wait3A_537] : memref<25344x768xf32, #tpu.memory_space<hbm>> -> memref<24x768xf32, #tpu.memory_space<hbm>>
    tpu.wait_dma2 semaphore(%arg14 : memref<!tpu.dma_semaphore, #tpu.memory_space<semaphore_mem>>) src(%arg6 : memref<24x768xf32, #tpu.memory_space<vmem>>) dst(%dma_wait3A_538 : memref<24x768xf32, #tpu.memory_space<hbm>>)
    %dma_start3A_539 = arith.constant 24 : i32
    %dma_start3A_540 = arith.constant 0 : i32
    %dma_start3A_541 = tpu.memref_slice %arg5[%dma_start3A_539, %dma_start3A_540] : memref<33x24xi32, #tpu.memory_space<vmem>> -> memref<1x24xi32, #tpu.memory_space<vmem>>
    %dma_start3A_542 = tpu.memref_squeeze %dma_start3A_541 : memref<1x24xi32, #tpu.memory_space<vmem>> -> memref<24xi32, #tpu.memory_space<vmem>>
    %dma_start3A_543 = arith.constant 0 : i32
    %dma_start3A_544 = arith.constant 0 : i32
    %dma_start3A_545 = tpu.memref_slice %arg2[%dma_start3A_543, %dma_start3A_544] : memref<50432x768xf32, #tpu.memory_space<hbm>> -> memref<50432x768xf32, #tpu.memory_space<hbm>>
    tpu.enqueue_indirect_dma source(%dma_start3A_545 : memref<50432x768xf32, #tpu.memory_space<hbm>>) target(%arg6 : memref<24x768xf32, #tpu.memory_space<vmem>>) offsets(%dma_start3A_542 : memref<24xi32, #tpu.memory_space<vmem>>) semaphore(%arg10 : memref<!tpu.dma_semaphore, #tpu.memory_space<semaphore_mem>>)
    %dma_wait3A_546 = arith.constant 22 : i32
    %dma_wait3A_547 = arith.constant 0 : i32
    %dma_wait3A_548 = tpu.memref_slice %arg5[%dma_wait3A_546, %dma_wait3A_547] : memref<33x24xi32, #tpu.memory_space<vmem>> -> memref<1x24xi32, #tpu.memory_space<vmem>>
    %dma_wait3A_549 = tpu.memref_squeeze %dma_wait3A_548 : memref<1x24xi32, #tpu.memory_space<vmem>> -> memref<24xi32, #tpu.memory_space<vmem>>
    %dma_wait3A_550 = arith.constant 0 : i32
    %dma_wait3A_551 = arith.constant 0 : i32
    %dma_wait3A_552 = tpu.memref_slice %arg2[%dma_wait3A_550, %dma_wait3A_551] : memref<50432x768xf32, #tpu.memory_space<hbm>> -> memref<50432x768xf32, #tpu.memory_space<hbm>>
    tpu.wait_indirect_dma semaphore(%arg12 : memref<!tpu.dma_semaphore, #tpu.memory_space<semaphore_mem>>) src(%dma_wait3A_552 : memref<50432x768xf32, #tpu.memory_space<hbm>>) dst(%arg8 : memref<24x768xf32, #tpu.memory_space<vmem>>)
    %add3A_553 = arith.constant 528 : i32
    %add3A_554 = arith.addi %mul3A_2, %add3A_553 : i32
    %dma_start3A_555 = arith.constant 0 : i32
    %dma_start3A_556 = tpu.memref_slice %arg4[%add3A_554, %dma_start3A_555] : memref<25344x768xf32, #tpu.memory_space<hbm>> -> memref<24x768xf32, #tpu.memory_space<hbm>>
    %dma_start3A_557 = arith.constant 0 : i32
    %dma_start3A_558 = tpu.memref_slice %arg4[%add3A_554, %dma_start3A_557] : memref<25344x768xf32, #tpu.memory_space<hbm>> -> memref<24x768xf32, #tpu.memory_space<hbm>>
    tpu.enqueue_dma source(%arg8 : memref<24x768xf32, #tpu.memory_space<vmem>>) target(%dma_start3A_558 : memref<24x768xf32, #tpu.memory_space<hbm>>) target_semaphore(%arg16 : memref<!tpu.dma_semaphore, #tpu.memory_space<semaphore_mem>>)
    %dma_wait3A_559 = arith.constant 0 : i32
    %dma_wait3A_560 = tpu.memref_slice %arg4[%add3A_530, %dma_wait3A_559] : memref<25344x768xf32, #tpu.memory_space<hbm>> -> memref<24x768xf32, #tpu.memory_space<hbm>>
    %dma_wait3A_561 = arith.constant 0 : i32
    %dma_wait3A_562 = tpu.memref_slice %arg4[%add3A_530, %dma_wait3A_561] : memref<25344x768xf32, #tpu.memory_space<hbm>> -> memref<24x768xf32, #tpu.memory_space<hbm>>
    tpu.wait_dma2 semaphore(%arg15 : memref<!tpu.dma_semaphore, #tpu.memory_space<semaphore_mem>>) src(%arg7 : memref<24x768xf32, #tpu.memory_space<vmem>>) dst(%dma_wait3A_562 : memref<24x768xf32, #tpu.memory_space<hbm>>)
    %dma_start3A_563 = arith.constant 25 : i32
    %dma_start3A_564 = arith.constant 0 : i32
    %dma_start3A_565 = tpu.memref_slice %arg5[%dma_start3A_563, %dma_start3A_564] : memref<33x24xi32, #tpu.memory_space<vmem>> -> memref<1x24xi32, #tpu.memory_space<vmem>>
    %dma_start3A_566 = tpu.memref_squeeze %dma_start3A_565 : memref<1x24xi32, #tpu.memory_space<vmem>> -> memref<24xi32, #tpu.memory_space<vmem>>
    %dma_start3A_567 = arith.constant 0 : i32
    %dma_start3A_568 = arith.constant 0 : i32
    %dma_start3A_569 = tpu.memref_slice %arg2[%dma_start3A_567, %dma_start3A_568] : memref<50432x768xf32, #tpu.memory_space<hbm>> -> memref<50432x768xf32, #tpu.memory_space<hbm>>
    tpu.enqueue_indirect_dma source(%dma_start3A_569 : memref<50432x768xf32, #tpu.memory_space<hbm>>) target(%arg7 : memref<24x768xf32, #tpu.memory_space<vmem>>) offsets(%dma_start3A_566 : memref<24xi32, #tpu.memory_space<vmem>>) semaphore(%arg11 : memref<!tpu.dma_semaphore, #tpu.memory_space<semaphore_mem>>)
    %dma_wait3A_570 = arith.constant 23 : i32
    %dma_wait3A_571 = arith.constant 0 : i32
    %dma_wait3A_572 = tpu.memref_slice %arg5[%dma_wait3A_570, %dma_wait3A_571] : memref<33x24xi32, #tpu.memory_space<vmem>> -> memref<1x24xi32, #tpu.memory_space<vmem>>
    %dma_wait3A_573 = tpu.memref_squeeze %dma_wait3A_572 : memref<1x24xi32, #tpu.memory_space<vmem>> -> memref<24xi32, #tpu.memory_space<vmem>>
    %dma_wait3A_574 = arith.constant 0 : i32
    %dma_wait3A_575 = arith.constant 0 : i32
    %dma_wait3A_576 = tpu.memref_slice %arg2[%dma_wait3A_574, %dma_wait3A_575] : memref<50432x768xf32, #tpu.memory_space<hbm>> -> memref<50432x768xf32, #tpu.memory_space<hbm>>
    tpu.wait_indirect_dma semaphore(%arg13 : memref<!tpu.dma_semaphore, #tpu.memory_space<semaphore_mem>>) src(%dma_wait3A_576 : memref<50432x768xf32, #tpu.memory_space<hbm>>) dst(%arg9 : memref<24x768xf32, #tpu.memory_space<vmem>>)
    %add3A_577 = arith.constant 552 : i32
    %add3A_578 = arith.addi %mul3A_2, %add3A_577 : i32
    %dma_start3A_579 = arith.constant 0 : i32
    %dma_start3A_580 = tpu.memref_slice %arg4[%add3A_578, %dma_start3A_579] : memref<25344x768xf32, #tpu.memory_space<hbm>> -> memref<24x768xf32, #tpu.memory_space<hbm>>
    %dma_start3A_581 = arith.constant 0 : i32
    %dma_start3A_582 = tpu.memref_slice %arg4[%add3A_578, %dma_start3A_581] : memref<25344x768xf32, #tpu.memory_space<hbm>> -> memref<24x768xf32, #tpu.memory_space<hbm>>
    tpu.enqueue_dma source(%arg9 : memref<24x768xf32, #tpu.memory_space<vmem>>) target(%dma_start3A_582 : memref<24x768xf32, #tpu.memory_space<hbm>>) target_semaphore(%arg17 : memref<!tpu.dma_semaphore, #tpu.memory_space<semaphore_mem>>)
    %dma_wait3A_583 = arith.constant 0 : i32
    %dma_wait3A_584 = tpu.memref_slice %arg4[%add3A_554, %dma_wait3A_583] : memref<25344x768xf32, #tpu.memory_space<hbm>> -> memref<24x768xf32, #tpu.memory_space<hbm>>
    %dma_wait3A_585 = arith.constant 0 : i32
    %dma_wait3A_586 = tpu.memref_slice %arg4[%add3A_554, %dma_wait3A_585] : memref<25344x768xf32, #tpu.memory_space<hbm>> -> memref<24x768xf32, #tpu.memory_space<hbm>>
    tpu.wait_dma2 semaphore(%arg16 : memref<!tpu.dma_semaphore, #tpu.memory_space<semaphore_mem>>) src(%arg8 : memref<24x768xf32, #tpu.memory_space<vmem>>) dst(%dma_wait3A_586 : memref<24x768xf32, #tpu.memory_space<hbm>>)
    %dma_start3A_587 = arith.constant 26 : i32
    %dma_start3A_588 = arith.constant 0 : i32
    %dma_start3A_589 = tpu.memref_slice %arg5[%dma_start3A_587, %dma_start3A_588] : memref<33x24xi32, #tpu.memory_space<vmem>> -> memref<1x24xi32, #tpu.memory_space<vmem>>
    %dma_start3A_590 = tpu.memref_squeeze %dma_start3A_589 : memref<1x24xi32, #tpu.memory_space<vmem>> -> memref<24xi32, #tpu.memory_space<vmem>>
    %dma_start3A_591 = arith.constant 0 : i32
    %dma_start3A_592 = arith.constant 0 : i32
    %dma_start3A_593 = tpu.memref_slice %arg2[%dma_start3A_591, %dma_start3A_592] : memref<50432x768xf32, #tpu.memory_space<hbm>> -> memref<50432x768xf32, #tpu.memory_space<hbm>>
    tpu.enqueue_indirect_dma source(%dma_start3A_593 : memref<50432x768xf32, #tpu.memory_space<hbm>>) target(%arg8 : memref<24x768xf32, #tpu.memory_space<vmem>>) offsets(%dma_start3A_590 : memref<24xi32, #tpu.memory_space<vmem>>) semaphore(%arg12 : memref<!tpu.dma_semaphore, #tpu.memory_space<semaphore_mem>>)
    %dma_wait3A_594 = arith.constant 24 : i32
    %dma_wait3A_595 = arith.constant 0 : i32
    %dma_wait3A_596 = tpu.memref_slice %arg5[%dma_wait3A_594, %dma_wait3A_595] : memref<33x24xi32, #tpu.memory_space<vmem>> -> memref<1x24xi32, #tpu.memory_space<vmem>>
    %dma_wait3A_597 = tpu.memref_squeeze %dma_wait3A_596 : memref<1x24xi32, #tpu.memory_space<vmem>> -> memref<24xi32, #tpu.memory_space<vmem>>
    %dma_wait3A_598 = arith.constant 0 : i32
    %dma_wait3A_599 = arith.constant 0 : i32
    %dma_wait3A_600 = tpu.memref_slice %arg2[%dma_wait3A_598, %dma_wait3A_599] : memref<50432x768xf32, #tpu.memory_space<hbm>> -> memref<50432x768xf32, #tpu.memory_space<hbm>>
    tpu.wait_indirect_dma semaphore(%arg10 : memref<!tpu.dma_semaphore, #tpu.memory_space<semaphore_mem>>) src(%dma_wait3A_600 : memref<50432x768xf32, #tpu.memory_space<hbm>>) dst(%arg6 : memref<24x768xf32, #tpu.memory_space<vmem>>)
    %add3A_601 = arith.constant 576 : i32
    %add3A_602 = arith.addi %mul3A_2, %add3A_601 : i32
    %dma_start3A_603 = arith.constant 0 : i32
    %dma_start3A_604 = tpu.memref_slice %arg4[%add3A_602, %dma_start3A_603] : memref<25344x768xf32, #tpu.memory_space<hbm>> -> memref<24x768xf32, #tpu.memory_space<hbm>>
    %dma_start3A_605 = arith.constant 0 : i32
    %dma_start3A_606 = tpu.memref_slice %arg4[%add3A_602, %dma_start3A_605] : memref<25344x768xf32, #tpu.memory_space<hbm>> -> memref<24x768xf32, #tpu.memory_space<hbm>>
    tpu.enqueue_dma source(%arg6 : memref<24x768xf32, #tpu.memory_space<vmem>>) target(%dma_start3A_606 : memref<24x768xf32, #tpu.memory_space<hbm>>) target_semaphore(%arg14 : memref<!tpu.dma_semaphore, #tpu.memory_space<semaphore_mem>>)
    %dma_wait3A_607 = arith.constant 0 : i32
    %dma_wait3A_608 = tpu.memref_slice %arg4[%add3A_578, %dma_wait3A_607] : memref<25344x768xf32, #tpu.memory_space<hbm>> -> memref<24x768xf32, #tpu.memory_space<hbm>>
    %dma_wait3A_609 = arith.constant 0 : i32
    %dma_wait3A_610 = tpu.memref_slice %arg4[%add3A_578, %dma_wait3A_609] : memref<25344x768xf32, #tpu.memory_space<hbm>> -> memref<24x768xf32, #tpu.memory_space<hbm>>
    tpu.wait_dma2 semaphore(%arg17 : memref<!tpu.dma_semaphore, #tpu.memory_space<semaphore_mem>>) src(%arg9 : memref<24x768xf32, #tpu.memory_space<vmem>>) dst(%dma_wait3A_610 : memref<24x768xf32, #tpu.memory_space<hbm>>)
    %dma_start3A_611 = arith.constant 27 : i32
    %dma_start3A_612 = arith.constant 0 : i32
    %dma_start3A_613 = tpu.memref_slice %arg5[%dma_start3A_611, %dma_start3A_612] : memref<33x24xi32, #tpu.memory_space<vmem>> -> memref<1x24xi32, #tpu.memory_space<vmem>>
    %dma_start3A_614 = tpu.memref_squeeze %dma_start3A_613 : memref<1x24xi32, #tpu.memory_space<vmem>> -> memref<24xi32, #tpu.memory_space<vmem>>
    %dma_start3A_615 = arith.constant 0 : i32
    %dma_start3A_616 = arith.constant 0 : i32
    %dma_start3A_617 = tpu.memref_slice %arg2[%dma_start3A_615, %dma_start3A_616] : memref<50432x768xf32, #tpu.memory_space<hbm>> -> memref<50432x768xf32, #tpu.memory_space<hbm>>
    tpu.enqueue_indirect_dma source(%dma_start3A_617 : memref<50432x768xf32, #tpu.memory_space<hbm>>) target(%arg9 : memref<24x768xf32, #tpu.memory_space<vmem>>) offsets(%dma_start3A_614 : memref<24xi32, #tpu.memory_space<vmem>>) semaphore(%arg13 : memref<!tpu.dma_semaphore, #tpu.memory_space<semaphore_mem>>)
    %dma_wait3A_618 = arith.constant 25 : i32
    %dma_wait3A_619 = arith.constant 0 : i32
    %dma_wait3A_620 = tpu.memref_slice %arg5[%dma_wait3A_618, %dma_wait3A_619] : memref<33x24xi32, #tpu.memory_space<vmem>> -> memref<1x24xi32, #tpu.memory_space<vmem>>
    %dma_wait3A_621 = tpu.memref_squeeze %dma_wait3A_620 : memref<1x24xi32, #tpu.memory_space<vmem>> -> memref<24xi32, #tpu.memory_space<vmem>>
    %dma_wait3A_622 = arith.constant 0 : i32
    %dma_wait3A_623 = arith.constant 0 : i32
    %dma_wait3A_624 = tpu.memref_slice %arg2[%dma_wait3A_622, %dma_wait3A_623] : memref<50432x768xf32, #tpu.memory_space<hbm>> -> memref<50432x768xf32, #tpu.memory_space<hbm>>
    tpu.wait_indirect_dma semaphore(%arg11 : memref<!tpu.dma_semaphore, #tpu.memory_space<semaphore_mem>>) src(%dma_wait3A_624 : memref<50432x768xf32, #tpu.memory_space<hbm>>) dst(%arg7 : memref<24x768xf32, #tpu.memory_space<vmem>>)
    %add3A_625 = arith.constant 600 : i32
    %add3A_626 = arith.addi %mul3A_2, %add3A_625 : i32
    %dma_start3A_627 = arith.constant 0 : i32
    %dma_start3A_628 = tpu.memref_slice %arg4[%add3A_626, %dma_start3A_627] : memref<25344x768xf32, #tpu.memory_space<hbm>> -> memref<24x768xf32, #tpu.memory_space<hbm>>
    %dma_start3A_629 = arith.constant 0 : i32
    %dma_start3A_630 = tpu.memref_slice %arg4[%add3A_626, %dma_start3A_629] : memref<25344x768xf32, #tpu.memory_space<hbm>> -> memref<24x768xf32, #tpu.memory_space<hbm>>
    tpu.enqueue_dma source(%arg7 : memref<24x768xf32, #tpu.memory_space<vmem>>) target(%dma_start3A_630 : memref<24x768xf32, #tpu.memory_space<hbm>>) target_semaphore(%arg15 : memref<!tpu.dma_semaphore, #tpu.memory_space<semaphore_mem>>)
    %dma_wait3A_631 = arith.constant 0 : i32
    %dma_wait3A_632 = tpu.memref_slice %arg4[%add3A_602, %dma_wait3A_631] : memref<25344x768xf32, #tpu.memory_space<hbm>> -> memref<24x768xf32, #tpu.memory_space<hbm>>
    %dma_wait3A_633 = arith.constant 0 : i32
    %dma_wait3A_634 = tpu.memref_slice %arg4[%add3A_602, %dma_wait3A_633] : memref<25344x768xf32, #tpu.memory_space<hbm>> -> memref<24x768xf32, #tpu.memory_space<hbm>>
    tpu.wait_dma2 semaphore(%arg14 : memref<!tpu.dma_semaphore, #tpu.memory_space<semaphore_mem>>) src(%arg6 : memref<24x768xf32, #tpu.memory_space<vmem>>) dst(%dma_wait3A_634 : memref<24x768xf32, #tpu.memory_space<hbm>>)
    %dma_start3A_635 = arith.constant 28 : i32
    %dma_start3A_636 = arith.constant 0 : i32
    %dma_start3A_637 = tpu.memref_slice %arg5[%dma_start3A_635, %dma_start3A_636] : memref<33x24xi32, #tpu.memory_space<vmem>> -> memref<1x24xi32, #tpu.memory_space<vmem>>
    %dma_start3A_638 = tpu.memref_squeeze %dma_start3A_637 : memref<1x24xi32, #tpu.memory_space<vmem>> -> memref<24xi32, #tpu.memory_space<vmem>>
    %dma_start3A_639 = arith.constant 0 : i32
    %dma_start3A_640 = arith.constant 0 : i32
    %dma_start3A_641 = tpu.memref_slice %arg2[%dma_start3A_639, %dma_start3A_640] : memref<50432x768xf32, #tpu.memory_space<hbm>> -> memref<50432x768xf32, #tpu.memory_space<hbm>>
    tpu.enqueue_indirect_dma source(%dma_start3A_641 : memref<50432x768xf32, #tpu.memory_space<hbm>>) target(%arg6 : memref<24x768xf32, #tpu.memory_space<vmem>>) offsets(%dma_start3A_638 : memref<24xi32, #tpu.memory_space<vmem>>) semaphore(%arg10 : memref<!tpu.dma_semaphore, #tpu.memory_space<semaphore_mem>>)
    %dma_wait3A_642 = arith.constant 26 : i32
    %dma_wait3A_643 = arith.constant 0 : i32
    %dma_wait3A_644 = tpu.memref_slice %arg5[%dma_wait3A_642, %dma_wait3A_643] : memref<33x24xi32, #tpu.memory_space<vmem>> -> memref<1x24xi32, #tpu.memory_space<vmem>>
    %dma_wait3A_645 = tpu.memref_squeeze %dma_wait3A_644 : memref<1x24xi32, #tpu.memory_space<vmem>> -> memref<24xi32, #tpu.memory_space<vmem>>
    %dma_wait3A_646 = arith.constant 0 : i32
    %dma_wait3A_647 = arith.constant 0 : i32
    %dma_wait3A_648 = tpu.memref_slice %arg2[%dma_wait3A_646, %dma_wait3A_647] : memref<50432x768xf32, #tpu.memory_space<hbm>> -> memref<50432x768xf32, #tpu.memory_space<hbm>>
    tpu.wait_indirect_dma semaphore(%arg12 : memref<!tpu.dma_semaphore, #tpu.memory_space<semaphore_mem>>) src(%dma_wait3A_648 : memref<50432x768xf32, #tpu.memory_space<hbm>>) dst(%arg8 : memref<24x768xf32, #tpu.memory_space<vmem>>)
    %add3A_649 = arith.constant 624 : i32
    %add3A_650 = arith.addi %mul3A_2, %add3A_649 : i32
    %dma_start3A_651 = arith.constant 0 : i32
    %dma_start3A_652 = tpu.memref_slice %arg4[%add3A_650, %dma_start3A_651] : memref<25344x768xf32, #tpu.memory_space<hbm>> -> memref<24x768xf32, #tpu.memory_space<hbm>>
    %dma_start3A_653 = arith.constant 0 : i32
    %dma_start3A_654 = tpu.memref_slice %arg4[%add3A_650, %dma_start3A_653] : memref<25344x768xf32, #tpu.memory_space<hbm>> -> memref<24x768xf32, #tpu.memory_space<hbm>>
    tpu.enqueue_dma source(%arg8 : memref<24x768xf32, #tpu.memory_space<vmem>>) target(%dma_start3A_654 : memref<24x768xf32, #tpu.memory_space<hbm>>) target_semaphore(%arg16 : memref<!tpu.dma_semaphore, #tpu.memory_space<semaphore_mem>>)
    %dma_wait3A_655 = arith.constant 0 : i32
    %dma_wait3A_656 = tpu.memref_slice %arg4[%add3A_626, %dma_wait3A_655] : memref<25344x768xf32, #tpu.memory_space<hbm>> -> memref<24x768xf32, #tpu.memory_space<hbm>>
    %dma_wait3A_657 = arith.constant 0 : i32
    %dma_wait3A_658 = tpu.memref_slice %arg4[%add3A_626, %dma_wait3A_657] : memref<25344x768xf32, #tpu.memory_space<hbm>> -> memref<24x768xf32, #tpu.memory_space<hbm>>
    tpu.wait_dma2 semaphore(%arg15 : memref<!tpu.dma_semaphore, #tpu.memory_space<semaphore_mem>>) src(%arg7 : memref<24x768xf32, #tpu.memory_space<vmem>>) dst(%dma_wait3A_658 : memref<24x768xf32, #tpu.memory_space<hbm>>)
    %dma_start3A_659 = arith.constant 29 : i32
    %dma_start3A_660 = arith.constant 0 : i32
    %dma_start3A_661 = tpu.memref_slice %arg5[%dma_start3A_659, %dma_start3A_660] : memref<33x24xi32, #tpu.memory_space<vmem>> -> memref<1x24xi32, #tpu.memory_space<vmem>>
    %dma_start3A_662 = tpu.memref_squeeze %dma_start3A_661 : memref<1x24xi32, #tpu.memory_space<vmem>> -> memref<24xi32, #tpu.memory_space<vmem>>
    %dma_start3A_663 = arith.constant 0 : i32
    %dma_start3A_664 = arith.constant 0 : i32
    %dma_start3A_665 = tpu.memref_slice %arg2[%dma_start3A_663, %dma_start3A_664] : memref<50432x768xf32, #tpu.memory_space<hbm>> -> memref<50432x768xf32, #tpu.memory_space<hbm>>
    tpu.enqueue_indirect_dma source(%dma_start3A_665 : memref<50432x768xf32, #tpu.memory_space<hbm>>) target(%arg7 : memref<24x768xf32, #tpu.memory_space<vmem>>) offsets(%dma_start3A_662 : memref<24xi32, #tpu.memory_space<vmem>>) semaphore(%arg11 : memref<!tpu.dma_semaphore, #tpu.memory_space<semaphore_mem>>)
    %dma_wait3A_666 = arith.constant 27 : i32
    %dma_wait3A_667 = arith.constant 0 : i32
    %dma_wait3A_668 = tpu.memref_slice %arg5[%dma_wait3A_666, %dma_wait3A_667] : memref<33x24xi32, #tpu.memory_space<vmem>> -> memref<1x24xi32, #tpu.memory_space<vmem>>
    %dma_wait3A_669 = tpu.memref_squeeze %dma_wait3A_668 : memref<1x24xi32, #tpu.memory_space<vmem>> -> memref<24xi32, #tpu.memory_space<vmem>>
    %dma_wait3A_670 = arith.constant 0 : i32
    %dma_wait3A_671 = arith.constant 0 : i32
    %dma_wait3A_672 = tpu.memref_slice %arg2[%dma_wait3A_670, %dma_wait3A_671] : memref<50432x768xf32, #tpu.memory_space<hbm>> -> memref<50432x768xf32, #tpu.memory_space<hbm>>
    tpu.wait_indirect_dma semaphore(%arg13 : memref<!tpu.dma_semaphore, #tpu.memory_space<semaphore_mem>>) src(%dma_wait3A_672 : memref<50432x768xf32, #tpu.memory_space<hbm>>) dst(%arg9 : memref<24x768xf32, #tpu.memory_space<vmem>>)
    %add3A_673 = arith.constant 648 : i32
    %add3A_674 = arith.addi %mul3A_2, %add3A_673 : i32
    %dma_start3A_675 = arith.constant 0 : i32
    %dma_start3A_676 = tpu.memref_slice %arg4[%add3A_674, %dma_start3A_675] : memref<25344x768xf32, #tpu.memory_space<hbm>> -> memref<24x768xf32, #tpu.memory_space<hbm>>
    %dma_start3A_677 = arith.constant 0 : i32
    %dma_start3A_678 = tpu.memref_slice %arg4[%add3A_674, %dma_start3A_677] : memref<25344x768xf32, #tpu.memory_space<hbm>> -> memref<24x768xf32, #tpu.memory_space<hbm>>
    tpu.enqueue_dma source(%arg9 : memref<24x768xf32, #tpu.memory_space<vmem>>) target(%dma_start3A_678 : memref<24x768xf32, #tpu.memory_space<hbm>>) target_semaphore(%arg17 : memref<!tpu.dma_semaphore, #tpu.memory_space<semaphore_mem>>)
    %dma_wait3A_679 = arith.constant 0 : i32
    %dma_wait3A_680 = tpu.memref_slice %arg4[%add3A_650, %dma_wait3A_679] : memref<25344x768xf32, #tpu.memory_space<hbm>> -> memref<24x768xf32, #tpu.memory_space<hbm>>
    %dma_wait3A_681 = arith.constant 0 : i32
    %dma_wait3A_682 = tpu.memref_slice %arg4[%add3A_650, %dma_wait3A_681] : memref<25344x768xf32, #tpu.memory_space<hbm>> -> memref<24x768xf32, #tpu.memory_space<hbm>>
    tpu.wait_dma2 semaphore(%arg16 : memref<!tpu.dma_semaphore, #tpu.memory_space<semaphore_mem>>) src(%arg8 : memref<24x768xf32, #tpu.memory_space<vmem>>) dst(%dma_wait3A_682 : memref<24x768xf32, #tpu.memory_space<hbm>>)
    %dma_start3A_683 = arith.constant 30 : i32
    %dma_start3A_684 = arith.constant 0 : i32
    %dma_start3A_685 = tpu.memref_slice %arg5[%dma_start3A_683, %dma_start3A_684] : memref<33x24xi32, #tpu.memory_space<vmem>> -> memref<1x24xi32, #tpu.memory_space<vmem>>
    %dma_start3A_686 = tpu.memref_squeeze %dma_start3A_685 : memref<1x24xi32, #tpu.memory_space<vmem>> -> memref<24xi32, #tpu.memory_space<vmem>>
    %dma_start3A_687 = arith.constant 0 : i32
    %dma_start3A_688 = arith.constant 0 : i32
    %dma_start3A_689 = tpu.memref_slice %arg2[%dma_start3A_687, %dma_start3A_688] : memref<50432x768xf32, #tpu.memory_space<hbm>> -> memref<50432x768xf32, #tpu.memory_space<hbm>>
    tpu.enqueue_indirect_dma source(%dma_start3A_689 : memref<50432x768xf32, #tpu.memory_space<hbm>>) target(%arg8 : memref<24x768xf32, #tpu.memory_space<vmem>>) offsets(%dma_start3A_686 : memref<24xi32, #tpu.memory_space<vmem>>) semaphore(%arg12 : memref<!tpu.dma_semaphore, #tpu.memory_space<semaphore_mem>>)
    %dma_wait3A_690 = arith.constant 28 : i32
    %dma_wait3A_691 = arith.constant 0 : i32
    %dma_wait3A_692 = tpu.memref_slice %arg5[%dma_wait3A_690, %dma_wait3A_691] : memref<33x24xi32, #tpu.memory_space<vmem>> -> memref<1x24xi32, #tpu.memory_space<vmem>>
    %dma_wait3A_693 = tpu.memref_squeeze %dma_wait3A_692 : memref<1x24xi32, #tpu.memory_space<vmem>> -> memref<24xi32, #tpu.memory_space<vmem>>
    %dma_wait3A_694 = arith.constant 0 : i32
    %dma_wait3A_695 = arith.constant 0 : i32
    %dma_wait3A_696 = tpu.memref_slice %arg2[%dma_wait3A_694, %dma_wait3A_695] : memref<50432x768xf32, #tpu.memory_space<hbm>> -> memref<50432x768xf32, #tpu.memory_space<hbm>>
    tpu.wait_indirect_dma semaphore(%arg10 : memref<!tpu.dma_semaphore, #tpu.memory_space<semaphore_mem>>) src(%dma_wait3A_696 : memref<50432x768xf32, #tpu.memory_space<hbm>>) dst(%arg6 : memref<24x768xf32, #tpu.memory_space<vmem>>)
    %add3A_697 = arith.constant 672 : i32
    %add3A_698 = arith.addi %mul3A_2, %add3A_697 : i32
    %dma_start3A_699 = arith.constant 0 : i32
    %dma_start3A_700 = tpu.memref_slice %arg4[%add3A_698, %dma_start3A_699] : memref<25344x768xf32, #tpu.memory_space<hbm>> -> memref<24x768xf32, #tpu.memory_space<hbm>>
    %dma_start3A_701 = arith.constant 0 : i32
    %dma_start3A_702 = tpu.memref_slice %arg4[%add3A_698, %dma_start3A_701] : memref<25344x768xf32, #tpu.memory_space<hbm>> -> memref<24x768xf32, #tpu.memory_space<hbm>>
    tpu.enqueue_dma source(%arg6 : memref<24x768xf32, #tpu.memory_space<vmem>>) target(%dma_start3A_702 : memref<24x768xf32, #tpu.memory_space<hbm>>) target_semaphore(%arg14 : memref<!tpu.dma_semaphore, #tpu.memory_space<semaphore_mem>>)
    %dma_wait3A_703 = arith.constant 0 : i32
    %dma_wait3A_704 = tpu.memref_slice %arg4[%add3A_674, %dma_wait3A_703] : memref<25344x768xf32, #tpu.memory_space<hbm>> -> memref<24x768xf32, #tpu.memory_space<hbm>>
    %dma_wait3A_705 = arith.constant 0 : i32
    %dma_wait3A_706 = tpu.memref_slice %arg4[%add3A_674, %dma_wait3A_705] : memref<25344x768xf32, #tpu.memory_space<hbm>> -> memref<24x768xf32, #tpu.memory_space<hbm>>
    tpu.wait_dma2 semaphore(%arg17 : memref<!tpu.dma_semaphore, #tpu.memory_space<semaphore_mem>>) src(%arg9 : memref<24x768xf32, #tpu.memory_space<vmem>>) dst(%dma_wait3A_706 : memref<24x768xf32, #tpu.memory_space<hbm>>)
    %dma_start3A_707 = arith.constant 31 : i32
    %dma_start3A_708 = arith.constant 0 : i32
    %dma_start3A_709 = tpu.memref_slice %arg5[%dma_start3A_707, %dma_start3A_708] : memref<33x24xi32, #tpu.memory_space<vmem>> -> memref<1x24xi32, #tpu.memory_space<vmem>>
    %dma_start3A_710 = tpu.memref_squeeze %dma_start3A_709 : memref<1x24xi32, #tpu.memory_space<vmem>> -> memref<24xi32, #tpu.memory_space<vmem>>
    %dma_start3A_711 = arith.constant 0 : i32
    %dma_start3A_712 = arith.constant 0 : i32
    %dma_start3A_713 = tpu.memref_slice %arg2[%dma_start3A_711, %dma_start3A_712] : memref<50432x768xf32, #tpu.memory_space<hbm>> -> memref<50432x768xf32, #tpu.memory_space<hbm>>
    tpu.enqueue_indirect_dma source(%dma_start3A_713 : memref<50432x768xf32, #tpu.memory_space<hbm>>) target(%arg9 : memref<24x768xf32, #tpu.memory_space<vmem>>) offsets(%dma_start3A_710 : memref<24xi32, #tpu.memory_space<vmem>>) semaphore(%arg13 : memref<!tpu.dma_semaphore, #tpu.memory_space<semaphore_mem>>)
    %dma_wait3A_714 = arith.constant 29 : i32
    %dma_wait3A_715 = arith.constant 0 : i32
    %dma_wait3A_716 = tpu.memref_slice %arg5[%dma_wait3A_714, %dma_wait3A_715] : memref<33x24xi32, #tpu.memory_space<vmem>> -> memref<1x24xi32, #tpu.memory_space<vmem>>
    %dma_wait3A_717 = tpu.memref_squeeze %dma_wait3A_716 : memref<1x24xi32, #tpu.memory_space<vmem>> -> memref<24xi32, #tpu.memory_space<vmem>>
    %dma_wait3A_718 = arith.constant 0 : i32
    %dma_wait3A_719 = arith.constant 0 : i32
    %dma_wait3A_720 = tpu.memref_slice %arg2[%dma_wait3A_718, %dma_wait3A_719] : memref<50432x768xf32, #tpu.memory_space<hbm>> -> memref<50432x768xf32, #tpu.memory_space<hbm>>
    tpu.wait_indirect_dma semaphore(%arg11 : memref<!tpu.dma_semaphore, #tpu.memory_space<semaphore_mem>>) src(%dma_wait3A_720 : memref<50432x768xf32, #tpu.memory_space<hbm>>) dst(%arg7 : memref<24x768xf32, #tpu.memory_space<vmem>>)
    %add3A_721 = arith.constant 696 : i32
    %add3A_722 = arith.addi %mul3A_2, %add3A_721 : i32
    %dma_start3A_723 = arith.constant 0 : i32
    %dma_start3A_724 = tpu.memref_slice %arg4[%add3A_722, %dma_start3A_723] : memref<25344x768xf32, #tpu.memory_space<hbm>> -> memref<24x768xf32, #tpu.memory_space<hbm>>
    %dma_start3A_725 = arith.constant 0 : i32
    %dma_start3A_726 = tpu.memref_slice %arg4[%add3A_722, %dma_start3A_725] : memref<25344x768xf32, #tpu.memory_space<hbm>> -> memref<24x768xf32, #tpu.memory_space<hbm>>
    tpu.enqueue_dma source(%arg7 : memref<24x768xf32, #tpu.memory_space<vmem>>) target(%dma_start3A_726 : memref<24x768xf32, #tpu.memory_space<hbm>>) target_semaphore(%arg15 : memref<!tpu.dma_semaphore, #tpu.memory_space<semaphore_mem>>)
    %dma_wait3A_727 = arith.constant 0 : i32
    %dma_wait3A_728 = tpu.memref_slice %arg4[%add3A_698, %dma_wait3A_727] : memref<25344x768xf32, #tpu.memory_space<hbm>> -> memref<24x768xf32, #tpu.memory_space<hbm>>
    %dma_wait3A_729 = arith.constant 0 : i32
    %dma_wait3A_730 = tpu.memref_slice %arg4[%add3A_698, %dma_wait3A_729] : memref<25344x768xf32, #tpu.memory_space<hbm>> -> memref<24x768xf32, #tpu.memory_space<hbm>>
    tpu.wait_dma2 semaphore(%arg14 : memref<!tpu.dma_semaphore, #tpu.memory_space<semaphore_mem>>) src(%arg6 : memref<24x768xf32, #tpu.memory_space<vmem>>) dst(%dma_wait3A_730 : memref<24x768xf32, #tpu.memory_space<hbm>>)
    %dma_start3A_731 = arith.constant 32 : i32
    %dma_start3A_732 = arith.constant 0 : i32
    %dma_start3A_733 = tpu.memref_slice %arg5[%dma_start3A_731, %dma_start3A_732] : memref<33x24xi32, #tpu.memory_space<vmem>> -> memref<1x24xi32, #tpu.memory_space<vmem>>
    %dma_start3A_734 = tpu.memref_squeeze %dma_start3A_733 : memref<1x24xi32, #tpu.memory_space<vmem>> -> memref<24xi32, #tpu.memory_space<vmem>>
    %dma_start3A_735 = arith.constant 0 : i32
    %dma_start3A_736 = arith.constant 0 : i32
    %dma_start3A_737 = tpu.memref_slice %arg2[%dma_start3A_735, %dma_start3A_736] : memref<50432x768xf32, #tpu.memory_space<hbm>> -> memref<50432x768xf32, #tpu.memory_space<hbm>>
    tpu.enqueue_indirect_dma source(%dma_start3A_737 : memref<50432x768xf32, #tpu.memory_space<hbm>>) target(%arg6 : memref<24x768xf32, #tpu.memory_space<vmem>>) offsets(%dma_start3A_734 : memref<24xi32, #tpu.memory_space<vmem>>) semaphore(%arg10 : memref<!tpu.dma_semaphore, #tpu.memory_space<semaphore_mem>>)
    %dma_wait3A_738 = arith.constant 30 : i32
    %dma_wait3A_739 = arith.constant 0 : i32
    %dma_wait3A_740 = tpu.memref_slice %arg5[%dma_wait3A_738, %dma_wait3A_739] : memref<33x24xi32, #tpu.memory_space<vmem>> -> memref<1x24xi32, #tpu.memory_space<vmem>>
    %dma_wait3A_741 = tpu.memref_squeeze %dma_wait3A_740 : memref<1x24xi32, #tpu.memory_space<vmem>> -> memref<24xi32, #tpu.memory_space<vmem>>
    %dma_wait3A_742 = arith.constant 0 : i32
    %dma_wait3A_743 = arith.constant 0 : i32
    %dma_wait3A_744 = tpu.memref_slice %arg2[%dma_wait3A_742, %dma_wait3A_743] : memref<50432x768xf32, #tpu.memory_space<hbm>> -> memref<50432x768xf32, #tpu.memory_space<hbm>>
    tpu.wait_indirect_dma semaphore(%arg12 : memref<!tpu.dma_semaphore, #tpu.memory_space<semaphore_mem>>) src(%dma_wait3A_744 : memref<50432x768xf32, #tpu.memory_space<hbm>>) dst(%arg8 : memref<24x768xf32, #tpu.memory_space<vmem>>)
    %add3A_745 = arith.constant 720 : i32
    %add3A_746 = arith.addi %mul3A_2, %add3A_745 : i32
    %dma_start3A_747 = arith.constant 0 : i32
    %dma_start3A_748 = tpu.memref_slice %arg4[%add3A_746, %dma_start3A_747] : memref<25344x768xf32, #tpu.memory_space<hbm>> -> memref<24x768xf32, #tpu.memory_space<hbm>>
    %dma_start3A_749 = arith.constant 0 : i32
    %dma_start3A_750 = tpu.memref_slice %arg4[%add3A_746, %dma_start3A_749] : memref<25344x768xf32, #tpu.memory_space<hbm>> -> memref<24x768xf32, #tpu.memory_space<hbm>>
    tpu.enqueue_dma source(%arg8 : memref<24x768xf32, #tpu.memory_space<vmem>>) target(%dma_start3A_750 : memref<24x768xf32, #tpu.memory_space<hbm>>) target_semaphore(%arg16 : memref<!tpu.dma_semaphore, #tpu.memory_space<semaphore_mem>>)
    %dma_wait3A_751 = arith.constant 31 : i32
    %dma_wait3A_752 = arith.constant 0 : i32
    %dma_wait3A_753 = tpu.memref_slice %arg5[%dma_wait3A_751, %dma_wait3A_752] : memref<33x24xi32, #tpu.memory_space<vmem>> -> memref<1x24xi32, #tpu.memory_space<vmem>>
    %dma_wait3A_754 = tpu.memref_squeeze %dma_wait3A_753 : memref<1x24xi32, #tpu.memory_space<vmem>> -> memref<24xi32, #tpu.memory_space<vmem>>
    %dma_wait3A_755 = arith.constant 0 : i32
    %dma_wait3A_756 = arith.constant 0 : i32
    %dma_wait3A_757 = tpu.memref_slice %arg2[%dma_wait3A_755, %dma_wait3A_756] : memref<50432x768xf32, #tpu.memory_space<hbm>> -> memref<50432x768xf32, #tpu.memory_space<hbm>>
    tpu.wait_indirect_dma semaphore(%arg13 : memref<!tpu.dma_semaphore, #tpu.memory_space<semaphore_mem>>) src(%dma_wait3A_757 : memref<50432x768xf32, #tpu.memory_space<hbm>>) dst(%arg9 : memref<24x768xf32, #tpu.memory_space<vmem>>)
    %add3A_758 = arith.constant 744 : i32
    %add3A_759 = arith.addi %mul3A_2, %add3A_758 : i32
    %dma_start3A_760 = arith.constant 0 : i32
    %dma_start3A_761 = tpu.memref_slice %arg4[%add3A_759, %dma_start3A_760] : memref<25344x768xf32, #tpu.memory_space<hbm>> -> memref<24x768xf32, #tpu.memory_space<hbm>>
    %dma_start3A_762 = arith.constant 0 : i32
    %dma_start3A_763 = tpu.memref_slice %arg4[%add3A_759, %dma_start3A_762] : memref<25344x768xf32, #tpu.memory_space<hbm>> -> memref<24x768xf32, #tpu.memory_space<hbm>>
    tpu.enqueue_dma source(%arg9 : memref<24x768xf32, #tpu.memory_space<vmem>>) target(%dma_start3A_763 : memref<24x768xf32, #tpu.memory_space<hbm>>) target_semaphore(%arg17 : memref<!tpu.dma_semaphore, #tpu.memory_space<semaphore_mem>>)
    %dma_wait3A_764 = arith.constant 32 : i32
    %dma_wait3A_765 = arith.constant 0 : i32
    %dma_wait3A_766 = tpu.memref_slice %arg5[%dma_wait3A_764, %dma_wait3A_765] : memref<33x24xi32, #tpu.memory_space<vmem>> -> memref<1x24xi32, #tpu.memory_space<vmem>>
    %dma_wait3A_767 = tpu.memref_squeeze %dma_wait3A_766 : memref<1x24xi32, #tpu.memory_space<vmem>> -> memref<24xi32, #tpu.memory_space<vmem>>
    %dma_wait3A_768 = arith.constant 0 : i32
    %dma_wait3A_769 = arith.constant 0 : i32
    %dma_wait3A_770 = tpu.memref_slice %arg2[%dma_wait3A_768, %dma_wait3A_769] : memref<50432x768xf32, #tpu.memory_space<hbm>> -> memref<50432x768xf32, #tpu.memory_space<hbm>>
    tpu.wait_indirect_dma semaphore(%arg10 : memref<!tpu.dma_semaphore, #tpu.memory_space<semaphore_mem>>) src(%dma_wait3A_770 : memref<50432x768xf32, #tpu.memory_space<hbm>>) dst(%arg6 : memref<24x768xf32, #tpu.memory_space<vmem>>)
    %add3A_771 = arith.constant 768 : i32
    %add3A_772 = arith.addi %mul3A_2, %add3A_771 : i32
    %dma_start3A_773 = arith.constant 0 : i32
    %dma_start3A_774 = tpu.memref_slice %arg4[%add3A_772, %dma_start3A_773] : memref<25344x768xf32, #tpu.memory_space<hbm>> -> memref<24x768xf32, #tpu.memory_space<hbm>>
    %dma_start3A_775 = arith.constant 0 : i32
    %dma_start3A_776 = tpu.memref_slice %arg4[%add3A_772, %dma_start3A_775] : memref<25344x768xf32, #tpu.memory_space<hbm>> -> memref<24x768xf32, #tpu.memory_space<hbm>>
    tpu.enqueue_dma source(%arg6 : memref<24x768xf32, #tpu.memory_space<vmem>>) target(%dma_start3A_776 : memref<24x768xf32, #tpu.memory_space<hbm>>) target_semaphore(%arg14 : memref<!tpu.dma_semaphore, #tpu.memory_space<semaphore_mem>>)
    %dma_wait3A_777 = arith.constant 0 : i32
    %dma_wait3A_778 = tpu.memref_slice %arg4[%add3A_772, %dma_wait3A_777] : memref<25344x768xf32, #tpu.memory_space<hbm>> -> memref<24x768xf32, #tpu.memory_space<hbm>>
    %dma_wait3A_779 = arith.constant 0 : i32
    %dma_wait3A_780 = tpu.memref_slice %arg4[%add3A_772, %dma_wait3A_779] : memref<25344x768xf32, #tpu.memory_space<hbm>> -> memref<24x768xf32, #tpu.memory_space<hbm>>
    tpu.wait_dma2 semaphore(%arg14 : memref<!tpu.dma_semaphore, #tpu.memory_space<semaphore_mem>>) src(%arg6 : memref<24x768xf32, #tpu.memory_space<vmem>>) dst(%dma_wait3A_780 : memref<24x768xf32, #tpu.memory_space<hbm>>)
    %dma_wait3A_781 = arith.constant 0 : i32
    %dma_wait3A_782 = tpu.memref_slice %arg4[%add3A_722, %dma_wait3A_781] : memref<25344x768xf32, #tpu.memory_space<hbm>> -> memref<24x768xf32, #tpu.memory_space<hbm>>
    %dma_wait3A_783 = arith.constant 0 : i32
    %dma_wait3A_784 = tpu.memref_slice %arg4[%add3A_722, %dma_wait3A_783] : memref<25344x768xf32, #tpu.memory_space<hbm>> -> memref<24x768xf32, #tpu.memory_space<hbm>>
    tpu.wait_dma2 semaphore(%arg15 : memref<!tpu.dma_semaphore, #tpu.memory_space<semaphore_mem>>) src(%arg7 : memref<24x768xf32, #tpu.memory_space<vmem>>) dst(%dma_wait3A_784 : memref<24x768xf32, #tpu.memory_space<hbm>>)
    %dma_wait3A_785 = arith.constant 0 : i32
    %dma_wait3A_786 = tpu.memref_slice %arg4[%add3A_746, %dma_wait3A_785] : memref<25344x768xf32, #tpu.memory_space<hbm>> -> memref<24x768xf32, #tpu.memory_space<hbm>>
    %dma_wait3A_787 = arith.constant 0 : i32
    %dma_wait3A_788 = tpu.memref_slice %arg4[%add3A_746, %dma_wait3A_787] : memref<25344x768xf32, #tpu.memory_space<hbm>> -> memref<24x768xf32, #tpu.memory_space<hbm>>
    tpu.wait_dma2 semaphore(%arg16 : memref<!tpu.dma_semaphore, #tpu.memory_space<semaphore_mem>>) src(%arg8 : memref<24x768xf32, #tpu.memory_space<vmem>>) dst(%dma_wait3A_788 : memref<24x768xf32, #tpu.memory_space<hbm>>)
    %dma_wait3A_789 = arith.constant 0 : i32
    %dma_wait3A_790 = tpu.memref_slice %arg4[%add3A_759, %dma_wait3A_789] : memref<25344x768xf32, #tpu.memory_space<hbm>> -> memref<24x768xf32, #tpu.memory_space<hbm>>
    %dma_wait3A_791 = arith.constant 0 : i32
    %dma_wait3A_792 = tpu.memref_slice %arg4[%add3A_759, %dma_wait3A_791] : memref<25344x768xf32, #tpu.memory_space<hbm>> -> memref<24x768xf32, #tpu.memory_space<hbm>>
    tpu.wait_dma2 semaphore(%arg17 : memref<!tpu.dma_semaphore, #tpu.memory_space<semaphore_mem>>) src(%arg9 : memref<24x768xf32, #tpu.memory_space<vmem>>) dst(%dma_wait3A_792 : memref<24x768xf32, #tpu.memory_space<hbm>>)
    return
  }
}

</mosaic_0001>

<sc_bundles>
// kernel: kernel.3.cloned.1.call-start
scs
__scs_entry_jumppad:
0x0: {  	(pc) =	sbr.rel $0x88, $3  }
0x1: {  	(tag) =	ssettag $0x0;
	lr =	simm.s32 $0x1  }
0x2: {  	[smem:$0x3FA0] =	sst lr;
	_ =	strace $0xD0000000  }
0x3: {  	_ = 	snop  }
0x4: {  	_ = 	snop  }
0x5: {  	_ = 	snop  }
0x6: {  	_ = 	snop  }
0x7: {  	_ = 	snop  }
__scs_overlays_trampoline_lowered:
0x8: {  	[smem:$0x3FAF] =	sst s0  }
0x9: {  	[smem:$0x3FB0] =	sst s1  }
0xa: {  	[smem:$0x3FB1] =	sst s2  }
0xb: {  	[smem:$0x3FB2] =	sst s3  }
0xc: {  	[smem:$0x3FB3] =	sst s4  }
0xd: {  	[smem:$0x3FB4] =	sst s5  }
0xe: {  	[smem:$0x3FB5] =	sst s6  }
0xf: {  	[smem:$0x3FB6] =	sst s7  }
0x10: {  	[smem:$0x3FB7] =	sst s8  }
0x11: {  	[smem:$0x3FB8] =	sst s9;
	s0 =	simm.s32 @!p0 $0x0  }
0x12: {  	s1 =	sld [smem:$0x3F9E];
	s0 =	simm.s32 @p0 $0x1  }
0x13: {  	[smem:$0x3FB9] =	sst s0;
	s0 =	simm.s32 @!p1 $0x0  }
0x14: {  	s2 =	sld [smem:$0x3F9D];
	s0 =	simm.s32 @p1 $0x1  }
0x15: {  	[smem:$0x3FBA] =	sst s0;
	s0 =	simm.s32 @!p2 $0x0  }
0x16: {  	s3 =	sld [smem:$0x3FDB];
	s0 =	simm.s32 @p2 $0x1  }
0x17: {  	s4 =	simm.s32 $0x1BF5;
	[smem:$0x3FBC] =	sst s0  }
0x18: {  	s0 =	sld [smem:$0x3F9F];
	_ =	swait.ge [sflag:s4], $0x0  }
0x19: {  	s7 =	sld [smem:$0x3FA0]  }
0x1a: {  	s8 =	sadd.s32 $0xFFFFE003, lr  }
0x1b: {  	s9 =	sadd.s32 $0xFFFFFEF7, lr;
	s5 =	simm.s32 $0xFFFFFFFF;
	p2 =	slt.u32 s8, $0xFFFFF086  }
0x1c: {  	p1 =	slt.u32 s9, $0xF7A;
	s5 =	simm.s32 @!p2 $0x0  }
0x1d: {  	s5 =	simm.s32 @p1 $0x1;
	p0 =	seq.s32 s7, s2  }
0x1e: {  	s7 =	smul.u32 @!p0 $0xF7A, s2;
	p2 =	seq.s32 @!p0 s5, $0x0  }
0x1f: {  	s9 =	smul.u32 $0xF7A, s1;
	s8 =	simm.s32 @!p0 $0x1BF5;
	p2 =	por !p2, p0  }
0x20: {  	[sflag:s8] =	ssyncset.s32 @!p0 $0xFFFFF086;
	s6 =	sadd.s32 @!p0 s3, s7;
	s7 =	simm.s32 @!p0 $0x108  }
0x21: {  	s3 =	sadd.s32 s3, s9;
	s6 =	sadd.s32 @!p0 $0x88, s6;
	s7 =	simm.s32 @p2 $0x1082  }
0x22: {  	[simem:s7], [sflag:s8] =	dma.local @!p0 [hbm:s6], $0xF7A  }
0x23: {  	s9 =	sor.u32 $0xD0000000, s2;
	s6 =	simm.s32 $0x108;
	_ =	swait.ge @!p0 [sflag:s8], $0x0  }
0x24: {  	s3 =	sadd.s32 $0x88, s3;
	s6 =	simm.s32 @!p1 $0x1082;
	[sflag:s4] =	ssyncset.s32 $0xFFFFF086  }
0x25: {  	[simem:s6], [sflag:s4] =	dma.local [hbm:s3], $0xF7A  }
0x26: {  	[smem:$0x3FA0] =	sst s1;
	(tag) =	ssettag s2;
	_ =	strace s9  }
0x27: {  	s1 =	sld [smem:$0x3FB0]  }
0x28: {  	s2 =	sld [smem:$0x3FB1]  }
0x29: {  	s4 =	sld [smem:$0x3FB3]  }
0x2a: {  	p0 =	seq.s32 s5, $0x0;
	s5 =	sld [smem:$0x3FB4]  }
0x2b: {  	s6 =	sld [smem:$0x3FB5]  }
0x2c: {  	s7 =	sld [smem:$0x3FB6]  }
0x2d: {  	s3 =	simm.s32 $0x108;
	s8 =	sld [smem:$0x3FB7]  }
0x2e: {  	s3 =	simm.s32 @!p0 $0x1082;
	s9 =	sld [smem:$0x3FB8]  }
0x2f: {  	lr =	sadd.s32 s0, s3;
	s0 =	sld [smem:$0x3FAF]  }
0x30: {  	s3 =	sld [smem:$0x3FB2]  }
0x31: {  	[smem:$0x3FBB] =	sst s10  }
0x32: {  	s10 =	sld [smem:$0x3FB9];
	_ =	sdelay $0x3  }
0x33: {  	p0 =	seq.s32 s10, $0x1;
	s10 =	sld [smem:$0x3FBB];
	_ =	sdelay $0x3  }
0x34: {  	[smem:$0x3FBB] =	sst s10  }
0x35: {  	s10 =	sld [smem:$0x3FBA];
	_ =	sdelay $0x3  }
0x36: {  	p1 =	seq.s32 s10, $0x1;
	s10 =	sld [smem:$0x3FBB];
	_ =	sdelay $0x3  }
0x37: {  	[smem:$0x3FBB] =	sst s10  }
0x38: {  	s10 =	sld [smem:$0x3FBC]  }
0x39: {  	_ = 	snop;
	(pc) =	sbr.ind lr, $3  }
0x3a: {  	_ = 	snop  }
0x3b: {  	_ = 	snop  }
0x3c: {  	p2 =	seq.s32 s10, $0x1;
	s10 =	sld [smem:$0x3FBB]  }
0x3d: {  	_ =	shalt  }
0x3e: {  	_ =	shalt  }
0x3f: {  	_ =	shalt  }
0x40: {  	_ =	shalt  }
0x41: {  	_ =	shalt  }
0x42: {  	_ =	shalt  }
0x43: {  	_ =	shalt  }
0x44: {  	_ =	shalt  }
0x45: {  	_ =	shalt  }
0x46: {  	_ =	shalt  }
0x47: {  	_ =	shalt  }
0x48: {  	_ =	shalt  }
0x49: {  	_ =	shalt  }
0x4a: {  	_ =	shalt  }
0x4b: {  	_ =	shalt  }
0x4c: {  	_ =	shalt  }
0x4d: {  	_ =	shalt  }
0x4e: {  	_ =	shalt  }
0x4f: {  	_ =	shalt  }
0x50: {  	_ =	shalt  }
0x51: {  	_ =	shalt  }
0x52: {  	_ =	shalt  }
0x53: {  	_ =	shalt  }
0x54: {  	_ =	shalt  }
0x55: {  	_ =	shalt  }
0x56: {  	_ =	shalt  }
0x57: {  	_ =	shalt  }
0x58: {  	_ =	shalt  }
0x59: {  	_ =	shalt  }
0x5a: {  	_ =	shalt  }
0x5b: {  	_ =	shalt  }
0x5c: {  	_ =	shalt  }
0x5d: {  	_ =	shalt  }
0x5e: {  	_ =	shalt  }
0x5f: {  	_ =	shalt  }
0x60: {  	_ =	shalt  }
0x61: {  	_ =	shalt  }
0x62: {  	_ =	shalt  }
0x63: {  	_ =	shalt  }
0x64: {  	_ =	shalt  }
0x65: {  	_ =	shalt  }
0x66: {  	_ =	shalt  }
0x67: {  	_ =	shalt  }
0x68: {  	_ =	shalt  }
0x69: {  	_ =	shalt  }
0x6a: {  	_ =	shalt  }
0x6b: {  	_ =	shalt  }
0x6c: {  	_ =	shalt  }
0x6d: {  	_ =	shalt  }
0x6e: {  	_ =	shalt  }
0x6f: {  	_ =	shalt  }
0x70: {  	_ =	shalt  }
0x71: {  	_ =	shalt  }
0x72: {  	_ =	shalt  }
0x73: {  	_ =	shalt  }
0x74: {  	_ =	shalt  }
0x75: {  	_ =	shalt  }
0x76: {  	_ =	shalt  }
0x77: {  	_ =	shalt  }
0x78: {  	_ =	shalt  }
0x79: {  	_ =	shalt  }
0x7a: {  	_ =	shalt  }
0x7b: {  	_ =	shalt  }
0x7c: {  	_ =	shalt  }
0x7d: {  	_ =	shalt  }
0x7e: {  	_ =	shalt  }
0x7f: {  	_ =	shalt  }
0x80: {  	_ =	shalt  }
0x81: {  	_ =	shalt  }
0x82: {  	_ =	shalt  }
0x83: {  	_ =	shalt  }
0x84: {  	_ =	shalt  }
0x85: {  	_ =	shalt  }
0x86: {  	_ =	shalt  }
0x87: {  	_ =	shalt  }
.Lfunc_end0:
.L_simem_size_0:
called_computation_lowered:
.L_overlay_start_0:
0x88: {  	s2 =	sld [smem:$0x3FD9]  }
0x89: {  	s3 =	sld [smem:$0x3FFE];
	_ =	sdelay $0x1  }
0x8a: {  	s1 =	srdreg.scid  }
0x8b: {  	s0 =	sand.u32 $0x1, s1  }
0x8c: {  	s17 =	sshll.u32 s0, $0xA;
	s2 =	sadd.s32 s3, s2  }
0x8d: {  	s2 =	sadd.s32 s2, s17  }
0x8e: {  	[smem:$0x3FC7] =	sst s2  }
0x8f: {  	_ = 	snop  }
0x90: {  	s2 =	sld [smem:$0x3FC9]  }
0x91: {  	s18 =	sld [smem:$0x3FD0];
	(tm) =	ssettm $0x1  }
0x92: {  	s4 =	sld [smem:$0x3FFB];
	_ =	sdelay $0x3  }
0x93: {  	_ =	strace s4  }
0x94: {  	s4 =	sld [smem:$0x3FFC];
	_ =	sdelay $0x3  }
0x95: {  	_ =	strace s4  }
0x96: {  	s4 =	sld [smem:$0x3FFD];
	_ =	sdelay $0x3  }
0x97: {  	_ =	strace s4  }
0x98: {  	_ =	strace $0x8FFFFFFF  }
0x99: {  	s19 =	sld [smem:$0x3FDB];
	_ =	sdelay $0x1  }
0x9a: {  	s5 =	simm.s32 $_scs_section_size  }
0x9b: {  	s6 =	simm.s32 $_size__tile_overlayer_lowered;
	s7 =	simm.s32 $_tile_overlayer_lowered  }
0x9c: {  	s22 =	simm.s32 $0x1BFF;
	s21 =	sshll.u32 s7, $0x1;
	s4 =	sadd.s32 s5, s19  }
0x9d: {  	s8 =	simm.s32 $0x0;
	s20 =	sshll.u32 s6, $0x1;
	s6 =	sadd.s32 s21, s4  }
0x9e: {  	[timem:s8], [sflag:s22] =	dma.local [hbm:s6], s20  }
0x9f: {  	_ =	swait.ge [sflag:s22], s20  }
0xa0: {  	s5 =	ssub.s32 $0x0, s20;
	[sflag:s22] =	ssyncset.done $0x0  }
0xa1: {  	[sflag:s22] =	ssyncadd.s32 s5;
	_ =	sdelay $0x1  }
0xa2: {  	s23 =	simm.s32 $0x1B8B  }
0xa3: {  	_ =	swait.ge [sflag:s23], $0x1  }
0xa4: {  	[sflag:s23] =	ssyncset.done $0x0  }
0xa5: {  	s25 =	simm.s32 $0x1B8E;
	s24 =	sld [smem:$0x3FFE];
	[sflag:s23] =	ssyncadd.s32 $0xFFFFFFFF  }
0xa6: {  	s26 =	simm.s32 $execute0_lowered;
	[smem:$0x3FD2] =	sst s25  }
0xa7: {  	s6 =	sshll.u32 s26, $0x1;
	_ =	strace $0x80000046;
	[dreg:$0x1] =	wrdreg $0xFFFFFFFF  }
0xa8: {  	s28 =	simm.s32 $_size_execute0_lowered;
	s4 =	sadd.s32 s4, s6;
	[dreg:$0x0] =	wrdreg $0x0  }
0xa9: {  	s6 =	sshll.u32 s28, $0x1;
	[dreg:$0x2] =	wrdreg s4  }
0xaa: {  	[dreg:$0x3] =	wrdreg s6  }
0xab: {  	[dreg:$0x4] =	wrdreg $0xC0  }
0xac: {  	_ =	task [dreg:s8], $0x5FFFF  }
0xad: {  	[dreg:$0x1] =	wrdreg $0xFFFFFFFF  }
0xae: {  	[dreg:$0x0] =	wrdreg $0x60  }
0xaf: {  	[dreg:$0x2] =	wrdreg s2  }
0xb0: {  	[dreg:$0x3] =	wrdreg s24  }
0xb1: {  	[dreg:$0x4] =	wrdreg s18  }
0xb2: {  	[dreg:$0x5] =	wrdreg $0x9  }
0xb3: {  	_ =	task.clear_ibuf [dreg:s8], $0x6FFFF;
	_ =	strace $0x90000046  }
0xb4: {  	s29 =	simm.s32 $0x9;
	_ =	strace $0x80000048  }
0xb5: {  	_ =	swait.ge [sflag:s29], $0x1  }
0xb6: {  	[sflag:s29] =	ssyncadd.s32 $0xFFFFFFFF  }
0xb7: {  	_ =	strace $0x90000048  }
0xb8: {  	_ =	sfence  }
0xb9: {  	s30 =	sld [smem:$0x0];
	_ =	sdelay $0x2  }
0xba: {  	s31 =	sshll.u32 s1, $0xD;
	s1 =	sshrl.u32 s1, $0x2  }
0xbb: {  	s3 =	sand.u32 $0x4000, s31;
	s1 =	sadd.s32 s1, s30  }
0xbc: {  	s0 =	sor.u32 s3, s0;
	s1 =	sshll.u32 s1, $0x11  }
0xbd: {  	s0 =	sor.u32 s1, s0  }
0xbe: {  	s0 =	sadd.s32 $0x8F2B, s0  }
0xbf: {  	[sflag:s0] =	ssyncadd.remote.s32 $0x1  }
0xc0: {  	_ =	sfence.sel $0xFFFF  }
0xc1: {  	[dreg:$0x0] =	wrdreg $0xFFFFFFFF;
	(pc) =	sbr.abs _section_cstart, $3  }
0xc2: {  	[dreg:$0x1] =	wrdreg $0xFFFFFFFF  }
0xc3: {  	_ =	task.clear_ibuf [dreg:s8], $0x2FFFF;
	_ =	strace $0x9FFFFFFF  }
0xc4: {  	(tm) =	ssettm $0x7FFFFFFF  }
0xc5: {  	_ =	shalt  }
tec
execute0_lowered:
.L_overlay_start_1:
0x0: {  	(tag) =	ssettag $0x1  }
0x1: {  	s0 =	srdreg.scid;
	s3 =	stileid.u32  }
0x2: {  	s2 =	sand.u32 $0x1, s0;
	s22 =	sshll.u32 s3, $0x1  }
0x3: {  	s1 =	rddreg [dreg:$0x0];
	s6 =	sor.u32 s2, s22  }
0x4: {  	s5 =	rddreg [dreg:$0x1];
	s3 =	simm.s32 $0x0;
	s4 =	smul.u32 $0x318, s6  }
0x5: {  	[smem:$0x7FF] =	sst s3;
	s6 =	smul.u32 $0x280, s6  }
0x6: {  	s0 =	rddreg [dreg:$0x2];
	s2 =	ssub.s32 $0x2, s2;
	_ =	strace $0x80000047  }
0x7: {  	s7 =	sadd.s32 $0x18, s4;
	s5 =	sadd.s32 s6, s5;
	s23 =	sshrl.u32 s4, $0x3  }
0x8: {  	s25 =	sadd.s32 $0x48, s4;
	s28 =	sadd.s32 $0x78, s4;
	s30 =	sadd.s32 $0xA8, s4  }
0x9: {  	s11 =	sadd.s32 $0xD8, s4;
	s14 =	sadd.s32 $0x108, s4;
	s16 =	sadd.s32 $0x138, s4  }
0xa: {  	s22 =	sadd.s32 $0x168, s4;
	s7 =	sshrl.u32 s7, $0x3;
	s6 =	smul.u32 $0x300, s23  }
0xb: {  	s5 =	sadd.s32 $0x400, s5;
	s26 =	sshrl.u32 s25, $0x3;
	s7 =	smul.u32 $0x300, s7  }
0xc: {  	s29 =	sshrl.u32 s28, $0x3;
	[dreg:$0x4] =	wrdreg s5;
	s8 =	sadd.s32 s0, s6  }
0xd: {  	s5 =	smul.u32 $0x300, s26;
	s24 =	sadd.s32 s0, s7;
	[smem:$0x7FC] =	sst s8  }
0xe: {  	s12 =	sshrl.u32 s11, $0x3;
	s6 =	sadd.s32 $0x1200, s8;
	[dreg:$0x5] =	wrdreg s24  }
0xf: {  	s15 =	sshrl.u32 s14, $0x3;
	s5 =	sadd.s32 s0, s5;
	[dreg:$0x6] =	wrdreg s6  }
0x10: {  	s23 =	sshrl.u32 s22, $0x3;
	s31 =	sadd.s32 $0x2400, s8;
	[dreg:$0x7] =	wrdreg s5  }
0x11: {  	s25 =	sadd.s32 $0x198, s4;
	s9 =	sadd.s32 $0x3600, s8;
	[dreg:$0x8] =	wrdreg s31  }
0x12: {  	s28 =	sadd.s32 $0x1C8, s4;
	s13 =	sadd.s32 $0x4800, s8;
	[dreg:$0xa] =	wrdreg s9  }
0x13: {  	s26 =	sshrl.u32 s25, $0x3;
	s17 =	sadd.s32 $0x5A00, s8;
	[dreg:$0xc] =	wrdreg s13  }
0x14: {  	s7 =	sshrl.u32 s30, $0x3;
	s20 =	sadd.s32 $0x6C00, s8;
	[dreg:$0xe] =	wrdreg s17  }
0x15: {  	s6 =	smul.u32 $0x300, s29;
	[dreg:$0x10] =	wrdreg s20;
	s24 =	sadd.s32 $0x7E00, s8  }
0x16: {  	s5 =	smul.u32 $0x300, s12;
	s29 =	sadd.s32 $0x9000, s8;
	[dreg:$0x12] =	wrdreg s24  }
0x17: {  	s12 =	sadd.s32 $0xB400, s8;
	s13 =	sadd.s32 $0x228, s4;
	[dreg:$0x14] =	wrdreg s29  }
0x18: {  	s7 =	smul.u32 $0x300, s7;
	[dreg:$0x18] =	wrdreg s12;
	s14 =	sshrl.u32 s13, $0x3  }
0x19: {  	s24 =	sadd.s32 $0x2B8, s4;
	s29 =	sshrl.u32 s2, $0x1;
	s6 =	sadd.s32 s0, s6  }
0x1a: {  	s10 =	sadd.s32 s0, s7;
	s5 =	sadd.s32 s0, s5;
	s7 =	sshrl.u32 s16, $0x3  }
0x1b: {  	s16 =	sadd.s32 $0xC600, s8;
	[dreg:$0x9] =	wrdreg s6;
	s6 =	smul.u32 $0x300, s15  }
0x1c: {  	s25 =	sshrl.u32 s24, $0x3;
	[dreg:$0xb] =	wrdreg s10;
	s19 =	smul.u32 $0x300, s7  }
0x1d: {  	s2 =	ssub.s32 s2, s29;
	[dreg:$0xd] =	wrdreg s5;
	s5 =	smul.u32 $0x300, s23  }
0x1e: {  	s7 =	sshrl.u32 s28, $0x3;
	s10 =	sadd.s32 $0x1F8, s4;
	s15 =	sadd.s32 $0x258, s4  }
0x1f: {  	[dreg:$0x1a] =	wrdreg s16;
	s23 =	sadd.s32 $0xEA00, s8;
	s31 =	smul.u32 $0x300, s7  }
0x20: {  	s7 =	sadd.s32 $0xA200, s8;
	s11 =	sshrl.u32 s10, $0x3;
	[dreg:$0x1e] =	wrdreg s23  }
0x21: {  	s23 =	simm.s32 $0x8;
	s18 =	sadd.s32 s0, s6;
	s21 =	sadd.s32 s0, s19  }
0x22: {  	s5 =	sadd.s32 s0, s5;
	s6 =	smul.u32 $0x300, s26;
	[dreg:$0x16] =	wrdreg s7  }
0x23: {  	s7 =	sshrl.u32 s15, $0x3;
	s19 =	sadd.s32 $0xD800, s8;
	[dreg:$0xf] =	wrdreg s18  }
0x24: {  	s26 =	sadd.s32 $0xFC00, s8;
	[dreg:$0x13] =	wrdreg s5;
	s5 =	smul.u32 $0x300, s11  }
0x25: {  	[dreg:$0x11] =	wrdreg s21;
	s9 =	sadd.s32 s0, s31;
	s18 =	smul.u32 $0x300, s7  }
0x26: {  	[dreg:$0x1c] =	wrdreg s19;
	s21 =	sadd.s32 $0x288, s4;
	s4 =	sadd.s32 $0x2E8, s4  }
0x27: {  	[smem:$0x7F8] =	sst s26;
	s31 =	sadd.s32 $0x12000, s8;
	s7 =	smax.u32 s2, $0x1  }
0x28: {  	s19 =	simm.s32 $0x4;
	s30 =	sadd.s32 s0, s6;
	[dreg:$0x17] =	wrdreg s9  }
0x29: {  	s6 =	smul.u32 $0x300, s14;
	s22 =	sshrl.u32 s21, $0x3;
	[smem:$0x7FD] =	sst s31  }
0x2a: {  	s4 =	sshrl.u32 s4, $0x3;
	[dreg:$0x15] =	wrdreg s30;
	s5 =	sadd.s32 s0, s5  }
0x2b: {  	s20 =	sadd.s32 s0, s18;
	s4 =	smul.u32 $0x300, s4;
	s30 =	sadd.s32 $0x10E00, s8  }
0x2c: {  	s8 =	simm.s32 $0x6;
	[dreg:$0x19] =	wrdreg s5;
	s5 =	smul.u32 $0x300, s22  }
0x2d: {  	s17 =	sadd.s32 s0, s6;
	[dreg:$0x1d] =	wrdreg s20;
	s6 =	smul.u32 $0x300, s25  }
0x2e: {  	[smem:$0x7FA] =	sst s30;
	s20 =	simm.s32 $0x1;
	s22 =	simm.s32 $0x7  }
0x2f: {  	[dreg:$0x1b] =	wrdreg s17;
	s17 =	simm.s32 $0x2;
	s5 =	sadd.s32 s0, s5  }
0x30: {  	v2 =	vlaneseq.u32;
	s28 =	sadd.s32 s0, s6;
	s0 =	sadd.s32 s0, s4;
	[dreg:$0x1f] =	wrdreg s5  }
0x31: {  	vm0 =	vmmov $0xffff;
	v1 =	vshrl.u32 v2, $0x3;
	s6 =	sadd.s32 $0x200, s1;
	s4 =	simm.s32 $0x3;
	[smem:$0x7F9] =	sst s28  }
0x32: {  	v0 =	vand.u32 $0x7, v2;
	v2 =	vor.u32 $0x8, v2;
	v1 =	vmul.u32 $0x8, v1;
	s5 =	sadd.s32 $0x100, s1;
	[smem:$0x7FB] =	sst s0;
	s0 =	simm.s32 $0x5  }
.LBB2_1:
0x33: {  	[smem:$0x7F7] =	sst s7  }
0x34: {  	s24 =	rddreg [dreg:$0x4];
	s21 =	simm.s32 $0x9  }
0x35: {  	[tilespmem:s3], [sflag:$0x9] =	stream.linear.gather [hbm4b:s24+s3], $0x1080, $0x38;
	[tilespmem:$0x13400] =	vst v63  }
0x36: {  	_ =	swait.ge [sflag:s21], $0x1080  }
0x37: {  	[sflag:s21] =	ssyncset.done $0x0  }
0x38: {  	[sflag:s21] =	ssyncadd.s32 $0xFFFFEF80  }
0x39: {  	v3 =	vld [tilespmem:$0x0];
	_ =	sdelay $0x4  }
0x3a: {  	v4 =	vshrl.u32 v3, $0x3  }
0x3b: {  	v4 =	vmul.u32 $0x30, v4  }
0x3c: {  	v3 =	vand.u32 $0x7, v3  }
0x3d: {  	v3 =	vor.u32 v3, v4  }
0x3e: {  	v4 =	vperm.xlane v3, v0;
	_ =	sdelay $0x1  }
0x3f: {  	v4 =	vadd.s32 v1, v4;
	_ =	sdelay $0x3  }
0x40: {  	s2 =	simm.s32 $0x1400;
	v3 =	vperm.xlane v3, v2  }
0x41: {  	[tilespmem:s2], [sflag:$0x1] =	stream.indirect_vreg.gather [hbm4b:s1+s3], $0x80, v4, vm0, $0xb8;
	[tilespmem:$0x13400] =	vst v63  }
0x42: {  	s10 =	simm.s32 $0x1C00;
	v3 =	vadd.s32 v1, v3  }
0x43: {  	[tilespmem:s10], [sflag:$0x1] =	stream.indirect_vreg.gather [hbm4b:s5+s3], $0x80, v4, vm0, $0xb8;
	[tilespmem:$0x13400] =	vst v63  }
0x44: {  	s24 =	simm.s32 $0x2400  }
0x45: {  	[tilespmem:s24], [sflag:$0x1] =	stream.indirect_vreg.gather [hbm4b:s6+s3], $0x80, v4, vm0, $0xb8;
	[tilespmem:$0x13400] =	vst v63  }
0x46: {  	s25 =	simm.s32 $0x2C00  }
0x47: {  	[tilespmem:s25], [sflag:$0x1] =	stream.indirect_vreg.gather [hbm4b:s1+s3], $0x80, v3, vm0, $0xb8;
	[tilespmem:$0x13400] =	vst v63  }
0x48: {  	s26 =	simm.s32 $0x3400  }
0x49: {  	[tilespmem:s26], [sflag:$0x1] =	stream.indirect_vreg.gather [hbm4b:s5+s3], $0x80, v3, vm0, $0xb8;
	[tilespmem:$0x13400] =	vst v63  }
0x4a: {  	s28 =	simm.s32 $0x3C00  }
0x4b: {  	[tilespmem:s28], [sflag:$0x1] =	stream.indirect_vreg.gather [hbm4b:s6+s3], $0x80, v3, vm0, $0xb8;
	[tilespmem:$0x13400] =	vst v63  }
0x4c: {  	v3 =	vld.msk [tilespmem:$0x10], $0xff;
	_ =	sdelay $0x4  }
0x4d: {  	v55 =	vshrl.u32 v3, $0x3  }
0x4e: {  	v4 =	vmul.u32 $0x30, v55  }
0x4f: {  	v3 =	vand.u32 $0x7, v3  }
0x50: {  	v3 =	vor.u32 v3, v4  }
0x51: {  	v3 =	vperm.xlane v3, v0;
	_ =	sdelay $0x1  }
0x52: {  	v3 =	vadd.s32 v1, v3;
	_ =	sdelay $0x3  }
0x53: {  	s29 =	simm.s32 $0x4400  }
0x54: {  	[tilespmem:s29], [sflag:$0x1] =	stream.indirect_vreg.gather [hbm4b:s1+s3], $0x80, v3, vm0, $0xb8;
	[tilespmem:$0x13400] =	vst v63  }
0x55: {  	s30 =	simm.s32 $0x4C00  }
0x56: {  	[tilespmem:s30], [sflag:$0x1] =	stream.indirect_vreg.gather [hbm4b:s5+s3], $0x80, v3, vm0, $0xb8;
	[tilespmem:$0x13400] =	vst v63  }
0x57: {  	s31 =	simm.s32 $0x5400  }
0x58: {  	[tilespmem:s31], [sflag:$0x1] =	stream.indirect_vreg.gather [hbm4b:s6+s3], $0x80, v3, vm0, $0xb8;
	[tilespmem:$0x13400] =	vst v63  }
0x59: {  	v3 =	vld [tilespmem:$0x80];
	_ =	sdelay $0x4  }
0x5a: {  	v56 =	vshrl.u32 v3, $0x3  }
0x5b: {  	v4 =	vmul.u32 $0x30, v56  }
0x5c: {  	v3 =	vand.u32 $0x7, v3  }
0x5d: {  	v3 =	vor.u32 v3, v4  }
0x5e: {  	v4 =	vperm.xlane v3, v0;
	_ =	sdelay $0x1  }
0x5f: {  	v4 =	vadd.s32 v1, v4;
	_ =	sdelay $0x3  }
0x60: {  	s2 =	simm.s32 $0x5C00;
	v3 =	vperm.xlane v3, v2  }
0x61: {  	[tilespmem:s2], [sflag:$0x2] =	stream.indirect_vreg.gather [hbm4b:s1+s3], $0x80, v4, vm0, $0xb8;
	[tilespmem:$0x13400] =	vst v63  }
0x62: {  	s9 =	simm.s32 $0x6400;
	v3 =	vadd.s32 v1, v3  }
0x63: {  	[tilespmem:s9], [sflag:$0x2] =	stream.indirect_vreg.gather [hbm4b:s5+s3], $0x80, v4, vm0, $0xb8;
	[tilespmem:$0x13400] =	vst v63  }
0x64: {  	s11 =	simm.s32 $0x6C00  }
0x65: {  	[tilespmem:s11], [sflag:$0x2] =	stream.indirect_vreg.gather [hbm4b:s6+s3], $0x80, v4, vm0, $0xb8;
	[tilespmem:$0x13400] =	vst v63  }
0x66: {  	s12 =	simm.s32 $0x7400  }
0x67: {  	[tilespmem:s12], [sflag:$0x2] =	stream.indirect_vreg.gather [hbm4b:s1+s3], $0x80, v3, vm0, $0xb8;
	[tilespmem:$0x13400] =	vst v63  }
0x68: {  	s13 =	simm.s32 $0x7C00  }
0x69: {  	[tilespmem:s13], [sflag:$0x2] =	stream.indirect_vreg.gather [hbm4b:s5+s3], $0x80, v3, vm0, $0xb8;
	[tilespmem:$0x13400] =	vst v63  }
0x6a: {  	s14 =	simm.s32 $0x8400  }
0x6b: {  	[tilespmem:s14], [sflag:$0x2] =	stream.indirect_vreg.gather [hbm4b:s6+s3], $0x80, v3, vm0, $0xb8;
	[tilespmem:$0x13400] =	vst v63  }
0x6c: {  	v3 =	vld.msk [tilespmem:$0x90], $0xff;
	_ =	sdelay $0x4  }
0x6d: {  	v57 =	vshrl.u32 v3, $0x3  }
0x6e: {  	v4 =	vmul.u32 $0x30, v57  }
0x6f: {  	v3 =	vand.u32 $0x7, v3  }
0x70: {  	v3 =	vor.u32 v3, v4  }
0x71: {  	v3 =	vperm.xlane v3, v0;
	_ =	sdelay $0x1  }
0x72: {  	v3 =	vadd.s32 v1, v3;
	_ =	sdelay $0x3  }
0x73: {  	s15 =	simm.s32 $0x8C00  }
0x74: {  	[tilespmem:s15], [sflag:$0x2] =	stream.indirect_vreg.gather [hbm4b:s1+s3], $0x80, v3, vm0, $0xb8;
	[tilespmem:$0x13400] =	vst v63  }
0x75: {  	s18 =	simm.s32 $0x9400  }
0x76: {  	[tilespmem:s18], [sflag:$0x2] =	stream.indirect_vreg.gather [hbm4b:s5+s3], $0x80, v3, vm0, $0xb8;
	[tilespmem:$0x13400] =	vst v63  }
0x77: {  	s24 =	simm.s32 $0x9C00  }
0x78: {  	[tilespmem:s24], [sflag:$0x2] =	stream.indirect_vreg.gather [hbm4b:s6+s3], $0x80, v3, vm0, $0xb8;
	[tilespmem:$0x13400] =	vst v63  }
0x79: {  	v3 =	vld [tilespmem:$0x100];
	_ =	sdelay $0x4  }
0x7a: {  	v58 =	vshrl.u32 v3, $0x3  }
0x7b: {  	v4 =	vmul.u32 $0x30, v58  }
0x7c: {  	v3 =	vand.u32 $0x7, v3  }
0x7d: {  	v3 =	vor.u32 v3, v4  }
0x7e: {  	v4 =	vperm.xlane v3, v0;
	_ =	sdelay $0x1  }
0x7f: {  	v4 =	vadd.s32 v1, v4;
	_ =	sdelay $0x3  }
0x80: {  	s28 =	simm.s32 $0xA400;
	v3 =	vperm.xlane v3, v2  }
0x81: {  	[tilespmem:s28], [sflag:$0x3] =	stream.indirect_vreg.gather [hbm4b:s1+s3], $0x80, v4, vm0, $0xb8;
	[tilespmem:$0x13400] =	vst v63  }
0x82: {  	s29 =	simm.s32 $0xAC00;
	v3 =	vadd.s32 v1, v3  }
0x83: {  	[tilespmem:s29], [sflag:$0x3] =	stream.indirect_vreg.gather [hbm4b:s5+s3], $0x80, v4, vm0, $0xb8;
	[tilespmem:$0x13400] =	vst v63  }
0x84: {  	s2 =	simm.s32 $0xB400  }
0x85: {  	[tilespmem:s2], [sflag:$0x3] =	stream.indirect_vreg.gather [hbm4b:s6+s3], $0x80, v4, vm0, $0xb8;
	[tilespmem:$0x13400] =	vst v63  }
0x86: {  	s11 =	simm.s32 $0xBC00  }
0x87: {  	[tilespmem:s11], [sflag:$0x3] =	stream.indirect_vreg.gather [hbm4b:s1+s3], $0x80, v3, vm0, $0xb8;
	[tilespmem:$0x13400] =	vst v63  }
0x88: {  	s13 =	simm.s32 $0xC400  }
0x89: {  	[tilespmem:s13], [sflag:$0x3] =	stream.indirect_vreg.gather [hbm4b:s5+s3], $0x80, v3, vm0, $0xb8;
	[tilespmem:$0x13400] =	vst v63  }
0x8a: {  	s14 =	simm.s32 $0xCC00  }
0x8b: {  	[tilespmem:s14], [sflag:$0x3] =	stream.indirect_vreg.gather [hbm4b:s6+s3], $0x80, v3, vm0, $0xb8;
	[tilespmem:$0x13400] =	vst v63  }
0x8c: {  	v3 =	vld.msk [tilespmem:$0x110], $0xff;
	_ =	sdelay $0x4  }
0x8d: {  	v59 =	vshrl.u32 v3, $0x3  }
0x8e: {  	v4 =	vmul.u32 $0x30, v59  }
0x8f: {  	v3 =	vand.u32 $0x7, v3  }
0x90: {  	v3 =	vor.u32 v3, v4  }
0x91: {  	v3 =	vperm.xlane v3, v0;
	_ =	sdelay $0x1  }
0x92: {  	v3 =	vadd.s32 v1, v3;
	_ =	sdelay $0x3  }
0x93: {  	s15 =	simm.s32 $0xD400  }
0x94: {  	[tilespmem:s15], [sflag:$0x3] =	stream.indirect_vreg.gather [hbm4b:s1+s3], $0x80, v3, vm0, $0xb8;
	[tilespmem:$0x13400] =	vst v63  }
0x95: {  	s24 =	simm.s32 $0xDC00  }
0x96: {  	[tilespmem:s24], [sflag:$0x3] =	stream.indirect_vreg.gather [hbm4b:s5+s3], $0x80, v3, vm0, $0xb8;
	[tilespmem:$0x13400] =	vst v63  }
0x97: {  	s28 =	simm.s32 $0xE400  }
0x98: {  	[tilespmem:s28], [sflag:$0x3] =	stream.indirect_vreg.gather [hbm4b:s6+s3], $0x80, v3, vm0, $0xb8;
	[tilespmem:$0x13400] =	vst v63  }
0x99: {  	_ =	swait.ge [sflag:s20], $0x4800  }
0x9a: {  	s2 =	sld [smem:$0x7FC]  }
0x9b: {  	[sflag:s20] =	ssyncset.done $0x0  }
0x9c: {  	s13 =	simm.s32 $0x1400;
	[sflag:s20] =	ssyncadd.s32 $0xFFFFB800  }
0x9d: {  	[hbm4b:s2+s3] =	stream.linear.scatter [tilespmem:s13], [sflag:$0x5], $0x4800, $0x38;
	[tilespmem:$0x13400] =	vst v63  }
0x9e: {  	v3 =	vld [tilespmem:$0x180];
	_ =	sdelay $0x4  }
0x9f: {  	v60 =	vshrl.u32 v3, $0x3  }
0xa0: {  	v4 =	vmul.u32 $0x30, v60  }
0xa1: {  	v3 =	vand.u32 $0x7, v3  }
0xa2: {  	v3 =	vor.u32 v3, v4  }
0xa3: {  	v4 =	vperm.xlane v3, v0;
	_ =	sdelay $0x1  }
0xa4: {  	v4 =	vadd.s32 v1, v4;
	_ =	sdelay $0x3  }
0xa5: {  	s7 =	simm.s32 $0xEC00;
	v3 =	vperm.xlane v3, v2  }
0xa6: {  	[tilespmem:s7], [sflag:$0x4] =	stream.indirect_vreg.gather [hbm4b:s1+s3], $0x80, v4, vm0, $0xb8;
	[tilespmem:$0x13400] =	vst v63  }
0xa7: {  	s11 =	simm.s32 $0xF400;
	v3 =	vadd.s32 v1, v3  }
0xa8: {  	[tilespmem:s11], [sflag:$0x4] =	stream.indirect_vreg.gather [hbm4b:s5+s3], $0x80, v4, vm0, $0xb8;
	[tilespmem:$0x13400] =	vst v63  }
0xa9: {  	s14 =	simm.s32 $0xFC00  }
0xaa: {  	[tilespmem:s14], [sflag:$0x4] =	stream.indirect_vreg.gather [hbm4b:s6+s3], $0x80, v4, vm0, $0xb8;
	[tilespmem:$0x13400] =	vst v63  }
0xab: {  	s15 =	simm.s32 $0x10400  }
0xac: {  	[tilespmem:s15], [sflag:$0x4] =	stream.indirect_vreg.gather [hbm4b:s1+s3], $0x80, v3, vm0, $0xb8;
	[tilespmem:$0x13400] =	vst v63  }
0xad: {  	s24 =	simm.s32 $0x10C00  }
0xae: {  	[tilespmem:s24], [sflag:$0x4] =	stream.indirect_vreg.gather [hbm4b:s5+s3], $0x80, v3, vm0, $0xb8;
	[tilespmem:$0x13400] =	vst v63  }
0xaf: {  	s28 =	simm.s32 $0x11400  }
0xb0: {  	[tilespmem:s28], [sflag:$0x4] =	stream.indirect_vreg.gather [hbm4b:s6+s3], $0x80, v3, vm0, $0xb8;
	[tilespmem:$0x13400] =	vst v63  }
0xb1: {  	v3 =	vld.msk [tilespmem:$0x190], $0xff;
	_ =	sdelay $0x4  }
0xb2: {  	v61 =	vshrl.u32 v3, $0x3  }
0xb3: {  	v4 =	vmul.u32 $0x30, v61  }
0xb4: {  	v3 =	vand.u32 $0x7, v3  }
0xb5: {  	v3 =	vor.u32 v3, v4  }
0xb6: {  	v3 =	vperm.xlane v3, v0;
	_ =	sdelay $0x1  }
0xb7: {  	v3 =	vadd.s32 v1, v3;
	_ =	sdelay $0x3  }
0xb8: {  	s2 =	simm.s32 $0x11C00  }
0xb9: {  	[tilespmem:s2], [sflag:$0x4] =	stream.indirect_vreg.gather [hbm4b:s1+s3], $0x80, v3, vm0, $0xb8;
	[tilespmem:$0x13400] =	vst v63  }
0xba: {  	s11 =	simm.s32 $0x12400  }
0xbb: {  	[tilespmem:s11], [sflag:$0x4] =	stream.indirect_vreg.gather [hbm4b:s5+s3], $0x80, v3, vm0, $0xb8;
	[tilespmem:$0x13400] =	vst v63  }
0xbc: {  	s14 =	simm.s32 $0x12C00  }
0xbd: {  	[tilespmem:s14], [sflag:$0x4] =	stream.indirect_vreg.gather [hbm4b:s6+s3], $0x80, v3, vm0, $0xb8;
	[tilespmem:$0x13400] =	vst v63  }
0xbe: {  	_ =	swait.ge [sflag:s17], $0x4800  }
0xbf: {  	[sflag:s17] =	ssyncset.done $0x0  }
0xc0: {  	s2 =	simm.s32 $0x5C00;
	s15 =	rddreg [dreg:$0x5];
	[sflag:s17] =	ssyncadd.s32 $0xFFFFB800  }
0xc1: {  	[hbm4b:s15+s3] =	stream.linear.scatter [tilespmem:s2], [sflag:$0x6], $0x4800, $0x38;
	[tilespmem:$0x13400] =	vst v63  }
0xc2: {  	_ =	swait.ge [sflag:s0], $0x4800  }
0xc3: {  	[sflag:s0] =	ssyncset.done $0x0  }
0xc4: {  	[sflag:s0] =	ssyncadd.s32 $0xFFFFB800  }
0xc5: {  	v3 =	vld [tilespmem:$0x200];
	_ =	sdelay $0x4  }
0xc6: {  	v62 =	vshrl.u32 v3, $0x3  }
0xc7: {  	v4 =	vmul.u32 $0x30, v62  }
0xc8: {  	v3 =	vand.u32 $0x7, v3  }
0xc9: {  	v3 =	vor.u32 v3, v4  }
0xca: {  	v4 =	vperm.xlane v3, v0;
	_ =	sdelay $0x1  }
0xcb: {  	v4 =	vadd.s32 v1, v4;
	_ =	sdelay $0x3  }
0xcc: {  	v3 =	vperm.xlane v3, v2  }
0xcd: {  	[tilespmem:s13], [sflag:$0x1] =	stream.indirect_vreg.gather [hbm4b:s1+s3], $0x80, v4, vm0, $0xb8;
	[tilespmem:$0x13400] =	vst v63  }
0xce: {  	s24 =	simm.s32 $0x1C00;
	v3 =	vadd.s32 v1, v3  }
0xcf: {  	[tilespmem:s24], [sflag:$0x1] =	stream.indirect_vreg.gather [hbm4b:s5+s3], $0x80, v4, vm0, $0xb8;
	[tilespmem:$0x13400] =	vst v63  }
0xd0: {  	s13 =	simm.s32 $0x2400  }
0xd1: {  	[tilespmem:s13], [sflag:$0x1] =	stream.indirect_vreg.gather [hbm4b:s6+s3], $0x80, v4, vm0, $0xb8;
	[tilespmem:$0x13400] =	vst v63  }
0xd2: {  	s14 =	simm.s32 $0x2C00  }
0xd3: {  	[tilespmem:s14], [sflag:$0x1] =	stream.indirect_vreg.gather [hbm4b:s1+s3], $0x80, v3, vm0, $0xb8;
	[tilespmem:$0x13400] =	vst v63  }
0xd4: {  	s11 =	simm.s32 $0x3400  }
0xd5: {  	[tilespmem:s11], [sflag:$0x1] =	stream.indirect_vreg.gather [hbm4b:s5+s3], $0x80, v3, vm0, $0xb8;
	[tilespmem:$0x13400] =	vst v63  }
0xd6: {  	s16 =	simm.s32 $0x3C00  }
0xd7: {  	[tilespmem:s16], [sflag:$0x1] =	stream.indirect_vreg.gather [hbm4b:s6+s3], $0x80, v3, vm0, $0xb8;
	[tilespmem:$0x13400] =	vst v63  }
0xd8: {  	v3 =	vld.msk [tilespmem:$0x210], $0xff;
	_ =	sdelay $0x4  }
0xd9: {  	v63 =	vshrl.u32 v3, $0x3  }
0xda: {  	v4 =	vmul.u32 $0x30, v63  }
0xdb: {  	v3 =	vand.u32 $0x7, v3  }
0xdc: {  	v3 =	vor.u32 v3, v4  }
0xdd: {  	v3 =	vperm.xlane v3, v0;
	_ =	sdelay $0x1  }
0xde: {  	v3 =	vadd.s32 v1, v3;
	_ =	sdelay $0x3  }
0xdf: {  	s16 =	simm.s32 $0x4400  }
0xe0: {  	[tilespmem:s16], [sflag:$0x1] =	stream.indirect_vreg.gather [hbm4b:s1+s3], $0x80, v3, vm0, $0xb8;
	[tilespmem:$0x13400] =	vst v63  }
0xe1: {  	s15 =	simm.s32 $0x4C00  }
0xe2: {  	[tilespmem:s15], [sflag:$0x1] =	stream.indirect_vreg.gather [hbm4b:s5+s3], $0x80, v3, vm0, $0xb8;
	[tilespmem:$0x13400] =	vst v63  }
0xe3: {  	s10 =	simm.s32 $0x5400  }
0xe4: {  	[tilespmem:s10], [sflag:$0x1] =	stream.indirect_vreg.gather [hbm4b:s6+s3], $0x80, v3, vm0, $0xb8;
	[tilespmem:$0x13400] =	vst v63  }
0xe5: {  	_ =	swait.ge [sflag:s4], $0x4800  }
0xe6: {  	[sflag:s4] =	ssyncset.done $0x0  }
0xe7: {  	s7 =	simm.s32 $0xA400;
	s10 =	rddreg [dreg:$0x6];
	[sflag:s4] =	ssyncadd.s32 $0xFFFFB800  }
0xe8: {  	[hbm4b:s10+s3] =	stream.linear.scatter [tilespmem:s7], [sflag:$0x7], $0x4800, $0x38;
	[tilespmem:$0x13400] =	vst v63  }
0xe9: {  	_ =	swait.ge [sflag:s8], $0x4800  }
0xea: {  	[sflag:s8] =	ssyncset.done $0x0  }
0xeb: {  	[sflag:s8] =	ssyncadd.s32 $0xFFFFB800  }
0xec: {  	v3 =	vld [tilespmem:$0x280];
	_ =	sdelay $0x4  }
0xed: {  	v8 =	vshrl.u32 v3, $0x3  }
0xee: {  	v4 =	vmul.u32 $0x30, v8  }
0xef: {  	v3 =	vand.u32 $0x7, v3  }
0xf0: {  	v3 =	vor.u32 v3, v4  }
0xf1: {  	v4 =	vperm.xlane v3, v0;
	_ =	sdelay $0x1  }
0xf2: {  	v4 =	vadd.s32 v1, v4;
	_ =	sdelay $0x3  }
0xf3: {  	v3 =	vperm.xlane v3, v2  }
0xf4: {  	[tilespmem:s2], [sflag:$0x2] =	stream.indirect_vreg.gather [hbm4b:s1+s3], $0x80, v4, vm0, $0xb8;
	[tilespmem:$0x13400] =	vst v63  }
0xf5: {  	s30 =	simm.s32 $0x6400;
	v3 =	vadd.s32 v1, v3  }
0xf6: {  	[tilespmem:s30], [sflag:$0x2] =	stream.indirect_vreg.gather [hbm4b:s5+s3], $0x80, v4, vm0, $0xb8;
	[tilespmem:$0x13400] =	vst v63  }
0xf7: {  	s31 =	simm.s32 $0x6C00  }
0xf8: {  	[tilespmem:s31], [sflag:$0x2] =	stream.indirect_vreg.gather [hbm4b:s6+s3], $0x80, v4, vm0, $0xb8;
	[tilespmem:$0x13400] =	vst v63  }
0xf9: {  	s26 =	simm.s32 $0x7400  }
0xfa: {  	[tilespmem:s26], [sflag:$0x2] =	stream.indirect_vreg.gather [hbm4b:s1+s3], $0x80, v3, vm0, $0xb8;
	[tilespmem:$0x13400] =	vst v63  }
0xfb: {  	s12 =	simm.s32 $0x7C00  }
0xfc: {  	[tilespmem:s12], [sflag:$0x2] =	stream.indirect_vreg.gather [hbm4b:s5+s3], $0x80, v3, vm0, $0xb8;
	[tilespmem:$0x13400] =	vst v63  }
0xfd: {  	s21 =	simm.s32 $0x8400  }
0xfe: {  	[tilespmem:s21], [sflag:$0x2] =	stream.indirect_vreg.gather [hbm4b:s6+s3], $0x80, v3, vm0, $0xb8;
	[tilespmem:$0x13400] =	vst v63  }
0xff: {  	v3 =	vld.msk [tilespmem:$0x290], $0xff;
	_ =	sdelay $0x4  }
0x100: {  	v9 =	vshrl.u32 v3, $0x3  }
0x101: {  	v4 =	vmul.u32 $0x30, v9  }
0x102: {  	v3 =	vand.u32 $0x7, v3  }
0x103: {  	v3 =	vor.u32 v3, v4  }
0x104: {  	v3 =	vperm.xlane v3, v0;
	_ =	sdelay $0x1  }
0x105: {  	v3 =	vadd.s32 v1, v3;
	_ =	sdelay $0x3  }
0x106: {  	s25 =	simm.s32 $0x8C00  }
0x107: {  	[tilespmem:s25], [sflag:$0x2] =	stream.indirect_vreg.gather [hbm4b:s1+s3], $0x80, v3, vm0, $0xb8;
	[tilespmem:$0x13400] =	vst v63  }
0x108: {  	s18 =	simm.s32 $0x9400  }
0x109: {  	[tilespmem:s18], [sflag:$0x2] =	stream.indirect_vreg.gather [hbm4b:s5+s3], $0x80, v3, vm0, $0xb8;
	[tilespmem:$0x13400] =	vst v63  }
0x10a: {  	s9 =	simm.s32 $0x9C00  }
0x10b: {  	[tilespmem:s9], [sflag:$0x2] =	stream.indirect_vreg.gather [hbm4b:s6+s3], $0x80, v3, vm0, $0xb8;
	[tilespmem:$0x13400] =	vst v63  }
0x10c: {  	_ =	swait.ge [sflag:s19], $0x4800  }
0x10d: {  	[sflag:s19] =	ssyncset.done $0x0  }
0x10e: {  	s26 =	simm.s32 $0xEC00;
	s25 =	rddreg [dreg:$0x7];
	[sflag:s19] =	ssyncadd.s32 $0xFFFFB800  }
0x10f: {  	[hbm4b:s25+s3] =	stream.linear.scatter [tilespmem:s26], [sflag:$0x8], $0x4800, $0x38;
	[tilespmem:$0x13400] =	vst v63  }
0x110: {  	_ =	swait.ge [sflag:s22], $0x4800  }
0x111: {  	[sflag:s22] =	ssyncset.done $0x0  }
0x112: {  	[sflag:s22] =	ssyncadd.s32 $0xFFFFB800  }
0x113: {  	v3 =	vld [tilespmem:$0x300];
	_ =	sdelay $0x4  }
0x114: {  	v10 =	vshrl.u32 v3, $0x3  }
0x115: {  	v4 =	vmul.u32 $0x30, v10  }
0x116: {  	v3 =	vand.u32 $0x7, v3  }
0x117: {  	v3 =	vor.u32 v3, v4  }
0x118: {  	v4 =	vperm.xlane v3, v0;
	_ =	sdelay $0x1  }
0x119: {  	v4 =	vadd.s32 v1, v4;
	_ =	sdelay $0x3  }
0x11a: {  	v3 =	vperm.xlane v3, v2  }
0x11b: {  	[tilespmem:s7], [sflag:$0x3] =	stream.indirect_vreg.gather [hbm4b:s1+s3], $0x80, v4, vm0, $0xb8;
	[tilespmem:$0x13400] =	vst v63  }
0x11c: {  	s9 =	simm.s32 $0xAC00;
	v3 =	vadd.s32 v1, v3  }
0x11d: {  	[tilespmem:s9], [sflag:$0x3] =	stream.indirect_vreg.gather [hbm4b:s5+s3], $0x80, v4, vm0, $0xb8;
	[tilespmem:$0x13400] =	vst v63  }
0x11e: {  	s10 =	simm.s32 $0xB400  }
0x11f: {  	[tilespmem:s10], [sflag:$0x3] =	stream.indirect_vreg.gather [hbm4b:s6+s3], $0x80, v4, vm0, $0xb8;
	[tilespmem:$0x13400] =	vst v63  }
0x120: {  	s12 =	simm.s32 $0xBC00  }
0x121: {  	[tilespmem:s12], [sflag:$0x3] =	stream.indirect_vreg.gather [hbm4b:s1+s3], $0x80, v3, vm0, $0xb8;
	[tilespmem:$0x13400] =	vst v63  }
0x122: {  	s18 =	simm.s32 $0xC400  }
0x123: {  	[tilespmem:s18], [sflag:$0x3] =	stream.indirect_vreg.gather [hbm4b:s5+s3], $0x80, v3, vm0, $0xb8;
	[tilespmem:$0x13400] =	vst v63  }
0x124: {  	s29 =	simm.s32 $0xCC00  }
0x125: {  	[tilespmem:s29], [sflag:$0x3] =	stream.indirect_vreg.gather [hbm4b:s6+s3], $0x80, v3, vm0, $0xb8;
	[tilespmem:$0x13400] =	vst v63  }
0x126: {  	v3 =	vld.msk [tilespmem:$0x310], $0xff;
	_ =	sdelay $0x4  }
0x127: {  	v11 =	vshrl.u32 v3, $0x3  }
0x128: {  	v4 =	vmul.u32 $0x30, v11  }
0x129: {  	v3 =	vand.u32 $0x7, v3  }
0x12a: {  	v3 =	vor.u32 v3, v4  }
0x12b: {  	v3 =	vperm.xlane v3, v0;
	_ =	sdelay $0x1  }
0x12c: {  	v3 =	vadd.s32 v1, v3;
	_ =	sdelay $0x3  }
0x12d: {  	s18 =	simm.s32 $0xD400  }
0x12e: {  	[tilespmem:s18], [sflag:$0x3] =	stream.indirect_vreg.gather [hbm4b:s1+s3], $0x80, v3, vm0, $0xb8;
	[tilespmem:$0x13400] =	vst v63  }
0x12f: {  	s30 =	simm.s32 $0xDC00  }
0x130: {  	[tilespmem:s30], [sflag:$0x3] =	stream.indirect_vreg.gather [hbm4b:s5+s3], $0x80, v3, vm0, $0xb8;
	[tilespmem:$0x13400] =	vst v63  }
0x131: {  	s31 =	simm.s32 $0xE400  }
0x132: {  	[tilespmem:s31], [sflag:$0x3] =	stream.indirect_vreg.gather [hbm4b:s6+s3], $0x80, v3, vm0, $0xb8;
	[tilespmem:$0x13400] =	vst v63  }
0x133: {  	_ =	swait.ge [sflag:s20], $0x4800  }
0x134: {  	[sflag:s20] =	ssyncset.done $0x0  }
0x135: {  	s28 =	simm.s32 $0x1400;
	s21 =	rddreg [dreg:$0x8];
	[sflag:s20] =	ssyncadd.s32 $0xFFFFB800  }
0x136: {  	[hbm4b:s21+s3] =	stream.linear.scatter [tilespmem:s28], [sflag:$0x5], $0x4800, $0x38;
	[tilespmem:$0x13400] =	vst v63  }
0x137: {  	_ =	swait.ge [sflag:s23], $0x4800  }
0x138: {  	[sflag:s23] =	ssyncset.done $0x0  }
0x139: {  	[sflag:s23] =	ssyncadd.s32 $0xFFFFB800  }
0x13a: {  	v3 =	vld [tilespmem:$0x380];
	_ =	sdelay $0x4  }
0x13b: {  	v12 =	vshrl.u32 v3, $0x3  }
0x13c: {  	v4 =	vmul.u32 $0x30, v12  }
0x13d: {  	v3 =	vand.u32 $0x7, v3  }
0x13e: {  	v3 =	vor.u32 v3, v4  }
0x13f: {  	v4 =	vperm.xlane v3, v0;
	_ =	sdelay $0x1  }
0x140: {  	v4 =	vadd.s32 v1, v4;
	_ =	sdelay $0x3  }
0x141: {  	v3 =	vperm.xlane v3, v2  }
0x142: {  	[tilespmem:s26], [sflag:$0x4] =	stream.indirect_vreg.gather [hbm4b:s1+s3], $0x80, v4, vm0, $0xb8;
	[tilespmem:$0x13400] =	vst v63  }
0x143: {  	s10 =	simm.s32 $0xF400;
	v3 =	vadd.s32 v1, v3  }
0x144: {  	[tilespmem:s10], [sflag:$0x4] =	stream.indirect_vreg.gather [hbm4b:s5+s3], $0x80, v4, vm0, $0xb8;
	[tilespmem:$0x13400] =	vst v63  }
0x145: {  	s25 =	simm.s32 $0xFC00  }
0x146: {  	[tilespmem:s25], [sflag:$0x4] =	stream.indirect_vreg.gather [hbm4b:s6+s3], $0x80, v4, vm0, $0xb8;
	[tilespmem:$0x13400] =	vst v63  }
0x147: {  	s12 =	simm.s32 $0x10400  }
0x148: {  	[tilespmem:s12], [sflag:$0x4] =	stream.indirect_vreg.gather [hbm4b:s1+s3], $0x80, v3, vm0, $0xb8;
	[tilespmem:$0x13400] =	vst v63  }
0x149: {  	s25 =	simm.s32 $0x10C00  }
0x14a: {  	[tilespmem:s25], [sflag:$0x4] =	stream.indirect_vreg.gather [hbm4b:s5+s3], $0x80, v3, vm0, $0xb8;
	[tilespmem:$0x13400] =	vst v63  }
0x14b: {  	s26 =	simm.s32 $0x11400  }
0x14c: {  	[tilespmem:s26], [sflag:$0x4] =	stream.indirect_vreg.gather [hbm4b:s6+s3], $0x80, v3, vm0, $0xb8;
	[tilespmem:$0x13400] =	vst v63  }
0x14d: {  	v3 =	vld.msk [tilespmem:$0x390], $0xff;
	_ =	sdelay $0x4  }
0x14e: {  	v13 =	vshrl.u32 v3, $0x3  }
0x14f: {  	v4 =	vmul.u32 $0x30, v13  }
0x150: {  	v3 =	vand.u32 $0x7, v3  }
0x151: {  	v3 =	vor.u32 v3, v4  }
0x152: {  	v3 =	vperm.xlane v3, v0;
	_ =	sdelay $0x1  }
0x153: {  	v3 =	vadd.s32 v1, v3;
	_ =	sdelay $0x3  }
0x154: {  	s26 =	simm.s32 $0x11C00  }
0x155: {  	[tilespmem:s26], [sflag:$0x4] =	stream.indirect_vreg.gather [hbm4b:s1+s3], $0x80, v3, vm0, $0xb8;
	[tilespmem:$0x13400] =	vst v63  }
0x156: {  	s29 =	simm.s32 $0x12400  }
0x157: {  	[tilespmem:s29], [sflag:$0x4] =	stream.indirect_vreg.gather [hbm4b:s5+s3], $0x80, v3, vm0, $0xb8;
	[tilespmem:$0x13400] =	vst v63  }
0x158: {  	s28 =	simm.s32 $0x12C00  }
0x159: {  	[tilespmem:s28], [sflag:$0x4] =	stream.indirect_vreg.gather [hbm4b:s6+s3], $0x80, v3, vm0, $0xb8;
	[tilespmem:$0x13400] =	vst v63  }
0x15a: {  	_ =	swait.ge [sflag:s17], $0x4800  }
0x15b: {  	[sflag:s17] =	ssyncset.done $0x0  }
0x15c: {  	s28 =	simm.s32 $0x5C00;
	s9 =	rddreg [dreg:$0x9];
	[sflag:s17] =	ssyncadd.s32 $0xFFFFB800  }
0x15d: {  	[hbm4b:s9+s3] =	stream.linear.scatter [tilespmem:s28], [sflag:$0x6], $0x4800, $0x38;
	[tilespmem:$0x13400] =	vst v63  }
0x15e: {  	_ =	swait.ge [sflag:s0], $0x4800  }
0x15f: {  	[sflag:s0] =	ssyncset.done $0x0  }
0x160: {  	[sflag:s0] =	ssyncadd.s32 $0xFFFFB800  }
0x161: {  	v3 =	vld [tilespmem:$0x400];
	_ =	sdelay $0x4  }
0x162: {  	v14 =	vshrl.u32 v3, $0x3  }
0x163: {  	v4 =	vmul.u32 $0x30, v14  }
0x164: {  	v3 =	vand.u32 $0x7, v3  }
0x165: {  	v3 =	vor.u32 v3, v4  }
0x166: {  	v4 =	vperm.xlane v3, v0;
	_ =	sdelay $0x1  }
0x167: {  	v4 =	vadd.s32 v1, v4;
	_ =	sdelay $0x3  }
0x168: {  	s21 =	simm.s32 $0x1400;
	v3 =	vperm.xlane v3, v2  }
0x169: {  	[tilespmem:s21], [sflag:$0x1] =	stream.indirect_vreg.gather [hbm4b:s1+s3], $0x80, v4, vm0, $0xb8;
	[tilespmem:$0x13400] =	vst v63  }
0x16a: {  	s24 =	simm.s32 $0x1C00;
	v3 =	vadd.s32 v1, v3  }
0x16b: {  	[tilespmem:s24], [sflag:$0x1] =	stream.indirect_vreg.gather [hbm4b:s5+s3], $0x80, v4, vm0, $0xb8;
	[tilespmem:$0x13400] =	vst v63  }
0x16c: {  	_ = 	snop  }
0x16d: {  	[tilespmem:s13], [sflag:$0x1] =	stream.indirect_vreg.gather [hbm4b:s6+s3], $0x80, v4, vm0, $0xb8;
	[tilespmem:$0x13400] =	vst v63  }
0x16e: {  	_ = 	snop  }
0x16f: {  	[tilespmem:s14], [sflag:$0x1] =	stream.indirect_vreg.gather [hbm4b:s1+s3], $0x80, v3, vm0, $0xb8;
	[tilespmem:$0x13400] =	vst v63  }
0x170: {  	_ = 	snop  }
0x171: {  	[tilespmem:s11], [sflag:$0x1] =	stream.indirect_vreg.gather [hbm4b:s5+s3], $0x80, v3, vm0, $0xb8;
	[tilespmem:$0x13400] =	vst v63  }
0x172: {  	s21 =	simm.s32 $0x3C00  }
0x173: {  	[tilespmem:s21], [sflag:$0x1] =	stream.indirect_vreg.gather [hbm4b:s6+s3], $0x80, v3, vm0, $0xb8;
	[tilespmem:$0x13400] =	vst v63  }
0x174: {  	v3 =	vld.msk [tilespmem:$0x410], $0xff;
	_ =	sdelay $0x4  }
0x175: {  	v15 =	vshrl.u32 v3, $0x3  }
0x176: {  	v4 =	vmul.u32 $0x30, v15  }
0x177: {  	v3 =	vand.u32 $0x7, v3  }
0x178: {  	v3 =	vor.u32 v3, v4  }
0x179: {  	v3 =	vperm.xlane v3, v0;
	_ =	sdelay $0x1  }
0x17a: {  	v3 =	vadd.s32 v1, v3;
	_ =	sdelay $0x4  }
0x17b: {  	[tilespmem:s16], [sflag:$0x1] =	stream.indirect_vreg.gather [hbm4b:s1+s3], $0x80, v3, vm0, $0xb8;
	[tilespmem:$0x13400] =	vst v63  }
0x17c: {  	_ = 	snop  }
0x17d: {  	[tilespmem:s15], [sflag:$0x1] =	stream.indirect_vreg.gather [hbm4b:s5+s3], $0x80, v3, vm0, $0xb8;
	[tilespmem:$0x13400] =	vst v63  }
0x17e: {  	s24 =	simm.s32 $0x5400  }
0x17f: {  	[tilespmem:s24], [sflag:$0x1] =	stream.indirect_vreg.gather [hbm4b:s6+s3], $0x80, v3, vm0, $0xb8;
	[tilespmem:$0x13400] =	vst v63  }
0x180: {  	_ =	swait.ge [sflag:s4], $0x4800  }
0x181: {  	[sflag:s4] =	ssyncset.done $0x0  }
0x182: {  	s11 =	simm.s32 $0xA400;
	s2 =	rddreg [dreg:$0xa];
	[sflag:s4] =	ssyncadd.s32 $0xFFFFB800  }
0x183: {  	[hbm4b:s2+s3] =	stream.linear.scatter [tilespmem:s11], [sflag:$0x7], $0x4800, $0x38;
	[tilespmem:$0x13400] =	vst v63  }
0x184: {  	_ =	swait.ge [sflag:s8], $0x4800  }
0x185: {  	[sflag:s8] =	ssyncset.done $0x0  }
0x186: {  	[sflag:s8] =	ssyncadd.s32 $0xFFFFB800  }
0x187: {  	v3 =	vld [tilespmem:$0x480];
	_ =	sdelay $0x4  }
0x188: {  	v16 =	vshrl.u32 v3, $0x3  }
0x189: {  	v4 =	vmul.u32 $0x30, v16  }
0x18a: {  	v3 =	vand.u32 $0x7, v3  }
0x18b: {  	v3 =	vor.u32 v3, v4  }
0x18c: {  	v4 =	vperm.xlane v3, v0;
	_ =	sdelay $0x1  }
0x18d: {  	v4 =	vadd.s32 v1, v4;
	_ =	sdelay $0x3  }
0x18e: {  	v3 =	vperm.xlane v3, v2  }
0x18f: {  	[tilespmem:s28], [sflag:$0x2] =	stream.indirect_vreg.gather [hbm4b:s1+s3], $0x80, v4, vm0, $0xb8;
	[tilespmem:$0x13400] =	vst v63  }
0x190: {  	s13 =	simm.s32 $0x6400;
	v3 =	vadd.s32 v1, v3  }
0x191: {  	[tilespmem:s13], [sflag:$0x2] =	stream.indirect_vreg.gather [hbm4b:s5+s3], $0x80, v4, vm0, $0xb8;
	[tilespmem:$0x13400] =	vst v63  }
0x192: {  	s14 =	simm.s32 $0x6C00  }
0x193: {  	[tilespmem:s14], [sflag:$0x2] =	stream.indirect_vreg.gather [hbm4b:s6+s3], $0x80, v4, vm0, $0xb8;
	[tilespmem:$0x13400] =	vst v63  }
0x194: {  	s15 =	simm.s32 $0x7400  }
0x195: {  	[tilespmem:s15], [sflag:$0x2] =	stream.indirect_vreg.gather [hbm4b:s1+s3], $0x80, v3, vm0, $0xb8;
	[tilespmem:$0x13400] =	vst v63  }
0x196: {  	s15 =	simm.s32 $0x7C00  }
0x197: {  	[tilespmem:s15], [sflag:$0x2] =	stream.indirect_vreg.gather [hbm4b:s5+s3], $0x80, v3, vm0, $0xb8;
	[tilespmem:$0x13400] =	vst v63  }
0x198: {  	s13 =	simm.s32 $0x8400  }
0x199: {  	[tilespmem:s13], [sflag:$0x2] =	stream.indirect_vreg.gather [hbm4b:s6+s3], $0x80, v3, vm0, $0xb8;
	[tilespmem:$0x13400] =	vst v63  }
0x19a: {  	v3 =	vld.msk [tilespmem:$0x490], $0xff;
	_ =	sdelay $0x4  }
0x19b: {  	v17 =	vshrl.u32 v3, $0x3  }
0x19c: {  	v4 =	vmul.u32 $0x30, v17  }
0x19d: {  	v3 =	vand.u32 $0x7, v3  }
0x19e: {  	v3 =	vor.u32 v3, v4  }
0x19f: {  	v3 =	vperm.xlane v3, v0;
	_ =	sdelay $0x1  }
0x1a0: {  	v3 =	vadd.s32 v1, v3;
	_ =	sdelay $0x3  }
0x1a1: {  	s21 =	simm.s32 $0x8C00  }
0x1a2: {  	[tilespmem:s21], [sflag:$0x2] =	stream.indirect_vreg.gather [hbm4b:s1+s3], $0x80, v3, vm0, $0xb8;
	[tilespmem:$0x13400] =	vst v63  }
0x1a3: {  	s11 =	simm.s32 $0x9400  }
0x1a4: {  	[tilespmem:s11], [sflag:$0x2] =	stream.indirect_vreg.gather [hbm4b:s5+s3], $0x80, v3, vm0, $0xb8;
	[tilespmem:$0x13400] =	vst v63  }
0x1a5: {  	s14 =	simm.s32 $0x9C00  }
0x1a6: {  	[tilespmem:s14], [sflag:$0x2] =	stream.indirect_vreg.gather [hbm4b:s6+s3], $0x80, v3, vm0, $0xb8;
	[tilespmem:$0x13400] =	vst v63  }
0x1a7: {  	_ =	swait.ge [sflag:s19], $0x4800  }
0x1a8: {  	[sflag:s19] =	ssyncset.done $0x0  }
0x1a9: {  	s7 =	simm.s32 $0xEC00;
	s16 =	rddreg [dreg:$0xb];
	[sflag:s19] =	ssyncadd.s32 $0xFFFFB800  }
0x1aa: {  	[hbm4b:s16+s3] =	stream.linear.scatter [tilespmem:s7], [sflag:$0x8], $0x4800, $0x38;
	[tilespmem:$0x13400] =	vst v63  }
0x1ab: {  	_ =	swait.ge [sflag:s22], $0x4800  }
0x1ac: {  	[sflag:s22] =	ssyncset.done $0x0  }
0x1ad: {  	[sflag:s22] =	ssyncadd.s32 $0xFFFFB800  }
0x1ae: {  	v3 =	vld [tilespmem:$0x500];
	_ =	sdelay $0x4  }
0x1af: {  	v18 =	vshrl.u32 v3, $0x3  }
0x1b0: {  	v4 =	vmul.u32 $0x30, v18  }
0x1b1: {  	v3 =	vand.u32 $0x7, v3  }
0x1b2: {  	v3 =	vor.u32 v3, v4  }
0x1b3: {  	v4 =	vperm.xlane v3, v0;
	_ =	sdelay $0x1  }
0x1b4: {  	v4 =	vadd.s32 v1, v4;
	_ =	sdelay $0x3  }
0x1b5: {  	s2 =	simm.s32 $0xA400;
	v3 =	vperm.xlane v3, v2  }
0x1b6: {  	[tilespmem:s2], [sflag:$0x3] =	stream.indirect_vreg.gather [hbm4b:s1+s3], $0x80, v4, vm0, $0xb8;
	[tilespmem:$0x13400] =	vst v63  }
0x1b7: {  	s16 =	simm.s32 $0xAC00;
	v3 =	vadd.s32 v1, v3  }
0x1b8: {  	[tilespmem:s16], [sflag:$0x3] =	stream.indirect_vreg.gather [hbm4b:s5+s3], $0x80, v4, vm0, $0xb8;
	[tilespmem:$0x13400] =	vst v63  }
0x1b9: {  	s24 =	simm.s32 $0xB400  }
0x1ba: {  	[tilespmem:s24], [sflag:$0x3] =	stream.indirect_vreg.gather [hbm4b:s6+s3], $0x80, v4, vm0, $0xb8;
	[tilespmem:$0x13400] =	vst v63  }
0x1bb: {  	s24 =	simm.s32 $0xBC00  }
0x1bc: {  	[tilespmem:s24], [sflag:$0x3] =	stream.indirect_vreg.gather [hbm4b:s1+s3], $0x80, v3, vm0, $0xb8;
	[tilespmem:$0x13400] =	vst v63  }
0x1bd: {  	s24 =	simm.s32 $0xC400  }
0x1be: {  	[tilespmem:s24], [sflag:$0x3] =	stream.indirect_vreg.gather [hbm4b:s5+s3], $0x80, v3, vm0, $0xb8;
	[tilespmem:$0x13400] =	vst v63  }
0x1bf: {  	s24 =	simm.s32 $0xCC00  }
0x1c0: {  	[tilespmem:s24], [sflag:$0x3] =	stream.indirect_vreg.gather [hbm4b:s6+s3], $0x80, v3, vm0, $0xb8;
	[tilespmem:$0x13400] =	vst v63  }
0x1c1: {  	v3 =	vld.msk [tilespmem:$0x510], $0xff;
	_ =	sdelay $0x4  }
0x1c2: {  	v19 =	vshrl.u32 v3, $0x3  }
0x1c3: {  	v4 =	vmul.u32 $0x30, v19  }
0x1c4: {  	v3 =	vand.u32 $0x7, v3  }
0x1c5: {  	v3 =	vor.u32 v3, v4  }
0x1c6: {  	v3 =	vperm.xlane v3, v0;
	_ =	sdelay $0x1  }
0x1c7: {  	v3 =	vadd.s32 v1, v3;
	_ =	sdelay $0x4  }
0x1c8: {  	[tilespmem:s18], [sflag:$0x3] =	stream.indirect_vreg.gather [hbm4b:s1+s3], $0x80, v3, vm0, $0xb8;
	[tilespmem:$0x13400] =	vst v63  }
0x1c9: {  	_ = 	snop  }
0x1ca: {  	[tilespmem:s30], [sflag:$0x3] =	stream.indirect_vreg.gather [hbm4b:s5+s3], $0x80, v3, vm0, $0xb8;
	[tilespmem:$0x13400] =	vst v63  }
0x1cb: {  	_ = 	snop  }
0x1cc: {  	[tilespmem:s31], [sflag:$0x3] =	stream.indirect_vreg.gather [hbm4b:s6+s3], $0x80, v3, vm0, $0xb8;
	[tilespmem:$0x13400] =	vst v63  }
0x1cd: {  	_ =	swait.ge [sflag:s20], $0x4800  }
0x1ce: {  	[sflag:s20] =	ssyncset.done $0x0  }
0x1cf: {  	s9 =	simm.s32 $0x1400;
	s31 =	rddreg [dreg:$0xc];
	[sflag:s20] =	ssyncadd.s32 $0xFFFFB800  }
0x1d0: {  	[hbm4b:s31+s3] =	stream.linear.scatter [tilespmem:s9], [sflag:$0x5], $0x4800, $0x38;
	[tilespmem:$0x13400] =	vst v63  }
0x1d1: {  	_ =	swait.ge [sflag:s23], $0x4800  }
0x1d2: {  	[sflag:s23] =	ssyncset.done $0x0  }
0x1d3: {  	[sflag:s23] =	ssyncadd.s32 $0xFFFFB800  }
0x1d4: {  	v3 =	vld [tilespmem:$0x580];
	_ =	sdelay $0x4  }
0x1d5: {  	v20 =	vshrl.u32 v3, $0x3  }
0x1d6: {  	v4 =	vmul.u32 $0x30, v20  }
0x1d7: {  	v3 =	vand.u32 $0x7, v3  }
0x1d8: {  	v3 =	vor.u32 v3, v4  }
0x1d9: {  	v4 =	vperm.xlane v3, v0;
	_ =	sdelay $0x1  }
0x1da: {  	v4 =	vadd.s32 v1, v4;
	_ =	sdelay $0x3  }
0x1db: {  	v3 =	vperm.xlane v3, v2  }
0x1dc: {  	[tilespmem:s7], [sflag:$0x4] =	stream.indirect_vreg.gather [hbm4b:s1+s3], $0x80, v4, vm0, $0xb8;
	[tilespmem:$0x13400] =	vst v63  }
0x1dd: {  	v3 =	vadd.s32 v1, v3  }
0x1de: {  	[tilespmem:s10], [sflag:$0x4] =	stream.indirect_vreg.gather [hbm4b:s5+s3], $0x80, v4, vm0, $0xb8;
	[tilespmem:$0x13400] =	vst v63  }
0x1df: {  	s10 =	simm.s32 $0xFC00  }
0x1e0: {  	[tilespmem:s10], [sflag:$0x4] =	stream.indirect_vreg.gather [hbm4b:s6+s3], $0x80, v4, vm0, $0xb8;
	[tilespmem:$0x13400] =	vst v63  }
0x1e1: {  	_ = 	snop  }
0x1e2: {  	[tilespmem:s12], [sflag:$0x4] =	stream.indirect_vreg.gather [hbm4b:s1+s3], $0x80, v3, vm0, $0xb8;
	[tilespmem:$0x13400] =	vst v63  }
0x1e3: {  	_ = 	snop  }
0x1e4: {  	[tilespmem:s25], [sflag:$0x4] =	stream.indirect_vreg.gather [hbm4b:s5+s3], $0x80, v3, vm0, $0xb8;
	[tilespmem:$0x13400] =	vst v63  }
0x1e5: {  	s10 =	simm.s32 $0x11400  }
0x1e6: {  	[tilespmem:s10], [sflag:$0x4] =	stream.indirect_vreg.gather [hbm4b:s6+s3], $0x80, v3, vm0, $0xb8;
	[tilespmem:$0x13400] =	vst v63  }
0x1e7: {  	v3 =	vld.msk [tilespmem:$0x590], $0xff;
	_ =	sdelay $0x4  }
0x1e8: {  	v21 =	vshrl.u32 v3, $0x3  }
0x1e9: {  	v4 =	vmul.u32 $0x30, v21  }
0x1ea: {  	v3 =	vand.u32 $0x7, v3  }
0x1eb: {  	v3 =	vor.u32 v3, v4  }
0x1ec: {  	v3 =	vperm.xlane v3, v0;
	_ =	sdelay $0x1  }
0x1ed: {  	v3 =	vadd.s32 v1, v3;
	_ =	sdelay $0x4  }
0x1ee: {  	[tilespmem:s26], [sflag:$0x4] =	stream.indirect_vreg.gather [hbm4b:s1+s3], $0x80, v3, vm0, $0xb8;
	[tilespmem:$0x13400] =	vst v63  }
0x1ef: {  	_ = 	snop  }
0x1f0: {  	[tilespmem:s29], [sflag:$0x4] =	stream.indirect_vreg.gather [hbm4b:s5+s3], $0x80, v3, vm0, $0xb8;
	[tilespmem:$0x13400] =	vst v63  }
0x1f1: {  	s25 =	simm.s32 $0x12C00  }
0x1f2: {  	[tilespmem:s25], [sflag:$0x4] =	stream.indirect_vreg.gather [hbm4b:s6+s3], $0x80, v3, vm0, $0xb8;
	[tilespmem:$0x13400] =	vst v63  }
0x1f3: {  	_ =	swait.ge [sflag:s17], $0x4800  }
0x1f4: {  	[sflag:s17] =	ssyncset.done $0x0  }
0x1f5: {  	s18 =	rddreg [dreg:$0xd];
	[sflag:s17] =	ssyncadd.s32 $0xFFFFB800  }
0x1f6: {  	[hbm4b:s18+s3] =	stream.linear.scatter [tilespmem:s28], [sflag:$0x6], $0x4800, $0x38;
	[tilespmem:$0x13400] =	vst v63  }
0x1f7: {  	_ =	swait.ge [sflag:s0], $0x4800  }
0x1f8: {  	[sflag:s0] =	ssyncset.done $0x0  }
0x1f9: {  	[sflag:s0] =	ssyncadd.s32 $0xFFFFB800  }
0x1fa: {  	v3 =	vld [tilespmem:$0x600];
	_ =	sdelay $0x4  }
0x1fb: {  	v22 =	vshrl.u32 v3, $0x3  }
0x1fc: {  	v4 =	vmul.u32 $0x30, v22  }
0x1fd: {  	v3 =	vand.u32 $0x7, v3  }
0x1fe: {  	v3 =	vor.u32 v3, v4  }
0x1ff: {  	v4 =	vperm.xlane v3, v0;
	_ =	sdelay $0x1  }
0x200: {  	v4 =	vadd.s32 v1, v4;
	_ =	sdelay $0x3  }
0x201: {  	v3 =	vperm.xlane v3, v2  }
0x202: {  	[tilespmem:s9], [sflag:$0x1] =	stream.indirect_vreg.gather [hbm4b:s1+s3], $0x80, v4, vm0, $0xb8;
	[tilespmem:$0x13400] =	vst v63  }
0x203: {  	s26 =	simm.s32 $0x1C00;
	v3 =	vadd.s32 v1, v3  }
0x204: {  	[tilespmem:s26], [sflag:$0x1] =	stream.indirect_vreg.gather [hbm4b:s5+s3], $0x80, v4, vm0, $0xb8;
	[tilespmem:$0x13400] =	vst v63  }
0x205: {  	s18 =	simm.s32 $0x2400  }
0x206: {  	[tilespmem:s18], [sflag:$0x1] =	stream.indirect_vreg.gather [hbm4b:s6+s3], $0x80, v4, vm0, $0xb8;
	[tilespmem:$0x13400] =	vst v63  }
0x207: {  	s12 =	simm.s32 $0x2C00  }
0x208: {  	[tilespmem:s12], [sflag:$0x1] =	stream.indirect_vreg.gather [hbm4b:s1+s3], $0x80, v3, vm0, $0xb8;
	[tilespmem:$0x13400] =	vst v63  }
0x209: {  	s24 =	simm.s32 $0x3400  }
0x20a: {  	[tilespmem:s24], [sflag:$0x1] =	stream.indirect_vreg.gather [hbm4b:s5+s3], $0x80, v3, vm0, $0xb8;
	[tilespmem:$0x13400] =	vst v63  }
0x20b: {  	s28 =	simm.s32 $0x3C00  }
0x20c: {  	[tilespmem:s28], [sflag:$0x1] =	stream.indirect_vreg.gather [hbm4b:s6+s3], $0x80, v3, vm0, $0xb8;
	[tilespmem:$0x13400] =	vst v63  }
0x20d: {  	v3 =	vld.msk [tilespmem:$0x610], $0xff;
	_ =	sdelay $0x4  }
0x20e: {  	v23 =	vshrl.u32 v3, $0x3  }
0x20f: {  	v4 =	vmul.u32 $0x30, v23  }
0x210: {  	v3 =	vand.u32 $0x7, v3  }
0x211: {  	v3 =	vor.u32 v3, v4  }
0x212: {  	v3 =	vperm.xlane v3, v0;
	_ =	sdelay $0x1  }
0x213: {  	v3 =	vadd.s32 v1, v3;
	_ =	sdelay $0x3  }
0x214: {  	s24 =	simm.s32 $0x4400  }
0x215: {  	[tilespmem:s24], [sflag:$0x1] =	stream.indirect_vreg.gather [hbm4b:s1+s3], $0x80, v3, vm0, $0xb8;
	[tilespmem:$0x13400] =	vst v63  }
0x216: {  	s28 =	simm.s32 $0x4C00  }
0x217: {  	[tilespmem:s28], [sflag:$0x1] =	stream.indirect_vreg.gather [hbm4b:s5+s3], $0x80, v3, vm0, $0xb8;
	[tilespmem:$0x13400] =	vst v63  }
0x218: {  	s24 =	simm.s32 $0x5400  }
0x219: {  	[tilespmem:s24], [sflag:$0x1] =	stream.indirect_vreg.gather [hbm4b:s6+s3], $0x80, v3, vm0, $0xb8;
	[tilespmem:$0x13400] =	vst v63  }
0x21a: {  	_ =	swait.ge [sflag:s4], $0x4800  }
0x21b: {  	[sflag:s4] =	ssyncset.done $0x0  }
0x21c: {  	s2 =	simm.s32 $0xA400;
	s28 =	rddreg [dreg:$0xe];
	[sflag:s4] =	ssyncadd.s32 $0xFFFFB800  }
0x21d: {  	[hbm4b:s28+s3] =	stream.linear.scatter [tilespmem:s2], [sflag:$0x7], $0x4800, $0x38;
	[tilespmem:$0x13400] =	vst v63  }
0x21e: {  	_ =	swait.ge [sflag:s8], $0x4800  }
0x21f: {  	[sflag:s8] =	ssyncset.done $0x0  }
0x220: {  	[sflag:s8] =	ssyncadd.s32 $0xFFFFB800  }
0x221: {  	v3 =	vld [tilespmem:$0x680];
	_ =	sdelay $0x4  }
0x222: {  	v24 =	vshrl.u32 v3, $0x3  }
0x223: {  	v4 =	vmul.u32 $0x30, v24  }
0x224: {  	v3 =	vand.u32 $0x7, v3  }
0x225: {  	v3 =	vor.u32 v3, v4  }
0x226: {  	v4 =	vperm.xlane v3, v0;
	_ =	sdelay $0x1  }
0x227: {  	v4 =	vadd.s32 v1, v4;
	_ =	sdelay $0x3  }
0x228: {  	s7 =	simm.s32 $0x5C00;
	v3 =	vperm.xlane v3, v2  }
0x229: {  	[tilespmem:s7], [sflag:$0x2] =	stream.indirect_vreg.gather [hbm4b:s1+s3], $0x80, v4, vm0, $0xb8;
	[tilespmem:$0x13400] =	vst v63  }
0x22a: {  	s9 =	simm.s32 $0x6400;
	v3 =	vadd.s32 v1, v3  }
0x22b: {  	[tilespmem:s9], [sflag:$0x2] =	stream.indirect_vreg.gather [hbm4b:s5+s3], $0x80, v4, vm0, $0xb8;
	[tilespmem:$0x13400] =	vst v63  }
0x22c: {  	s24 =	simm.s32 $0x6C00  }
0x22d: {  	[tilespmem:s24], [sflag:$0x2] =	stream.indirect_vreg.gather [hbm4b:s6+s3], $0x80, v4, vm0, $0xb8;
	[tilespmem:$0x13400] =	vst v63  }
0x22e: {  	s9 =	simm.s32 $0x7400  }
0x22f: {  	[tilespmem:s9], [sflag:$0x2] =	stream.indirect_vreg.gather [hbm4b:s1+s3], $0x80, v3, vm0, $0xb8;
	[tilespmem:$0x13400] =	vst v63  }
0x230: {  	_ = 	snop  }
0x231: {  	[tilespmem:s15], [sflag:$0x2] =	stream.indirect_vreg.gather [hbm4b:s5+s3], $0x80, v3, vm0, $0xb8;
	[tilespmem:$0x13400] =	vst v63  }
0x232: {  	_ = 	snop  }
0x233: {  	[tilespmem:s13], [sflag:$0x2] =	stream.indirect_vreg.gather [hbm4b:s6+s3], $0x80, v3, vm0, $0xb8;
	[tilespmem:$0x13400] =	vst v63  }
0x234: {  	v3 =	vld.msk [tilespmem:$0x690], $0xff;
	_ =	sdelay $0x4  }
0x235: {  	v25 =	vshrl.u32 v3, $0x3  }
0x236: {  	v4 =	vmul.u32 $0x30, v25  }
0x237: {  	v3 =	vand.u32 $0x7, v3  }
0x238: {  	v3 =	vor.u32 v3, v4  }
0x239: {  	v3 =	vperm.xlane v3, v0;
	_ =	sdelay $0x1  }
0x23a: {  	v3 =	vadd.s32 v1, v3;
	_ =	sdelay $0x4  }
0x23b: {  	[tilespmem:s21], [sflag:$0x2] =	stream.indirect_vreg.gather [hbm4b:s1+s3], $0x80, v3, vm0, $0xb8;
	[tilespmem:$0x13400] =	vst v63  }
0x23c: {  	_ = 	snop  }
0x23d: {  	[tilespmem:s11], [sflag:$0x2] =	stream.indirect_vreg.gather [hbm4b:s5+s3], $0x80, v3, vm0, $0xb8;
	[tilespmem:$0x13400] =	vst v63  }
0x23e: {  	_ = 	snop  }
0x23f: {  	[tilespmem:s14], [sflag:$0x2] =	stream.indirect_vreg.gather [hbm4b:s6+s3], $0x80, v3, vm0, $0xb8;
	[tilespmem:$0x13400] =	vst v63  }
0x240: {  	_ =	swait.ge [sflag:s19], $0x4800  }
0x241: {  	[sflag:s19] =	ssyncset.done $0x0  }
0x242: {  	s9 =	simm.s32 $0xEC00;
	s21 =	rddreg [dreg:$0xf];
	[sflag:s19] =	ssyncadd.s32 $0xFFFFB800  }
0x243: {  	[hbm4b:s21+s3] =	stream.linear.scatter [tilespmem:s9], [sflag:$0x8], $0x4800, $0x38;
	[tilespmem:$0x13400] =	vst v63  }
0x244: {  	_ =	swait.ge [sflag:s22], $0x4800  }
0x245: {  	[sflag:s22] =	ssyncset.done $0x0  }
0x246: {  	[sflag:s22] =	ssyncadd.s32 $0xFFFFB800  }
0x247: {  	v3 =	vld [tilespmem:$0x700];
	_ =	sdelay $0x4  }
0x248: {  	v26 =	vshrl.u32 v3, $0x3  }
0x249: {  	v4 =	vmul.u32 $0x30, v26  }
0x24a: {  	v3 =	vand.u32 $0x7, v3  }
0x24b: {  	v3 =	vor.u32 v3, v4  }
0x24c: {  	v4 =	vperm.xlane v3, v0;
	_ =	sdelay $0x1  }
0x24d: {  	v4 =	vadd.s32 v1, v4;
	_ =	sdelay $0x3  }
0x24e: {  	v3 =	vperm.xlane v3, v2  }
0x24f: {  	[tilespmem:s2], [sflag:$0x3] =	stream.indirect_vreg.gather [hbm4b:s1+s3], $0x80, v4, vm0, $0xb8;
	[tilespmem:$0x13400] =	vst v63  }
0x250: {  	v3 =	vadd.s32 v1, v3  }
0x251: {  	[tilespmem:s16], [sflag:$0x3] =	stream.indirect_vreg.gather [hbm4b:s5+s3], $0x80, v4, vm0, $0xb8;
	[tilespmem:$0x13400] =	vst v63  }
0x252: {  	s24 =	simm.s32 $0xB400  }
0x253: {  	[tilespmem:s24], [sflag:$0x3] =	stream.indirect_vreg.gather [hbm4b:s6+s3], $0x80, v4, vm0, $0xb8;
	[tilespmem:$0x13400] =	vst v63  }
0x254: {  	s11 =	simm.s32 $0xBC00  }
0x255: {  	[tilespmem:s11], [sflag:$0x3] =	stream.indirect_vreg.gather [hbm4b:s1+s3], $0x80, v3, vm0, $0xb8;
	[tilespmem:$0x13400] =	vst v63  }
0x256: {  	s15 =	simm.s32 $0xC400  }
0x257: {  	[tilespmem:s15], [sflag:$0x3] =	stream.indirect_vreg.gather [hbm4b:s5+s3], $0x80, v3, vm0, $0xb8;
	[tilespmem:$0x13400] =	vst v63  }
0x258: {  	s16 =	simm.s32 $0xCC00  }
0x259: {  	[tilespmem:s16], [sflag:$0x3] =	stream.indirect_vreg.gather [hbm4b:s6+s3], $0x80, v3, vm0, $0xb8;
	[tilespmem:$0x13400] =	vst v63  }
0x25a: {  	v3 =	vld.msk [tilespmem:$0x710], $0xff;
	_ =	sdelay $0x4  }
0x25b: {  	v27 =	vshrl.u32 v3, $0x3  }
0x25c: {  	v4 =	vmul.u32 $0x30, v27  }
0x25d: {  	v3 =	vand.u32 $0x7, v3  }
0x25e: {  	v3 =	vor.u32 v3, v4  }
0x25f: {  	v3 =	vperm.xlane v3, v0;
	_ =	sdelay $0x1  }
0x260: {  	v3 =	vadd.s32 v1, v3;
	_ =	sdelay $0x3  }
0x261: {  	s24 =	simm.s32 $0xD400  }
0x262: {  	[tilespmem:s24], [sflag:$0x3] =	stream.indirect_vreg.gather [hbm4b:s1+s3], $0x80, v3, vm0, $0xb8;
	[tilespmem:$0x13400] =	vst v63  }
0x263: {  	s11 =	simm.s32 $0xDC00  }
0x264: {  	[tilespmem:s11], [sflag:$0x3] =	stream.indirect_vreg.gather [hbm4b:s5+s3], $0x80, v3, vm0, $0xb8;
	[tilespmem:$0x13400] =	vst v63  }
0x265: {  	s15 =	simm.s32 $0xE400  }
0x266: {  	[tilespmem:s15], [sflag:$0x3] =	stream.indirect_vreg.gather [hbm4b:s6+s3], $0x80, v3, vm0, $0xb8;
	[tilespmem:$0x13400] =	vst v63  }
0x267: {  	_ =	swait.ge [sflag:s20], $0x4800  }
0x268: {  	[sflag:s20] =	ssyncset.done $0x0  }
0x269: {  	s11 =	simm.s32 $0x1400;
	s16 =	rddreg [dreg:$0x10];
	[sflag:s20] =	ssyncadd.s32 $0xFFFFB800  }
0x26a: {  	[hbm4b:s16+s3] =	stream.linear.scatter [tilespmem:s11], [sflag:$0x5], $0x4800, $0x38;
	[tilespmem:$0x13400] =	vst v63  }
0x26b: {  	_ =	swait.ge [sflag:s23], $0x4800  }
0x26c: {  	[sflag:s23] =	ssyncset.done $0x0  }
0x26d: {  	[sflag:s23] =	ssyncadd.s32 $0xFFFFB800  }
0x26e: {  	v3 =	vld [tilespmem:$0x780];
	_ =	sdelay $0x4  }
0x26f: {  	v28 =	vshrl.u32 v3, $0x3  }
0x270: {  	v4 =	vmul.u32 $0x30, v28  }
0x271: {  	v3 =	vand.u32 $0x7, v3  }
0x272: {  	v3 =	vor.u32 v3, v4  }
0x273: {  	v4 =	vperm.xlane v3, v0;
	_ =	sdelay $0x1  }
0x274: {  	v4 =	vadd.s32 v1, v4;
	_ =	sdelay $0x3  }
0x275: {  	v3 =	vperm.xlane v3, v2  }
0x276: {  	[tilespmem:s9], [sflag:$0x4] =	stream.indirect_vreg.gather [hbm4b:s1+s3], $0x80, v4, vm0, $0xb8;
	[tilespmem:$0x13400] =	vst v63  }
0x277: {  	s24 =	simm.s32 $0xF400;
	v3 =	vadd.s32 v1, v3  }
0x278: {  	[tilespmem:s24], [sflag:$0x4] =	stream.indirect_vreg.gather [hbm4b:s5+s3], $0x80, v4, vm0, $0xb8;
	[tilespmem:$0x13400] =	vst v63  }
0x279: {  	s30 =	simm.s32 $0xFC00  }
0x27a: {  	[tilespmem:s30], [sflag:$0x4] =	stream.indirect_vreg.gather [hbm4b:s6+s3], $0x80, v4, vm0, $0xb8;
	[tilespmem:$0x13400] =	vst v63  }
0x27b: {  	s31 =	simm.s32 $0x10400  }
0x27c: {  	[tilespmem:s31], [sflag:$0x4] =	stream.indirect_vreg.gather [hbm4b:s1+s3], $0x80, v3, vm0, $0xb8;
	[tilespmem:$0x13400] =	vst v63  }
0x27d: {  	s9 =	simm.s32 $0x10C00  }
0x27e: {  	[tilespmem:s9], [sflag:$0x4] =	stream.indirect_vreg.gather [hbm4b:s5+s3], $0x80, v3, vm0, $0xb8;
	[tilespmem:$0x13400] =	vst v63  }
0x27f: {  	_ = 	snop  }
0x280: {  	[tilespmem:s10], [sflag:$0x4] =	stream.indirect_vreg.gather [hbm4b:s6+s3], $0x80, v3, vm0, $0xb8;
	[tilespmem:$0x13400] =	vst v63  }
0x281: {  	v3 =	vld.msk [tilespmem:$0x790], $0xff;
	_ =	sdelay $0x4  }
0x282: {  	v29 =	vshrl.u32 v3, $0x3  }
0x283: {  	v4 =	vmul.u32 $0x30, v29  }
0x284: {  	v3 =	vand.u32 $0x7, v3  }
0x285: {  	v3 =	vor.u32 v3, v4  }
0x286: {  	v3 =	vperm.xlane v3, v0;
	_ =	sdelay $0x1  }
0x287: {  	v3 =	vadd.s32 v1, v3;
	_ =	sdelay $0x3  }
0x288: {  	s10 =	simm.s32 $0x11C00  }
0x289: {  	[tilespmem:s10], [sflag:$0x4] =	stream.indirect_vreg.gather [hbm4b:s1+s3], $0x80, v3, vm0, $0xb8;
	[tilespmem:$0x13400] =	vst v63  }
0x28a: {  	s29 =	simm.s32 $0x12400  }
0x28b: {  	[tilespmem:s29], [sflag:$0x4] =	stream.indirect_vreg.gather [hbm4b:s5+s3], $0x80, v3, vm0, $0xb8;
	[tilespmem:$0x13400] =	vst v63  }
0x28c: {  	_ = 	snop  }
0x28d: {  	[tilespmem:s25], [sflag:$0x4] =	stream.indirect_vreg.gather [hbm4b:s6+s3], $0x80, v3, vm0, $0xb8;
	[tilespmem:$0x13400] =	vst v63  }
0x28e: {  	_ =	swait.ge [sflag:s17], $0x4800  }
0x28f: {  	[sflag:s17] =	ssyncset.done $0x0  }
0x290: {  	s28 =	simm.s32 $0x5C00;
	s15 =	rddreg [dreg:$0x11];
	[sflag:s17] =	ssyncadd.s32 $0xFFFFB800  }
0x291: {  	[hbm4b:s15+s3] =	stream.linear.scatter [tilespmem:s28], [sflag:$0x6], $0x4800, $0x38;
	[tilespmem:$0x13400] =	vst v63  }
0x292: {  	_ =	swait.ge [sflag:s0], $0x4800  }
0x293: {  	[sflag:s0] =	ssyncset.done $0x0  }
0x294: {  	[sflag:s0] =	ssyncadd.s32 $0xFFFFB800  }
0x295: {  	v3 =	vld [tilespmem:$0x800];
	_ =	sdelay $0x4  }
0x296: {  	v30 =	vshrl.u32 v3, $0x3  }
0x297: {  	v4 =	vmul.u32 $0x30, v30  }
0x298: {  	v3 =	vand.u32 $0x7, v3  }
0x299: {  	v3 =	vor.u32 v3, v4  }
0x29a: {  	v4 =	vperm.xlane v3, v0;
	_ =	sdelay $0x1  }
0x29b: {  	v4 =	vadd.s32 v1, v4;
	_ =	sdelay $0x3  }
0x29c: {  	v3 =	vperm.xlane v3, v2  }
0x29d: {  	[tilespmem:s11], [sflag:$0x1] =	stream.indirect_vreg.gather [hbm4b:s1+s3], $0x80, v4, vm0, $0xb8;
	[tilespmem:$0x13400] =	vst v63  }
0x29e: {  	v3 =	vadd.s32 v1, v3  }
0x29f: {  	[tilespmem:s26], [sflag:$0x1] =	stream.indirect_vreg.gather [hbm4b:s5+s3], $0x80, v4, vm0, $0xb8;
	[tilespmem:$0x13400] =	vst v63  }
0x2a0: {  	_ = 	snop  }
0x2a1: {  	[tilespmem:s18], [sflag:$0x1] =	stream.indirect_vreg.gather [hbm4b:s6+s3], $0x80, v4, vm0, $0xb8;
	[tilespmem:$0x13400] =	vst v63  }
0x2a2: {  	_ = 	snop  }
0x2a3: {  	[tilespmem:s12], [sflag:$0x1] =	stream.indirect_vreg.gather [hbm4b:s1+s3], $0x80, v3, vm0, $0xb8;
	[tilespmem:$0x13400] =	vst v63  }
0x2a4: {  	s24 =	simm.s32 $0x3400  }
0x2a5: {  	[tilespmem:s24], [sflag:$0x1] =	stream.indirect_vreg.gather [hbm4b:s5+s3], $0x80, v3, vm0, $0xb8;
	[tilespmem:$0x13400] =	vst v63  }
0x2a6: {  	s15 =	simm.s32 $0x3C00  }
0x2a7: {  	[tilespmem:s15], [sflag:$0x1] =	stream.indirect_vreg.gather [hbm4b:s6+s3], $0x80, v3, vm0, $0xb8;
	[tilespmem:$0x13400] =	vst v63  }
0x2a8: {  	v3 =	vld.msk [tilespmem:$0x810], $0xff;
	_ =	sdelay $0x4  }
0x2a9: {  	v31 =	vshrl.u32 v3, $0x3  }
0x2aa: {  	v4 =	vmul.u32 $0x30, v31  }
0x2ab: {  	v3 =	vand.u32 $0x7, v3  }
0x2ac: {  	v3 =	vor.u32 v3, v4  }
0x2ad: {  	v3 =	vperm.xlane v3, v0;
	_ =	sdelay $0x1  }
0x2ae: {  	v3 =	vadd.s32 v1, v3;
	_ =	sdelay $0x3  }
0x2af: {  	s24 =	simm.s32 $0x4400  }
0x2b0: {  	[tilespmem:s24], [sflag:$0x1] =	stream.indirect_vreg.gather [hbm4b:s1+s3], $0x80, v3, vm0, $0xb8;
	[tilespmem:$0x13400] =	vst v63  }
0x2b1: {  	s15 =	simm.s32 $0x4C00  }
0x2b2: {  	[tilespmem:s15], [sflag:$0x1] =	stream.indirect_vreg.gather [hbm4b:s5+s3], $0x80, v3, vm0, $0xb8;
	[tilespmem:$0x13400] =	vst v63  }
0x2b3: {  	s24 =	simm.s32 $0x5400  }
0x2b4: {  	[tilespmem:s24], [sflag:$0x1] =	stream.indirect_vreg.gather [hbm4b:s6+s3], $0x80, v3, vm0, $0xb8;
	[tilespmem:$0x13400] =	vst v63  }
0x2b5: {  	_ =	swait.ge [sflag:s4], $0x4800  }
0x2b6: {  	[sflag:s4] =	ssyncset.done $0x0  }
0x2b7: {  	s15 =	simm.s32 $0xA400;
	s11 =	rddreg [dreg:$0x12];
	[sflag:s4] =	ssyncadd.s32 $0xFFFFB800  }
0x2b8: {  	[hbm4b:s11+s3] =	stream.linear.scatter [tilespmem:s15], [sflag:$0x7], $0x4800, $0x38;
	[tilespmem:$0x13400] =	vst v63  }
0x2b9: {  	_ =	swait.ge [sflag:s8], $0x4800  }
0x2ba: {  	[sflag:s8] =	ssyncset.done $0x0  }
0x2bb: {  	[sflag:s8] =	ssyncadd.s32 $0xFFFFB800  }
0x2bc: {  	v3 =	vld [tilespmem:$0x880];
	_ =	sdelay $0x4  }
0x2bd: {  	v32 =	vshrl.u32 v3, $0x3  }
0x2be: {  	v4 =	vmul.u32 $0x30, v32  }
0x2bf: {  	v3 =	vand.u32 $0x7, v3  }
0x2c0: {  	v3 =	vor.u32 v3, v4  }
0x2c1: {  	v4 =	vperm.xlane v3, v0;
	_ =	sdelay $0x1  }
0x2c2: {  	v4 =	vadd.s32 v1, v4;
	_ =	sdelay $0x3  }
0x2c3: {  	s28 =	simm.s32 $0x5C00;
	v3 =	vperm.xlane v3, v2  }
0x2c4: {  	[tilespmem:s28], [sflag:$0x2] =	stream.indirect_vreg.gather [hbm4b:s1+s3], $0x80, v4, vm0, $0xb8;
	[tilespmem:$0x13400] =	vst v63  }
0x2c5: {  	s24 =	simm.s32 $0x6400;
	v3 =	vadd.s32 v1, v3  }
0x2c6: {  	[tilespmem:s24], [sflag:$0x2] =	stream.indirect_vreg.gather [hbm4b:s5+s3], $0x80, v4, vm0, $0xb8;
	[tilespmem:$0x13400] =	vst v63  }
0x2c7: {  	s24 =	simm.s32 $0x6C00  }
0x2c8: {  	[tilespmem:s24], [sflag:$0x2] =	stream.indirect_vreg.gather [hbm4b:s6+s3], $0x80, v4, vm0, $0xb8;
	[tilespmem:$0x13400] =	vst v63  }
0x2c9: {  	s7 =	simm.s32 $0x7400  }
0x2ca: {  	[tilespmem:s7], [sflag:$0x2] =	stream.indirect_vreg.gather [hbm4b:s1+s3], $0x80, v3, vm0, $0xb8;
	[tilespmem:$0x13400] =	vst v63  }
0x2cb: {  	s24 =	simm.s32 $0x7C00  }
0x2cc: {  	[tilespmem:s24], [sflag:$0x2] =	stream.indirect_vreg.gather [hbm4b:s5+s3], $0x80, v3, vm0, $0xb8;
	[tilespmem:$0x13400] =	vst v63  }
0x2cd: {  	s24 =	simm.s32 $0x8400  }
0x2ce: {  	[tilespmem:s24], [sflag:$0x2] =	stream.indirect_vreg.gather [hbm4b:s6+s3], $0x80, v3, vm0, $0xb8;
	[tilespmem:$0x13400] =	vst v63  }
0x2cf: {  	v3 =	vld.msk [tilespmem:$0x890], $0xff;
	_ =	sdelay $0x4  }
0x2d0: {  	v33 =	vshrl.u32 v3, $0x3  }
0x2d1: {  	v4 =	vmul.u32 $0x30, v33  }
0x2d2: {  	v3 =	vand.u32 $0x7, v3  }
0x2d3: {  	v3 =	vor.u32 v3, v4  }
0x2d4: {  	v3 =	vperm.xlane v3, v0;
	_ =	sdelay $0x1  }
0x2d5: {  	v3 =	vadd.s32 v1, v3;
	_ =	sdelay $0x3  }
0x2d6: {  	s13 =	simm.s32 $0x8C00  }
0x2d7: {  	[tilespmem:s13], [sflag:$0x2] =	stream.indirect_vreg.gather [hbm4b:s1+s3], $0x80, v3, vm0, $0xb8;
	[tilespmem:$0x13400] =	vst v63  }
0x2d8: {  	s24 =	simm.s32 $0x9400  }
0x2d9: {  	[tilespmem:s24], [sflag:$0x2] =	stream.indirect_vreg.gather [hbm4b:s5+s3], $0x80, v3, vm0, $0xb8;
	[tilespmem:$0x13400] =	vst v63  }
0x2da: {  	s14 =	simm.s32 $0x9C00  }
0x2db: {  	[tilespmem:s14], [sflag:$0x2] =	stream.indirect_vreg.gather [hbm4b:s6+s3], $0x80, v3, vm0, $0xb8;
	[tilespmem:$0x13400] =	vst v63  }
0x2dc: {  	_ =	swait.ge [sflag:s19], $0x4800  }
0x2dd: {  	[sflag:s19] =	ssyncset.done $0x0  }
0x2de: {  	s16 =	simm.s32 $0xEC00;
	s7 =	rddreg [dreg:$0x13];
	[sflag:s19] =	ssyncadd.s32 $0xFFFFB800  }
0x2df: {  	[hbm4b:s7+s3] =	stream.linear.scatter [tilespmem:s16], [sflag:$0x8], $0x4800, $0x38;
	[tilespmem:$0x13400] =	vst v63  }
0x2e0: {  	_ =	swait.ge [sflag:s22], $0x4800  }
0x2e1: {  	[sflag:s22] =	ssyncset.done $0x0  }
0x2e2: {  	[sflag:s22] =	ssyncadd.s32 $0xFFFFB800  }
0x2e3: {  	v3 =	vld [tilespmem:$0x900];
	_ =	sdelay $0x4  }
0x2e4: {  	v34 =	vshrl.u32 v3, $0x3  }
0x2e5: {  	v4 =	vmul.u32 $0x30, v34  }
0x2e6: {  	v3 =	vand.u32 $0x7, v3  }
0x2e7: {  	v3 =	vor.u32 v3, v4  }
0x2e8: {  	v4 =	vperm.xlane v3, v0;
	_ =	sdelay $0x1  }
0x2e9: {  	v4 =	vadd.s32 v1, v4;
	_ =	sdelay $0x3  }
0x2ea: {  	v3 =	vperm.xlane v3, v2  }
0x2eb: {  	[tilespmem:s15], [sflag:$0x3] =	stream.indirect_vreg.gather [hbm4b:s1+s3], $0x80, v4, vm0, $0xb8;
	[tilespmem:$0x13400] =	vst v63  }
0x2ec: {  	s21 =	simm.s32 $0xAC00;
	v3 =	vadd.s32 v1, v3  }
0x2ed: {  	[tilespmem:s21], [sflag:$0x3] =	stream.indirect_vreg.gather [hbm4b:s5+s3], $0x80, v4, vm0, $0xb8;
	[tilespmem:$0x13400] =	vst v63  }
0x2ee: {  	s13 =	simm.s32 $0xB400  }
0x2ef: {  	[tilespmem:s13], [sflag:$0x3] =	stream.indirect_vreg.gather [hbm4b:s6+s3], $0x80, v4, vm0, $0xb8;
	[tilespmem:$0x13400] =	vst v63  }
0x2f0: {  	s15 =	simm.s32 $0xBC00  }
0x2f1: {  	[tilespmem:s15], [sflag:$0x3] =	stream.indirect_vreg.gather [hbm4b:s1+s3], $0x80, v3, vm0, $0xb8;
	[tilespmem:$0x13400] =	vst v63  }
0x2f2: {  	s24 =	simm.s32 $0xC400  }
0x2f3: {  	[tilespmem:s24], [sflag:$0x3] =	stream.indirect_vreg.gather [hbm4b:s5+s3], $0x80, v3, vm0, $0xb8;
	[tilespmem:$0x13400] =	vst v63  }
0x2f4: {  	s13 =	simm.s32 $0xCC00  }
0x2f5: {  	[tilespmem:s13], [sflag:$0x3] =	stream.indirect_vreg.gather [hbm4b:s6+s3], $0x80, v3, vm0, $0xb8;
	[tilespmem:$0x13400] =	vst v63  }
0x2f6: {  	v3 =	vld.msk [tilespmem:$0x910], $0xff;
	_ =	sdelay $0x4  }
0x2f7: {  	v35 =	vshrl.u32 v3, $0x3  }
0x2f8: {  	v4 =	vmul.u32 $0x30, v35  }
0x2f9: {  	v3 =	vand.u32 $0x7, v3  }
0x2fa: {  	v3 =	vor.u32 v3, v4  }
0x2fb: {  	v3 =	vperm.xlane v3, v0;
	_ =	sdelay $0x1  }
0x2fc: {  	v3 =	vadd.s32 v1, v3;
	_ =	sdelay $0x3  }
0x2fd: {  	s15 =	simm.s32 $0xD400  }
0x2fe: {  	[tilespmem:s15], [sflag:$0x3] =	stream.indirect_vreg.gather [hbm4b:s1+s3], $0x80, v3, vm0, $0xb8;
	[tilespmem:$0x13400] =	vst v63  }
0x2ff: {  	s24 =	simm.s32 $0xDC00  }
0x300: {  	[tilespmem:s24], [sflag:$0x3] =	stream.indirect_vreg.gather [hbm4b:s5+s3], $0x80, v3, vm0, $0xb8;
	[tilespmem:$0x13400] =	vst v63  }
0x301: {  	s13 =	simm.s32 $0xE400  }
0x302: {  	[tilespmem:s13], [sflag:$0x3] =	stream.indirect_vreg.gather [hbm4b:s6+s3], $0x80, v3, vm0, $0xb8;
	[tilespmem:$0x13400] =	vst v63  }
0x303: {  	_ =	swait.ge [sflag:s20], $0x4800  }
0x304: {  	[sflag:s20] =	ssyncset.done $0x0  }
0x305: {  	s2 =	simm.s32 $0x1400;
	s15 =	rddreg [dreg:$0x14];
	[sflag:s20] =	ssyncadd.s32 $0xFFFFB800  }
0x306: {  	[hbm4b:s15+s3] =	stream.linear.scatter [tilespmem:s2], [sflag:$0x5], $0x4800, $0x38;
	[tilespmem:$0x13400] =	vst v63  }
0x307: {  	_ =	swait.ge [sflag:s23], $0x4800  }
0x308: {  	[sflag:s23] =	ssyncset.done $0x0  }
0x309: {  	[sflag:s23] =	ssyncadd.s32 $0xFFFFB800  }
0x30a: {  	v3 =	vld [tilespmem:$0x980];
	_ =	sdelay $0x4  }
0x30b: {  	v36 =	vshrl.u32 v3, $0x3  }
0x30c: {  	v4 =	vmul.u32 $0x30, v36  }
0x30d: {  	v3 =	vand.u32 $0x7, v3  }
0x30e: {  	v3 =	vor.u32 v3, v4  }
0x30f: {  	v4 =	vperm.xlane v3, v0;
	_ =	sdelay $0x1  }
0x310: {  	v4 =	vadd.s32 v1, v4;
	_ =	sdelay $0x3  }
0x311: {  	v3 =	vperm.xlane v3, v2  }
0x312: {  	[tilespmem:s16], [sflag:$0x4] =	stream.indirect_vreg.gather [hbm4b:s1+s3], $0x80, v4, vm0, $0xb8;
	[tilespmem:$0x13400] =	vst v63  }
0x313: {  	v3 =	vadd.s32 v1, v3;
	s16 =	simm.s32 $0xF400  }
0x314: {  	[tilespmem:s16], [sflag:$0x4] =	stream.indirect_vreg.gather [hbm4b:s5+s3], $0x80, v4, vm0, $0xb8;
	[tilespmem:$0x13400] =	vst v63  }
0x315: {  	s30 =	simm.s32 $0xFC00  }
0x316: {  	[tilespmem:s30], [sflag:$0x4] =	stream.indirect_vreg.gather [hbm4b:s6+s3], $0x80, v4, vm0, $0xb8;
	[tilespmem:$0x13400] =	vst v63  }
0x317: {  	s31 =	simm.s32 $0x10400  }
0x318: {  	[tilespmem:s31], [sflag:$0x4] =	stream.indirect_vreg.gather [hbm4b:s1+s3], $0x80, v3, vm0, $0xb8;
	[tilespmem:$0x13400] =	vst v63  }
0x319: {  	s24 =	simm.s32 $0x10C00  }
0x31a: {  	[tilespmem:s24], [sflag:$0x4] =	stream.indirect_vreg.gather [hbm4b:s5+s3], $0x80, v3, vm0, $0xb8;
	[tilespmem:$0x13400] =	vst v63  }
0x31b: {  	s9 =	simm.s32 $0x11400  }
0x31c: {  	[tilespmem:s9], [sflag:$0x4] =	stream.indirect_vreg.gather [hbm4b:s6+s3], $0x80, v3, vm0, $0xb8;
	[tilespmem:$0x13400] =	vst v63  }
0x31d: {  	v3 =	vld.msk [tilespmem:$0x990], $0xff;
	_ =	sdelay $0x4  }
0x31e: {  	v37 =	vshrl.u32 v3, $0x3  }
0x31f: {  	v4 =	vmul.u32 $0x30, v37  }
0x320: {  	v3 =	vand.u32 $0x7, v3  }
0x321: {  	v3 =	vor.u32 v3, v4  }
0x322: {  	v3 =	vperm.xlane v3, v0;
	_ =	sdelay $0x1  }
0x323: {  	v3 =	vadd.s32 v1, v3;
	_ =	sdelay $0x3  }
0x324: {  	s10 =	simm.s32 $0x11C00  }
0x325: {  	[tilespmem:s10], [sflag:$0x4] =	stream.indirect_vreg.gather [hbm4b:s1+s3], $0x80, v3, vm0, $0xb8;
	[tilespmem:$0x13400] =	vst v63  }
0x326: {  	s29 =	simm.s32 $0x12400  }
0x327: {  	[tilespmem:s29], [sflag:$0x4] =	stream.indirect_vreg.gather [hbm4b:s5+s3], $0x80, v3, vm0, $0xb8;
	[tilespmem:$0x13400] =	vst v63  }
0x328: {  	s25 =	simm.s32 $0x12C00  }
0x329: {  	[tilespmem:s25], [sflag:$0x4] =	stream.indirect_vreg.gather [hbm4b:s6+s3], $0x80, v3, vm0, $0xb8;
	[tilespmem:$0x13400] =	vst v63  }
0x32a: {  	_ =	swait.ge [sflag:s17], $0x4800  }
0x32b: {  	[sflag:s17] =	ssyncset.done $0x0  }
0x32c: {  	s28 =	simm.s32 $0x5C00;
	s25 =	rddreg [dreg:$0x15];
	[sflag:s17] =	ssyncadd.s32 $0xFFFFB800  }
0x32d: {  	[hbm4b:s25+s3] =	stream.linear.scatter [tilespmem:s28], [sflag:$0x6], $0x4800, $0x38;
	[tilespmem:$0x13400] =	vst v63  }
0x32e: {  	_ =	swait.ge [sflag:s0], $0x4800  }
0x32f: {  	[sflag:s0] =	ssyncset.done $0x0  }
0x330: {  	[sflag:s0] =	ssyncadd.s32 $0xFFFFB800  }
0x331: {  	v3 =	vld [tilespmem:$0xA00];
	_ =	sdelay $0x4  }
0x332: {  	v38 =	vshrl.u32 v3, $0x3  }
0x333: {  	v4 =	vmul.u32 $0x30, v38  }
0x334: {  	v3 =	vand.u32 $0x7, v3  }
0x335: {  	v3 =	vor.u32 v3, v4  }
0x336: {  	v4 =	vperm.xlane v3, v0;
	_ =	sdelay $0x1  }
0x337: {  	v4 =	vadd.s32 v1, v4;
	_ =	sdelay $0x3  }
0x338: {  	v3 =	vperm.xlane v3, v2  }
0x339: {  	[tilespmem:s2], [sflag:$0x1] =	stream.indirect_vreg.gather [hbm4b:s1+s3], $0x80, v4, vm0, $0xb8;
	[tilespmem:$0x13400] =	vst v63  }
0x33a: {  	v3 =	vadd.s32 v1, v3  }
0x33b: {  	[tilespmem:s26], [sflag:$0x1] =	stream.indirect_vreg.gather [hbm4b:s5+s3], $0x80, v4, vm0, $0xb8;
	[tilespmem:$0x13400] =	vst v63  }
0x33c: {  	_ = 	snop  }
0x33d: {  	[tilespmem:s18], [sflag:$0x1] =	stream.indirect_vreg.gather [hbm4b:s6+s3], $0x80, v4, vm0, $0xb8;
	[tilespmem:$0x13400] =	vst v63  }
0x33e: {  	_ = 	snop  }
0x33f: {  	[tilespmem:s12], [sflag:$0x1] =	stream.indirect_vreg.gather [hbm4b:s1+s3], $0x80, v3, vm0, $0xb8;
	[tilespmem:$0x13400] =	vst v63  }
0x340: {  	s30 =	simm.s32 $0x3400  }
0x341: {  	[tilespmem:s30], [sflag:$0x1] =	stream.indirect_vreg.gather [hbm4b:s5+s3], $0x80, v3, vm0, $0xb8;
	[tilespmem:$0x13400] =	vst v63  }
0x342: {  	s31 =	simm.s32 $0x3C00  }
0x343: {  	[tilespmem:s31], [sflag:$0x1] =	stream.indirect_vreg.gather [hbm4b:s6+s3], $0x80, v3, vm0, $0xb8;
	[tilespmem:$0x13400] =	vst v63  }
0x344: {  	v3 =	vld.msk [tilespmem:$0xA10], $0xff;
	_ =	sdelay $0x4  }
0x345: {  	v39 =	vshrl.u32 v3, $0x3  }
0x346: {  	v4 =	vmul.u32 $0x30, v39  }
0x347: {  	v3 =	vand.u32 $0x7, v3  }
0x348: {  	v3 =	vor.u32 v3, v4  }
0x349: {  	v3 =	vperm.xlane v3, v0;
	_ =	sdelay $0x1  }
0x34a: {  	v3 =	vadd.s32 v1, v3;
	_ =	sdelay $0x3  }
0x34b: {  	s7 =	simm.s32 $0x4400  }
0x34c: {  	[tilespmem:s7], [sflag:$0x1] =	stream.indirect_vreg.gather [hbm4b:s1+s3], $0x80, v3, vm0, $0xb8;
	[tilespmem:$0x13400] =	vst v63  }
0x34d: {  	s12 =	simm.s32 $0x4C00  }
0x34e: {  	[tilespmem:s12], [sflag:$0x1] =	stream.indirect_vreg.gather [hbm4b:s5+s3], $0x80, v3, vm0, $0xb8;
	[tilespmem:$0x13400] =	vst v63  }
0x34f: {  	s15 =	simm.s32 $0x5400  }
0x350: {  	[tilespmem:s15], [sflag:$0x1] =	stream.indirect_vreg.gather [hbm4b:s6+s3], $0x80, v3, vm0, $0xb8;
	[tilespmem:$0x13400] =	vst v63  }
0x351: {  	_ =	swait.ge [sflag:s4], $0x4800  }
0x352: {  	[sflag:s4] =	ssyncset.done $0x0  }
0x353: {  	s18 =	simm.s32 $0xA400;
	s16 =	rddreg [dreg:$0x16];
	[sflag:s4] =	ssyncadd.s32 $0xFFFFB800  }
0x354: {  	[hbm4b:s16+s3] =	stream.linear.scatter [tilespmem:s18], [sflag:$0x7], $0x4800, $0x38;
	[tilespmem:$0x13400] =	vst v63  }
0x355: {  	_ =	swait.ge [sflag:s8], $0x4800  }
0x356: {  	[sflag:s8] =	ssyncset.done $0x0  }
0x357: {  	[sflag:s8] =	ssyncadd.s32 $0xFFFFB800  }
0x358: {  	v3 =	vld [tilespmem:$0xA80];
	_ =	sdelay $0x4  }
0x359: {  	v40 =	vshrl.u32 v3, $0x3  }
0x35a: {  	v4 =	vmul.u32 $0x30, v40  }
0x35b: {  	v3 =	vand.u32 $0x7, v3  }
0x35c: {  	v3 =	vor.u32 v3, v4  }
0x35d: {  	v4 =	vperm.xlane v3, v0;
	_ =	sdelay $0x1  }
0x35e: {  	v4 =	vadd.s32 v1, v4;
	_ =	sdelay $0x3  }
0x35f: {  	s9 =	simm.s32 $0x5C00;
	v3 =	vperm.xlane v3, v2  }
0x360: {  	[tilespmem:s9], [sflag:$0x2] =	stream.indirect_vreg.gather [hbm4b:s1+s3], $0x80, v4, vm0, $0xb8;
	[tilespmem:$0x13400] =	vst v63  }
0x361: {  	s25 =	simm.s32 $0x6400;
	v3 =	vadd.s32 v1, v3  }
0x362: {  	[tilespmem:s25], [sflag:$0x2] =	stream.indirect_vreg.gather [hbm4b:s5+s3], $0x80, v4, vm0, $0xb8;
	[tilespmem:$0x13400] =	vst v63  }
0x363: {  	s26 =	simm.s32 $0x6C00  }
0x364: {  	[tilespmem:s26], [sflag:$0x2] =	stream.indirect_vreg.gather [hbm4b:s6+s3], $0x80, v4, vm0, $0xb8;
	[tilespmem:$0x13400] =	vst v63  }
0x365: {  	s11 =	simm.s32 $0x7400  }
0x366: {  	[tilespmem:s11], [sflag:$0x2] =	stream.indirect_vreg.gather [hbm4b:s1+s3], $0x80, v3, vm0, $0xb8;
	[tilespmem:$0x13400] =	vst v63  }
0x367: {  	s30 =	simm.s32 $0x7C00  }
0x368: {  	[tilespmem:s30], [sflag:$0x2] =	stream.indirect_vreg.gather [hbm4b:s5+s3], $0x80, v3, vm0, $0xb8;
	[tilespmem:$0x13400] =	vst v63  }
0x369: {  	s31 =	simm.s32 $0x8400  }
0x36a: {  	[tilespmem:s31], [sflag:$0x2] =	stream.indirect_vreg.gather [hbm4b:s6+s3], $0x80, v3, vm0, $0xb8;
	[tilespmem:$0x13400] =	vst v63  }
0x36b: {  	v3 =	vld.msk [tilespmem:$0xA90], $0xff;
	_ =	sdelay $0x4  }
0x36c: {  	v41 =	vshrl.u32 v3, $0x3  }
0x36d: {  	v4 =	vmul.u32 $0x30, v41  }
0x36e: {  	v3 =	vand.u32 $0x7, v3  }
0x36f: {  	v3 =	vor.u32 v3, v4  }
0x370: {  	v3 =	vperm.xlane v3, v0;
	_ =	sdelay $0x1  }
0x371: {  	v3 =	vadd.s32 v1, v3;
	_ =	sdelay $0x3  }
0x372: {  	s11 =	simm.s32 $0x8C00  }
0x373: {  	[tilespmem:s11], [sflag:$0x2] =	stream.indirect_vreg.gather [hbm4b:s1+s3], $0x80, v3, vm0, $0xb8;
	[tilespmem:$0x13400] =	vst v63  }
0x374: {  	s12 =	simm.s32 $0x9400  }
0x375: {  	[tilespmem:s12], [sflag:$0x2] =	stream.indirect_vreg.gather [hbm4b:s5+s3], $0x80, v3, vm0, $0xb8;
	[tilespmem:$0x13400] =	vst v63  }
0x376: {  	s14 =	simm.s32 $0x9C00  }
0x377: {  	[tilespmem:s14], [sflag:$0x2] =	stream.indirect_vreg.gather [hbm4b:s6+s3], $0x80, v3, vm0, $0xb8;
	[tilespmem:$0x13400] =	vst v63  }
0x378: {  	_ =	swait.ge [sflag:s19], $0x4800  }
0x379: {  	[sflag:s19] =	ssyncset.done $0x0  }
0x37a: {  	s16 =	simm.s32 $0xEC00;
	s15 =	rddreg [dreg:$0x17];
	[sflag:s19] =	ssyncadd.s32 $0xFFFFB800  }
0x37b: {  	[hbm4b:s15+s3] =	stream.linear.scatter [tilespmem:s16], [sflag:$0x8], $0x4800, $0x38;
	[tilespmem:$0x13400] =	vst v63  }
0x37c: {  	_ =	swait.ge [sflag:s22], $0x4800  }
0x37d: {  	[sflag:s22] =	ssyncset.done $0x0  }
0x37e: {  	[sflag:s22] =	ssyncadd.s32 $0xFFFFB800  }
0x37f: {  	v3 =	vld [tilespmem:$0xB00];
	_ =	sdelay $0x4  }
0x380: {  	v42 =	vshrl.u32 v3, $0x3  }
0x381: {  	v4 =	vmul.u32 $0x30, v42  }
0x382: {  	v3 =	vand.u32 $0x7, v3  }
0x383: {  	v3 =	vor.u32 v3, v4  }
0x384: {  	v4 =	vperm.xlane v3, v0;
	_ =	sdelay $0x1  }
0x385: {  	v4 =	vadd.s32 v1, v4;
	_ =	sdelay $0x3  }
0x386: {  	v3 =	vperm.xlane v3, v2  }
0x387: {  	[tilespmem:s18], [sflag:$0x3] =	stream.indirect_vreg.gather [hbm4b:s1+s3], $0x80, v4, vm0, $0xb8;
	[tilespmem:$0x13400] =	vst v63  }
0x388: {  	s21 =	simm.s32 $0xAC00;
	v3 =	vadd.s32 v1, v3  }
0x389: {  	[tilespmem:s21], [sflag:$0x3] =	stream.indirect_vreg.gather [hbm4b:s5+s3], $0x80, v4, vm0, $0xb8;
	[tilespmem:$0x13400] =	vst v63  }
0x38a: {  	s7 =	simm.s32 $0xB400  }
0x38b: {  	[tilespmem:s7], [sflag:$0x3] =	stream.indirect_vreg.gather [hbm4b:s6+s3], $0x80, v4, vm0, $0xb8;
	[tilespmem:$0x13400] =	vst v63  }
0x38c: {  	s21 =	simm.s32 $0xBC00  }
0x38d: {  	[tilespmem:s21], [sflag:$0x3] =	stream.indirect_vreg.gather [hbm4b:s1+s3], $0x80, v3, vm0, $0xb8;
	[tilespmem:$0x13400] =	vst v63  }
0x38e: {  	s24 =	simm.s32 $0xC400  }
0x38f: {  	[tilespmem:s24], [sflag:$0x3] =	stream.indirect_vreg.gather [hbm4b:s5+s3], $0x80, v3, vm0, $0xb8;
	[tilespmem:$0x13400] =	vst v63  }
0x390: {  	s25 =	simm.s32 $0xCC00  }
0x391: {  	[tilespmem:s25], [sflag:$0x3] =	stream.indirect_vreg.gather [hbm4b:s6+s3], $0x80, v3, vm0, $0xb8;
	[tilespmem:$0x13400] =	vst v63  }
0x392: {  	v3 =	vld.msk [tilespmem:$0xB10], $0xff;
	_ =	sdelay $0x4  }
0x393: {  	v43 =	vshrl.u32 v3, $0x3  }
0x394: {  	v4 =	vmul.u32 $0x30, v43  }
0x395: {  	v3 =	vand.u32 $0x7, v3  }
0x396: {  	v3 =	vor.u32 v3, v4  }
0x397: {  	v3 =	vperm.xlane v3, v0;
	_ =	sdelay $0x1  }
0x398: {  	v3 =	vadd.s32 v1, v3;
	_ =	sdelay $0x3  }
0x399: {  	s21 =	simm.s32 $0xD400  }
0x39a: {  	[tilespmem:s21], [sflag:$0x3] =	stream.indirect_vreg.gather [hbm4b:s1+s3], $0x80, v3, vm0, $0xb8;
	[tilespmem:$0x13400] =	vst v63  }
0x39b: {  	s18 =	simm.s32 $0xDC00  }
0x39c: {  	[tilespmem:s18], [sflag:$0x3] =	stream.indirect_vreg.gather [hbm4b:s5+s3], $0x80, v3, vm0, $0xb8;
	[tilespmem:$0x13400] =	vst v63  }
0x39d: {  	s25 =	simm.s32 $0xE400  }
0x39e: {  	[tilespmem:s25], [sflag:$0x3] =	stream.indirect_vreg.gather [hbm4b:s6+s3], $0x80, v3, vm0, $0xb8;
	[tilespmem:$0x13400] =	vst v63  }
0x39f: {  	_ =	swait.ge [sflag:s20], $0x4800  }
0x3a0: {  	[sflag:s20] =	ssyncset.done $0x0  }
0x3a1: {  	s12 =	simm.s32 $0x1400;
	s26 =	rddreg [dreg:$0x18];
	[sflag:s20] =	ssyncadd.s32 $0xFFFFB800  }
0x3a2: {  	[hbm4b:s26+s3] =	stream.linear.scatter [tilespmem:s12], [sflag:$0x5], $0x4800, $0x38;
	[tilespmem:$0x13400] =	vst v63  }
0x3a3: {  	_ =	swait.ge [sflag:s23], $0x4800  }
0x3a4: {  	[sflag:s23] =	ssyncset.done $0x0  }
0x3a5: {  	[sflag:s23] =	ssyncadd.s32 $0xFFFFB800  }
0x3a6: {  	v3 =	vld [tilespmem:$0xB80];
	_ =	sdelay $0x4  }
0x3a7: {  	v44 =	vshrl.u32 v3, $0x3  }
0x3a8: {  	v4 =	vmul.u32 $0x30, v44  }
0x3a9: {  	v3 =	vand.u32 $0x7, v3  }
0x3aa: {  	v3 =	vor.u32 v3, v4  }
0x3ab: {  	v4 =	vperm.xlane v3, v0;
	_ =	sdelay $0x1  }
0x3ac: {  	v4 =	vadd.s32 v1, v4;
	_ =	sdelay $0x3  }
0x3ad: {  	v3 =	vperm.xlane v3, v2  }
0x3ae: {  	[tilespmem:s16], [sflag:$0x4] =	stream.indirect_vreg.gather [hbm4b:s1+s3], $0x80, v4, vm0, $0xb8;
	[tilespmem:$0x13400] =	vst v63  }
0x3af: {  	s11 =	simm.s32 $0xF400;
	v3 =	vadd.s32 v1, v3  }
0x3b0: {  	[tilespmem:s11], [sflag:$0x4] =	stream.indirect_vreg.gather [hbm4b:s5+s3], $0x80, v4, vm0, $0xb8;
	[tilespmem:$0x13400] =	vst v63  }
0x3b1: {  	s16 =	simm.s32 $0xFC00  }
0x3b2: {  	[tilespmem:s16], [sflag:$0x4] =	stream.indirect_vreg.gather [hbm4b:s6+s3], $0x80, v4, vm0, $0xb8;
	[tilespmem:$0x13400] =	vst v63  }
0x3b3: {  	s30 =	simm.s32 $0x10400  }
0x3b4: {  	[tilespmem:s30], [sflag:$0x4] =	stream.indirect_vreg.gather [hbm4b:s1+s3], $0x80, v3, vm0, $0xb8;
	[tilespmem:$0x13400] =	vst v63  }
0x3b5: {  	s31 =	simm.s32 $0x10C00  }
0x3b6: {  	[tilespmem:s31], [sflag:$0x4] =	stream.indirect_vreg.gather [hbm4b:s5+s3], $0x80, v3, vm0, $0xb8;
	[tilespmem:$0x13400] =	vst v63  }
0x3b7: {  	s26 =	simm.s32 $0x11400  }
0x3b8: {  	[tilespmem:s26], [sflag:$0x4] =	stream.indirect_vreg.gather [hbm4b:s6+s3], $0x80, v3, vm0, $0xb8;
	[tilespmem:$0x13400] =	vst v63  }
0x3b9: {  	v3 =	vld.msk [tilespmem:$0xB90], $0xff;
	_ =	sdelay $0x4  }
0x3ba: {  	v45 =	vshrl.u32 v3, $0x3  }
0x3bb: {  	v4 =	vmul.u32 $0x30, v45  }
0x3bc: {  	v3 =	vand.u32 $0x7, v3  }
0x3bd: {  	v3 =	vor.u32 v3, v4  }
0x3be: {  	v3 =	vperm.xlane v3, v0;
	_ =	sdelay $0x1  }
0x3bf: {  	v3 =	vadd.s32 v1, v3;
	_ =	sdelay $0x3  }
0x3c0: {  	s15 =	simm.s32 $0x11C00  }
0x3c1: {  	[tilespmem:s15], [sflag:$0x4] =	stream.indirect_vreg.gather [hbm4b:s1+s3], $0x80, v3, vm0, $0xb8;
	[tilespmem:$0x13400] =	vst v63  }
0x3c2: {  	s24 =	simm.s32 $0x12400  }
0x3c3: {  	[tilespmem:s24], [sflag:$0x4] =	stream.indirect_vreg.gather [hbm4b:s5+s3], $0x80, v3, vm0, $0xb8;
	[tilespmem:$0x13400] =	vst v63  }
0x3c4: {  	s29 =	simm.s32 $0x12C00  }
0x3c5: {  	[tilespmem:s29], [sflag:$0x4] =	stream.indirect_vreg.gather [hbm4b:s6+s3], $0x80, v3, vm0, $0xb8;
	[tilespmem:$0x13400] =	vst v63  }
0x3c6: {  	_ =	swait.ge [sflag:s17], $0x4800  }
0x3c7: {  	[sflag:s17] =	ssyncset.done $0x0  }
0x3c8: {  	s29 =	rddreg [dreg:$0x19];
	[sflag:s17] =	ssyncadd.s32 $0xFFFFB800  }
0x3c9: {  	[hbm4b:s29+s3] =	stream.linear.scatter [tilespmem:s9], [sflag:$0x6], $0x4800, $0x38;
	[tilespmem:$0x13400] =	vst v63  }
0x3ca: {  	_ =	swait.ge [sflag:s0], $0x4800  }
0x3cb: {  	[sflag:s0] =	ssyncset.done $0x0  }
0x3cc: {  	[sflag:s0] =	ssyncadd.s32 $0xFFFFB800  }
0x3cd: {  	v3 =	vld [tilespmem:$0xC00];
	_ =	sdelay $0x4  }
0x3ce: {  	v46 =	vshrl.u32 v3, $0x3  }
0x3cf: {  	v4 =	vmul.u32 $0x30, v46  }
0x3d0: {  	v3 =	vand.u32 $0x7, v3  }
0x3d1: {  	v3 =	vor.u32 v3, v4  }
0x3d2: {  	v4 =	vperm.xlane v3, v0;
	_ =	sdelay $0x1  }
0x3d3: {  	v4 =	vadd.s32 v1, v4;
	_ =	sdelay $0x3  }
0x3d4: {  	v3 =	vperm.xlane v3, v2  }
0x3d5: {  	[tilespmem:s12], [sflag:$0x1] =	stream.indirect_vreg.gather [hbm4b:s1+s3], $0x80, v4, vm0, $0xb8;
	[tilespmem:$0x13400] =	vst v63  }
0x3d6: {  	s28 =	simm.s32 $0x1C00;
	v3 =	vadd.s32 v1, v3  }
0x3d7: {  	[tilespmem:s28], [sflag:$0x1] =	stream.indirect_vreg.gather [hbm4b:s5+s3], $0x80, v4, vm0, $0xb8;
	[tilespmem:$0x13400] =	vst v63  }
0x3d8: {  	s10 =	simm.s32 $0x2400  }
0x3d9: {  	[tilespmem:s10], [sflag:$0x1] =	stream.indirect_vreg.gather [hbm4b:s6+s3], $0x80, v4, vm0, $0xb8;
	[tilespmem:$0x13400] =	vst v63  }
0x3da: {  	s13 =	simm.s32 $0x2C00  }
0x3db: {  	[tilespmem:s13], [sflag:$0x1] =	stream.indirect_vreg.gather [hbm4b:s1+s3], $0x80, v3, vm0, $0xb8;
	[tilespmem:$0x13400] =	vst v63  }
0x3dc: {  	s29 =	simm.s32 $0x3400  }
0x3dd: {  	[tilespmem:s29], [sflag:$0x1] =	stream.indirect_vreg.gather [hbm4b:s5+s3], $0x80, v3, vm0, $0xb8;
	[tilespmem:$0x13400] =	vst v63  }
0x3de: {  	s13 =	simm.s32 $0x3C00  }
0x3df: {  	[tilespmem:s13], [sflag:$0x1] =	stream.indirect_vreg.gather [hbm4b:s6+s3], $0x80, v3, vm0, $0xb8;
	[tilespmem:$0x13400] =	vst v63  }
0x3e0: {  	v3 =	vld.msk [tilespmem:$0xC10], $0xff;
	_ =	sdelay $0x4  }
0x3e1: {  	v47 =	vshrl.u32 v3, $0x3  }
0x3e2: {  	v4 =	vmul.u32 $0x30, v47  }
0x3e3: {  	v3 =	vand.u32 $0x7, v3  }
0x3e4: {  	v3 =	vor.u32 v3, v4  }
0x3e5: {  	v3 =	vperm.xlane v3, v0;
	_ =	sdelay $0x1  }
0x3e6: {  	v3 =	vadd.s32 v1, v3;
	_ =	sdelay $0x3  }
0x3e7: {  	s28 =	simm.s32 $0x4400  }
0x3e8: {  	[tilespmem:s28], [sflag:$0x1] =	stream.indirect_vreg.gather [hbm4b:s1+s3], $0x80, v3, vm0, $0xb8;
	[tilespmem:$0x13400] =	vst v63  }
0x3e9: {  	s10 =	simm.s32 $0x4C00  }
0x3ea: {  	[tilespmem:s10], [sflag:$0x1] =	stream.indirect_vreg.gather [hbm4b:s5+s3], $0x80, v3, vm0, $0xb8;
	[tilespmem:$0x13400] =	vst v63  }
0x3eb: {  	s24 =	simm.s32 $0x5400  }
0x3ec: {  	[tilespmem:s24], [sflag:$0x1] =	stream.indirect_vreg.gather [hbm4b:s6+s3], $0x80, v3, vm0, $0xb8;
	[tilespmem:$0x13400] =	vst v63  }
0x3ed: {  	_ =	swait.ge [sflag:s4], $0x4800  }
0x3ee: {  	[sflag:s4] =	ssyncset.done $0x0  }
0x3ef: {  	s14 =	simm.s32 $0xA400;
	s24 =	rddreg [dreg:$0x1a];
	[sflag:s4] =	ssyncadd.s32 $0xFFFFB800  }
0x3f0: {  	[hbm4b:s24+s3] =	stream.linear.scatter [tilespmem:s14], [sflag:$0x7], $0x4800, $0x38;
	[tilespmem:$0x13400] =	vst v63  }
0x3f1: {  	_ =	swait.ge [sflag:s8], $0x4800  }
0x3f2: {  	[sflag:s8] =	ssyncset.done $0x0  }
0x3f3: {  	[sflag:s8] =	ssyncadd.s32 $0xFFFFB800  }
0x3f4: {  	v3 =	vld [tilespmem:$0xC80];
	_ =	sdelay $0x4  }
0x3f5: {  	v48 =	vshrl.u32 v3, $0x3  }
0x3f6: {  	v4 =	vmul.u32 $0x30, v48  }
0x3f7: {  	v3 =	vand.u32 $0x7, v3  }
0x3f8: {  	v3 =	vor.u32 v3, v4  }
0x3f9: {  	v4 =	vperm.xlane v3, v0;
	_ =	sdelay $0x1  }
0x3fa: {  	v4 =	vadd.s32 v1, v4;
	_ =	sdelay $0x3  }
0x3fb: {  	v3 =	vperm.xlane v3, v2  }
0x3fc: {  	[tilespmem:s9], [sflag:$0x2] =	stream.indirect_vreg.gather [hbm4b:s1+s3], $0x80, v4, vm0, $0xb8;
	[tilespmem:$0x13400] =	vst v63  }
0x3fd: {  	s24 =	simm.s32 $0x6400;
	v3 =	vadd.s32 v1, v3  }
0x3fe: {  	[tilespmem:s24], [sflag:$0x2] =	stream.indirect_vreg.gather [hbm4b:s5+s3], $0x80, v4, vm0, $0xb8;
	[tilespmem:$0x13400] =	vst v63  }
0x3ff: {  	s24 =	simm.s32 $0x6C00  }
0x400: {  	[tilespmem:s24], [sflag:$0x2] =	stream.indirect_vreg.gather [hbm4b:s6+s3], $0x80, v4, vm0, $0xb8;
	[tilespmem:$0x13400] =	vst v63  }
0x401: {  	s24 =	simm.s32 $0x7400  }
0x402: {  	[tilespmem:s24], [sflag:$0x2] =	stream.indirect_vreg.gather [hbm4b:s1+s3], $0x80, v3, vm0, $0xb8;
	[tilespmem:$0x13400] =	vst v63  }
0x403: {  	s24 =	simm.s32 $0x7C00  }
0x404: {  	[tilespmem:s24], [sflag:$0x2] =	stream.indirect_vreg.gather [hbm4b:s5+s3], $0x80, v3, vm0, $0xb8;
	[tilespmem:$0x13400] =	vst v63  }
0x405: {  	s24 =	simm.s32 $0x8400  }
0x406: {  	[tilespmem:s24], [sflag:$0x2] =	stream.indirect_vreg.gather [hbm4b:s6+s3], $0x80, v3, vm0, $0xb8;
	[tilespmem:$0x13400] =	vst v63  }
0x407: {  	v3 =	vld.msk [tilespmem:$0xC90], $0xff;
	_ =	sdelay $0x4  }
0x408: {  	v49 =	vshrl.u32 v3, $0x3  }
0x409: {  	v4 =	vmul.u32 $0x30, v49  }
0x40a: {  	v3 =	vand.u32 $0x7, v3  }
0x40b: {  	v3 =	vor.u32 v3, v4  }
0x40c: {  	v3 =	vperm.xlane v3, v0;
	_ =	sdelay $0x1  }
0x40d: {  	v3 =	vadd.s32 v1, v3;
	_ =	sdelay $0x3  }
0x40e: {  	s24 =	simm.s32 $0x8C00  }
0x40f: {  	[tilespmem:s24], [sflag:$0x2] =	stream.indirect_vreg.gather [hbm4b:s1+s3], $0x80, v3, vm0, $0xb8;
	[tilespmem:$0x13400] =	vst v63  }
0x410: {  	s24 =	simm.s32 $0x9400  }
0x411: {  	[tilespmem:s24], [sflag:$0x2] =	stream.indirect_vreg.gather [hbm4b:s5+s3], $0x80, v3, vm0, $0xb8;
	[tilespmem:$0x13400] =	vst v63  }
0x412: {  	s24 =	simm.s32 $0x9C00  }
0x413: {  	[tilespmem:s24], [sflag:$0x2] =	stream.indirect_vreg.gather [hbm4b:s6+s3], $0x80, v3, vm0, $0xb8;
	[tilespmem:$0x13400] =	vst v63  }
0x414: {  	_ =	swait.ge [sflag:s19], $0x4800  }
0x415: {  	[sflag:s19] =	ssyncset.done $0x0  }
0x416: {  	s2 =	simm.s32 $0xEC00;
	s9 =	rddreg [dreg:$0x1b];
	[sflag:s19] =	ssyncadd.s32 $0xFFFFB800  }
0x417: {  	[hbm4b:s9+s3] =	stream.linear.scatter [tilespmem:s2], [sflag:$0x8], $0x4800, $0x38;
	[tilespmem:$0x13400] =	vst v63  }
0x418: {  	_ =	swait.ge [sflag:s22], $0x4800  }
0x419: {  	[sflag:s22] =	ssyncset.done $0x0  }
0x41a: {  	[sflag:s22] =	ssyncadd.s32 $0xFFFFB800  }
0x41b: {  	v3 =	vld [tilespmem:$0xD00];
	_ =	sdelay $0x4  }
0x41c: {  	v50 =	vshrl.u32 v3, $0x3  }
0x41d: {  	v4 =	vmul.u32 $0x30, v50  }
0x41e: {  	v3 =	vand.u32 $0x7, v3  }
0x41f: {  	v3 =	vor.u32 v3, v4  }
0x420: {  	v4 =	vperm.xlane v3, v0;
	_ =	sdelay $0x1  }
0x421: {  	v4 =	vadd.s32 v1, v4;
	_ =	sdelay $0x3  }
0x422: {  	v3 =	vperm.xlane v3, v2  }
0x423: {  	[tilespmem:s14], [sflag:$0x3] =	stream.indirect_vreg.gather [hbm4b:s1+s3], $0x80, v4, vm0, $0xb8;
	[tilespmem:$0x13400] =	vst v63  }
0x424: {  	s24 =	simm.s32 $0xAC00;
	v3 =	vadd.s32 v1, v3  }
0x425: {  	[tilespmem:s24], [sflag:$0x3] =	stream.indirect_vreg.gather [hbm4b:s5+s3], $0x80, v4, vm0, $0xb8;
	[tilespmem:$0x13400] =	vst v63  }
0x426: {  	_ = 	snop  }
0x427: {  	[tilespmem:s7], [sflag:$0x3] =	stream.indirect_vreg.gather [hbm4b:s6+s3], $0x80, v4, vm0, $0xb8;
	[tilespmem:$0x13400] =	vst v63  }
0x428: {  	s9 =	simm.s32 $0xBC00  }
0x429: {  	[tilespmem:s9], [sflag:$0x3] =	stream.indirect_vreg.gather [hbm4b:s1+s3], $0x80, v3, vm0, $0xb8;
	[tilespmem:$0x13400] =	vst v63  }
0x42a: {  	s24 =	simm.s32 $0xC400  }
0x42b: {  	[tilespmem:s24], [sflag:$0x3] =	stream.indirect_vreg.gather [hbm4b:s5+s3], $0x80, v3, vm0, $0xb8;
	[tilespmem:$0x13400] =	vst v63  }
0x42c: {  	s9 =	simm.s32 $0xCC00  }
0x42d: {  	[tilespmem:s9], [sflag:$0x3] =	stream.indirect_vreg.gather [hbm4b:s6+s3], $0x80, v3, vm0, $0xb8;
	[tilespmem:$0x13400] =	vst v63  }
0x42e: {  	v3 =	vld.msk [tilespmem:$0xD10], $0xff;
	_ =	sdelay $0x4  }
0x42f: {  	v51 =	vshrl.u32 v3, $0x3  }
0x430: {  	v4 =	vmul.u32 $0x30, v51  }
0x431: {  	v3 =	vand.u32 $0x7, v3  }
0x432: {  	v3 =	vor.u32 v3, v4  }
0x433: {  	v3 =	vperm.xlane v3, v0;
	_ =	sdelay $0x1  }
0x434: {  	v3 =	vadd.s32 v1, v3;
	_ =	sdelay $0x4  }
0x435: {  	[tilespmem:s21], [sflag:$0x3] =	stream.indirect_vreg.gather [hbm4b:s1+s3], $0x80, v3, vm0, $0xb8;
	[tilespmem:$0x13400] =	vst v63  }
0x436: {  	_ = 	snop  }
0x437: {  	[tilespmem:s18], [sflag:$0x3] =	stream.indirect_vreg.gather [hbm4b:s5+s3], $0x80, v3, vm0, $0xb8;
	[tilespmem:$0x13400] =	vst v63  }
0x438: {  	_ = 	snop  }
0x439: {  	[tilespmem:s25], [sflag:$0x3] =	stream.indirect_vreg.gather [hbm4b:s6+s3], $0x80, v3, vm0, $0xb8;
	[tilespmem:$0x13400] =	vst v63  }
0x43a: {  	_ =	swait.ge [sflag:s20], $0x4800  }
0x43b: {  	[sflag:s20] =	ssyncset.done $0x0  }
0x43c: {  	s12 =	simm.s32 $0x1400;
	s21 =	rddreg [dreg:$0x1c];
	[sflag:s20] =	ssyncadd.s32 $0xFFFFB800  }
0x43d: {  	[hbm4b:s21+s3] =	stream.linear.scatter [tilespmem:s12], [sflag:$0x5], $0x4800, $0x38;
	[tilespmem:$0x13400] =	vst v63  }
0x43e: {  	_ =	swait.ge [sflag:s23], $0x4800  }
0x43f: {  	[sflag:s23] =	ssyncset.done $0x0  }
0x440: {  	[sflag:s23] =	ssyncadd.s32 $0xFFFFB800  }
0x441: {  	v3 =	vld [tilespmem:$0xD80];
	_ =	sdelay $0x4  }
0x442: {  	v52 =	vshrl.u32 v3, $0x3  }
0x443: {  	v4 =	vmul.u32 $0x30, v52  }
0x444: {  	v3 =	vand.u32 $0x7, v3  }
0x445: {  	v3 =	vor.u32 v3, v4  }
0x446: {  	v4 =	vperm.xlane v3, v0;
	_ =	sdelay $0x1  }
0x447: {  	v4 =	vadd.s32 v1, v4;
	_ =	sdelay $0x3  }
0x448: {  	v3 =	vperm.xlane v3, v2  }
0x449: {  	[tilespmem:s2], [sflag:$0x4] =	stream.indirect_vreg.gather [hbm4b:s1+s3], $0x80, v4, vm0, $0xb8;
	[tilespmem:$0x13400] =	vst v63  }
0x44a: {  	v3 =	vadd.s32 v1, v3  }
0x44b: {  	[tilespmem:s11], [sflag:$0x4] =	stream.indirect_vreg.gather [hbm4b:s5+s3], $0x80, v4, vm0, $0xb8;
	[tilespmem:$0x13400] =	vst v63  }
0x44c: {  	_ = 	snop  }
0x44d: {  	[tilespmem:s16], [sflag:$0x4] =	stream.indirect_vreg.gather [hbm4b:s6+s3], $0x80, v4, vm0, $0xb8;
	[tilespmem:$0x13400] =	vst v63  }
0x44e: {  	_ = 	snop  }
0x44f: {  	[tilespmem:s30], [sflag:$0x4] =	stream.indirect_vreg.gather [hbm4b:s1+s3], $0x80, v3, vm0, $0xb8;
	[tilespmem:$0x13400] =	vst v63  }
0x450: {  	_ = 	snop  }
0x451: {  	[tilespmem:s31], [sflag:$0x4] =	stream.indirect_vreg.gather [hbm4b:s5+s3], $0x80, v3, vm0, $0xb8;
	[tilespmem:$0x13400] =	vst v63  }
0x452: {  	_ = 	snop  }
0x453: {  	[tilespmem:s26], [sflag:$0x4] =	stream.indirect_vreg.gather [hbm4b:s6+s3], $0x80, v3, vm0, $0xb8;
	[tilespmem:$0x13400] =	vst v63  }
0x454: {  	v3 =	vld.msk [tilespmem:$0xD90], $0xff;
	_ =	sdelay $0x4  }
0x455: {  	v53 =	vshrl.u32 v3, $0x3  }
0x456: {  	v4 =	vmul.u32 $0x30, v53  }
0x457: {  	v3 =	vand.u32 $0x7, v3  }
0x458: {  	v3 =	vor.u32 v3, v4  }
0x459: {  	v3 =	vperm.xlane v3, v0;
	_ =	sdelay $0x1  }
0x45a: {  	v3 =	vadd.s32 v1, v3;
	_ =	sdelay $0x4  }
0x45b: {  	[tilespmem:s15], [sflag:$0x4] =	stream.indirect_vreg.gather [hbm4b:s1+s3], $0x80, v3, vm0, $0xb8;
	[tilespmem:$0x13400] =	vst v63  }
0x45c: {  	s9 =	simm.s32 $0x12400  }
0x45d: {  	[tilespmem:s9], [sflag:$0x4] =	stream.indirect_vreg.gather [hbm4b:s5+s3], $0x80, v3, vm0, $0xb8;
	[tilespmem:$0x13400] =	vst v63  }
0x45e: {  	s11 =	simm.s32 $0x12C00  }
0x45f: {  	[tilespmem:s11], [sflag:$0x4] =	stream.indirect_vreg.gather [hbm4b:s6+s3], $0x80, v3, vm0, $0xb8;
	[tilespmem:$0x13400] =	vst v63  }
0x460: {  	_ =	swait.ge [sflag:s17], $0x4800  }
0x461: {  	[sflag:s17] =	ssyncset.done $0x0  }
0x462: {  	s2 =	simm.s32 $0x5C00;
	s14 =	rddreg [dreg:$0x1d];
	[sflag:s17] =	ssyncadd.s32 $0xFFFFB800  }
0x463: {  	[hbm4b:s14+s3] =	stream.linear.scatter [tilespmem:s2], [sflag:$0x6], $0x4800, $0x38;
	[tilespmem:$0x13400] =	vst v63  }
0x464: {  	_ =	swait.ge [sflag:s0], $0x4800  }
0x465: {  	[sflag:s0] =	ssyncset.done $0x0  }
0x466: {  	[sflag:s0] =	ssyncadd.s32 $0xFFFFB800  }
0x467: {  	v3 =	vld [tilespmem:$0xE00];
	_ =	sdelay $0x4  }
0x468: {  	v54 =	vshrl.u32 v3, $0x3  }
0x469: {  	v4 =	vmul.u32 $0x30, v54  }
0x46a: {  	v3 =	vand.u32 $0x7, v3  }
0x46b: {  	v3 =	vor.u32 v3, v4  }
0x46c: {  	v4 =	vperm.xlane v3, v0;
	_ =	sdelay $0x1  }
0x46d: {  	v4 =	vadd.s32 v1, v4;
	_ =	sdelay $0x3  }
0x46e: {  	v3 =	vperm.xlane v3, v2  }
0x46f: {  	[tilespmem:s12], [sflag:$0x1] =	stream.indirect_vreg.gather [hbm4b:s1+s3], $0x80, v4, vm0, $0xb8;
	[tilespmem:$0x13400] =	vst v63  }
0x470: {  	s11 =	simm.s32 $0x1C00;
	v3 =	vadd.s32 v1, v3  }
0x471: {  	[tilespmem:s11], [sflag:$0x1] =	stream.indirect_vreg.gather [hbm4b:s5+s3], $0x80, v4, vm0, $0xb8;
	[tilespmem:$0x13400] =	vst v63  }
0x472: {  	s14 =	simm.s32 $0x2400  }
0x473: {  	[tilespmem:s14], [sflag:$0x1] =	stream.indirect_vreg.gather [hbm4b:s6+s3], $0x80, v4, vm0, $0xb8;
	[tilespmem:$0x13400] =	vst v63  }
0x474: {  	s9 =	simm.s32 $0x2C00  }
0x475: {  	[tilespmem:s9], [sflag:$0x1] =	stream.indirect_vreg.gather [hbm4b:s1+s3], $0x80, v3, vm0, $0xb8;
	[tilespmem:$0x13400] =	vst v63  }
0x476: {  	_ = 	snop  }
0x477: {  	[tilespmem:s29], [sflag:$0x1] =	stream.indirect_vreg.gather [hbm4b:s5+s3], $0x80, v3, vm0, $0xb8;
	[tilespmem:$0x13400] =	vst v63  }
0x478: {  	_ = 	snop  }
0x479: {  	[tilespmem:s13], [sflag:$0x1] =	stream.indirect_vreg.gather [hbm4b:s6+s3], $0x80, v3, vm0, $0xb8;
	[tilespmem:$0x13400] =	vst v63  }
0x47a: {  	v3 =	vld.msk [tilespmem:$0xE10], $0xff;
	_ =	sdelay $0x4  }
0x47b: {  	v55 =	vshrl.u32 v3, $0x3  }
0x47c: {  	v4 =	vmul.u32 $0x30, v55  }
0x47d: {  	v3 =	vand.u32 $0x7, v3  }
0x47e: {  	v3 =	vor.u32 v3, v4  }
0x47f: {  	v3 =	vperm.xlane v3, v0;
	_ =	sdelay $0x1  }
0x480: {  	v3 =	vadd.s32 v1, v3;
	_ =	sdelay $0x4  }
0x481: {  	[tilespmem:s28], [sflag:$0x1] =	stream.indirect_vreg.gather [hbm4b:s1+s3], $0x80, v3, vm0, $0xb8;
	[tilespmem:$0x13400] =	vst v63  }
0x482: {  	_ = 	snop  }
0x483: {  	[tilespmem:s10], [sflag:$0x1] =	stream.indirect_vreg.gather [hbm4b:s5+s3], $0x80, v3, vm0, $0xb8;
	[tilespmem:$0x13400] =	vst v63  }
0x484: {  	s28 =	simm.s32 $0x5400  }
0x485: {  	[tilespmem:s28], [sflag:$0x1] =	stream.indirect_vreg.gather [hbm4b:s6+s3], $0x80, v3, vm0, $0xb8;
	[tilespmem:$0x13400] =	vst v63  }
0x486: {  	_ =	swait.ge [sflag:s4], $0x4800  }
0x487: {  	[sflag:s4] =	ssyncset.done $0x0  }
0x488: {  	s12 =	simm.s32 $0xA400;
	s10 =	rddreg [dreg:$0x1e];
	[sflag:s4] =	ssyncadd.s32 $0xFFFFB800  }
0x489: {  	[hbm4b:s10+s3] =	stream.linear.scatter [tilespmem:s12], [sflag:$0x7], $0x4800, $0x38;
	[tilespmem:$0x13400] =	vst v63  }
0x48a: {  	_ =	swait.ge [sflag:s8], $0x4800  }
0x48b: {  	[sflag:s8] =	ssyncset.done $0x0  }
0x48c: {  	[sflag:s8] =	ssyncadd.s32 $0xFFFFB800  }
0x48d: {  	v3 =	vld [tilespmem:$0xE80];
	_ =	sdelay $0x4  }
0x48e: {  	v56 =	vshrl.u32 v3, $0x3  }
0x48f: {  	v4 =	vmul.u32 $0x30, v56  }
0x490: {  	v3 =	vand.u32 $0x7, v3  }
0x491: {  	v3 =	vor.u32 v3, v4  }
0x492: {  	v4 =	vperm.xlane v3, v0;
	_ =	sdelay $0x1  }
0x493: {  	v4 =	vadd.s32 v1, v4;
	_ =	sdelay $0x3  }
0x494: {  	v3 =	vperm.xlane v3, v2  }
0x495: {  	[tilespmem:s2], [sflag:$0x2] =	stream.indirect_vreg.gather [hbm4b:s1+s3], $0x80, v4, vm0, $0xb8;
	[tilespmem:$0x13400] =	vst v63  }
0x496: {  	s24 =	simm.s32 $0x6400;
	v3 =	vadd.s32 v1, v3  }
0x497: {  	[tilespmem:s24], [sflag:$0x2] =	stream.indirect_vreg.gather [hbm4b:s5+s3], $0x80, v4, vm0, $0xb8;
	[tilespmem:$0x13400] =	vst v63  }
0x498: {  	s24 =	simm.s32 $0x6C00  }
0x499: {  	[tilespmem:s24], [sflag:$0x2] =	stream.indirect_vreg.gather [hbm4b:s6+s3], $0x80, v4, vm0, $0xb8;
	[tilespmem:$0x13400] =	vst v63  }
0x49a: {  	s24 =	simm.s32 $0x7400  }
0x49b: {  	[tilespmem:s24], [sflag:$0x2] =	stream.indirect_vreg.gather [hbm4b:s1+s3], $0x80, v3, vm0, $0xb8;
	[tilespmem:$0x13400] =	vst v63  }
0x49c: {  	s24 =	simm.s32 $0x7C00  }
0x49d: {  	[tilespmem:s24], [sflag:$0x2] =	stream.indirect_vreg.gather [hbm4b:s5+s3], $0x80, v3, vm0, $0xb8;
	[tilespmem:$0x13400] =	vst v63  }
0x49e: {  	s24 =	simm.s32 $0x8400  }
0x49f: {  	[tilespmem:s24], [sflag:$0x2] =	stream.indirect_vreg.gather [hbm4b:s6+s3], $0x80, v3, vm0, $0xb8;
	[tilespmem:$0x13400] =	vst v63  }
0x4a0: {  	v3 =	vld.msk [tilespmem:$0xE90], $0xff;
	_ =	sdelay $0x4  }
0x4a1: {  	v57 =	vshrl.u32 v3, $0x3  }
0x4a2: {  	v4 =	vmul.u32 $0x30, v57  }
0x4a3: {  	v3 =	vand.u32 $0x7, v3  }
0x4a4: {  	v3 =	vor.u32 v3, v4  }
0x4a5: {  	v3 =	vperm.xlane v3, v0;
	_ =	sdelay $0x1  }
0x4a6: {  	v3 =	vadd.s32 v1, v3;
	_ =	sdelay $0x3  }
0x4a7: {  	s24 =	simm.s32 $0x8C00  }
0x4a8: {  	[tilespmem:s24], [sflag:$0x2] =	stream.indirect_vreg.gather [hbm4b:s1+s3], $0x80, v3, vm0, $0xb8;
	[tilespmem:$0x13400] =	vst v63  }
0x4a9: {  	s24 =	simm.s32 $0x9400  }
0x4aa: {  	[tilespmem:s24], [sflag:$0x2] =	stream.indirect_vreg.gather [hbm4b:s5+s3], $0x80, v3, vm0, $0xb8;
	[tilespmem:$0x13400] =	vst v63  }
0x4ab: {  	s24 =	simm.s32 $0x9C00  }
0x4ac: {  	[tilespmem:s24], [sflag:$0x2] =	stream.indirect_vreg.gather [hbm4b:s6+s3], $0x80, v3, vm0, $0xb8;
	[tilespmem:$0x13400] =	vst v63  }
0x4ad: {  	_ =	swait.ge [sflag:s19], $0x4800  }
0x4ae: {  	[sflag:s19] =	ssyncset.done $0x0  }
0x4af: {  	s2 =	simm.s32 $0xEC00;
	s24 =	rddreg [dreg:$0x1f];
	[sflag:s19] =	ssyncadd.s32 $0xFFFFB800  }
0x4b0: {  	[hbm4b:s24+s3] =	stream.linear.scatter [tilespmem:s2], [sflag:$0x8], $0x4800, $0x38;
	[tilespmem:$0x13400] =	vst v63  }
0x4b1: {  	_ =	swait.ge [sflag:s22], $0x4800  }
0x4b2: {  	[sflag:s22] =	ssyncset.done $0x0  }
0x4b3: {  	[sflag:s22] =	ssyncadd.s32 $0xFFFFB800  }
0x4b4: {  	v3 =	vld [tilespmem:$0xF00];
	_ =	sdelay $0x4  }
0x4b5: {  	v58 =	vshrl.u32 v3, $0x3  }
0x4b6: {  	v4 =	vmul.u32 $0x30, v58  }
0x4b7: {  	v3 =	vand.u32 $0x7, v3  }
0x4b8: {  	v3 =	vor.u32 v3, v4  }
0x4b9: {  	v4 =	vperm.xlane v3, v0;
	_ =	sdelay $0x1  }
0x4ba: {  	v4 =	vadd.s32 v1, v4;
	_ =	sdelay $0x3  }
0x4bb: {  	v3 =	vperm.xlane v3, v2  }
0x4bc: {  	[tilespmem:s12], [sflag:$0x3] =	stream.indirect_vreg.gather [hbm4b:s1+s3], $0x80, v4, vm0, $0xb8;
	[tilespmem:$0x13400] =	vst v63  }
0x4bd: {  	s24 =	simm.s32 $0xAC00;
	v3 =	vadd.s32 v1, v3  }
0x4be: {  	[tilespmem:s24], [sflag:$0x3] =	stream.indirect_vreg.gather [hbm4b:s5+s3], $0x80, v4, vm0, $0xb8;
	[tilespmem:$0x13400] =	vst v63  }
0x4bf: {  	s7 =	simm.s32 $0xB400  }
0x4c0: {  	[tilespmem:s7], [sflag:$0x3] =	stream.indirect_vreg.gather [hbm4b:s6+s3], $0x80, v4, vm0, $0xb8;
	[tilespmem:$0x13400] =	vst v63  }
0x4c1: {  	s24 =	simm.s32 $0xBC00  }
0x4c2: {  	[tilespmem:s24], [sflag:$0x3] =	stream.indirect_vreg.gather [hbm4b:s1+s3], $0x80, v3, vm0, $0xb8;
	[tilespmem:$0x13400] =	vst v63  }
0x4c3: {  	s24 =	simm.s32 $0xC400  }
0x4c4: {  	[tilespmem:s24], [sflag:$0x3] =	stream.indirect_vreg.gather [hbm4b:s5+s3], $0x80, v3, vm0, $0xb8;
	[tilespmem:$0x13400] =	vst v63  }
0x4c5: {  	s24 =	simm.s32 $0xCC00  }
0x4c6: {  	[tilespmem:s24], [sflag:$0x3] =	stream.indirect_vreg.gather [hbm4b:s6+s3], $0x80, v3, vm0, $0xb8;
	[tilespmem:$0x13400] =	vst v63  }
0x4c7: {  	v3 =	vld.msk [tilespmem:$0xF10], $0xff;
	_ =	sdelay $0x4  }
0x4c8: {  	v59 =	vshrl.u32 v3, $0x3  }
0x4c9: {  	v4 =	vmul.u32 $0x30, v59  }
0x4ca: {  	v3 =	vand.u32 $0x7, v3  }
0x4cb: {  	v3 =	vor.u32 v3, v4  }
0x4cc: {  	v3 =	vperm.xlane v3, v0;
	_ =	sdelay $0x1  }
0x4cd: {  	v3 =	vadd.s32 v1, v3;
	_ =	sdelay $0x3  }
0x4ce: {  	s24 =	simm.s32 $0xD400  }
0x4cf: {  	[tilespmem:s24], [sflag:$0x3] =	stream.indirect_vreg.gather [hbm4b:s1+s3], $0x80, v3, vm0, $0xb8;
	[tilespmem:$0x13400] =	vst v63  }
0x4d0: {  	s18 =	simm.s32 $0xDC00  }
0x4d1: {  	[tilespmem:s18], [sflag:$0x3] =	stream.indirect_vreg.gather [hbm4b:s5+s3], $0x80, v3, vm0, $0xb8;
	[tilespmem:$0x13400] =	vst v63  }
0x4d2: {  	s25 =	simm.s32 $0xE400  }
0x4d3: {  	[tilespmem:s25], [sflag:$0x3] =	stream.indirect_vreg.gather [hbm4b:s6+s3], $0x80, v3, vm0, $0xb8;
	[tilespmem:$0x13400] =	vst v63  }
0x4d4: {  	_ =	swait.ge [sflag:s20], $0x4800  }
0x4d5: {  	s18 =	sld [smem:$0x7F8]  }
0x4d6: {  	[sflag:s20] =	ssyncset.done $0x0  }
0x4d7: {  	s25 =	simm.s32 $0x1400;
	[sflag:s20] =	ssyncadd.s32 $0xFFFFB800  }
0x4d8: {  	[hbm4b:s18+s3] =	stream.linear.scatter [tilespmem:s25], [sflag:$0x5], $0x4800, $0x38;
	[tilespmem:$0x13400] =	vst v63  }
0x4d9: {  	_ =	swait.ge [sflag:s23], $0x4800  }
0x4da: {  	[sflag:s23] =	ssyncset.done $0x0  }
0x4db: {  	[sflag:s23] =	ssyncadd.s32 $0xFFFFB800  }
0x4dc: {  	v3 =	vld [tilespmem:$0xF80];
	_ =	sdelay $0x4  }
0x4dd: {  	v60 =	vshrl.u32 v3, $0x3  }
0x4de: {  	v4 =	vmul.u32 $0x30, v60  }
0x4df: {  	v3 =	vand.u32 $0x7, v3  }
0x4e0: {  	v3 =	vor.u32 v3, v4  }
0x4e1: {  	v4 =	vperm.xlane v3, v0;
	_ =	sdelay $0x1  }
0x4e2: {  	v4 =	vadd.s32 v1, v4;
	_ =	sdelay $0x3  }
0x4e3: {  	v3 =	vperm.xlane v3, v2  }
0x4e4: {  	[tilespmem:s2], [sflag:$0x4] =	stream.indirect_vreg.gather [hbm4b:s1+s3], $0x80, v4, vm0, $0xb8;
	[tilespmem:$0x13400] =	vst v63  }
0x4e5: {  	s21 =	simm.s32 $0xF400;
	v3 =	vadd.s32 v1, v3  }
0x4e6: {  	[tilespmem:s21], [sflag:$0x4] =	stream.indirect_vreg.gather [hbm4b:s5+s3], $0x80, v4, vm0, $0xb8;
	[tilespmem:$0x13400] =	vst v63  }
0x4e7: {  	s16 =	simm.s32 $0xFC00  }
0x4e8: {  	[tilespmem:s16], [sflag:$0x4] =	stream.indirect_vreg.gather [hbm4b:s6+s3], $0x80, v4, vm0, $0xb8;
	[tilespmem:$0x13400] =	vst v63  }
0x4e9: {  	s30 =	simm.s32 $0x10400  }
0x4ea: {  	[tilespmem:s30], [sflag:$0x4] =	stream.indirect_vreg.gather [hbm4b:s1+s3], $0x80, v3, vm0, $0xb8;
	[tilespmem:$0x13400] =	vst v63  }
0x4eb: {  	s31 =	simm.s32 $0x10C00  }
0x4ec: {  	[tilespmem:s31], [sflag:$0x4] =	stream.indirect_vreg.gather [hbm4b:s5+s3], $0x80, v3, vm0, $0xb8;
	[tilespmem:$0x13400] =	vst v63  }
0x4ed: {  	s26 =	simm.s32 $0x11400  }
0x4ee: {  	[tilespmem:s26], [sflag:$0x4] =	stream.indirect_vreg.gather [hbm4b:s6+s3], $0x80, v3, vm0, $0xb8;
	[tilespmem:$0x13400] =	vst v63  }
0x4ef: {  	v3 =	vld.msk [tilespmem:$0xF90], $0xff;
	_ =	sdelay $0x4  }
0x4f0: {  	v61 =	vshrl.u32 v3, $0x3  }
0x4f1: {  	v4 =	vmul.u32 $0x30, v61  }
0x4f2: {  	v3 =	vand.u32 $0x7, v3  }
0x4f3: {  	v3 =	vor.u32 v3, v4  }
0x4f4: {  	v3 =	vperm.xlane v3, v0;
	_ =	sdelay $0x1  }
0x4f5: {  	v3 =	vadd.s32 v1, v3;
	_ =	sdelay $0x3  }
0x4f6: {  	s15 =	simm.s32 $0x11C00  }
0x4f7: {  	[tilespmem:s15], [sflag:$0x4] =	stream.indirect_vreg.gather [hbm4b:s1+s3], $0x80, v3, vm0, $0xb8;
	[tilespmem:$0x13400] =	vst v63  }
0x4f8: {  	s30 =	simm.s32 $0x12400  }
0x4f9: {  	[tilespmem:s30], [sflag:$0x4] =	stream.indirect_vreg.gather [hbm4b:s5+s3], $0x80, v3, vm0, $0xb8;
	[tilespmem:$0x13400] =	vst v63  }
0x4fa: {  	s31 =	simm.s32 $0x12C00  }
0x4fb: {  	[tilespmem:s31], [sflag:$0x4] =	stream.indirect_vreg.gather [hbm4b:s6+s3], $0x80, v3, vm0, $0xb8;
	[tilespmem:$0x13400] =	vst v63  }
0x4fc: {  	_ =	swait.ge [sflag:s17], $0x4800  }
0x4fd: {  	s16 =	sld [smem:$0x7F9]  }
0x4fe: {  	[sflag:s17] =	ssyncset.done $0x0  }
0x4ff: {  	s10 =	simm.s32 $0x5C00;
	[sflag:s17] =	ssyncadd.s32 $0xFFFFB800  }
0x500: {  	[hbm4b:s16+s3] =	stream.linear.scatter [tilespmem:s10], [sflag:$0x6], $0x4800, $0x38;
	[tilespmem:$0x13400] =	vst v63  }
0x501: {  	_ =	swait.ge [sflag:s0], $0x4800  }
0x502: {  	[sflag:s0] =	ssyncset.done $0x0  }
0x503: {  	[sflag:s0] =	ssyncadd.s32 $0xFFFFB800  }
0x504: {  	v3 =	vld [tilespmem:$0x1000];
	_ =	sdelay $0x4  }
0x505: {  	v62 =	vshrl.u32 v3, $0x3  }
0x506: {  	v4 =	vmul.u32 $0x30, v62  }
0x507: {  	v3 =	vand.u32 $0x7, v3  }
0x508: {  	v3 =	vor.u32 v3, v4  }
0x509: {  	v4 =	vperm.xlane v3, v0;
	_ =	sdelay $0x1  }
0x50a: {  	v4 =	vadd.s32 v1, v4;
	_ =	sdelay $0x3  }
0x50b: {  	v3 =	vperm.xlane v3, v2  }
0x50c: {  	[tilespmem:s25], [sflag:$0x1] =	stream.indirect_vreg.gather [hbm4b:s1+s3], $0x80, v4, vm0, $0xb8;
	[tilespmem:$0x13400] =	vst v63  }
0x50d: {  	v3 =	vadd.s32 v1, v3  }
0x50e: {  	[tilespmem:s11], [sflag:$0x1] =	stream.indirect_vreg.gather [hbm4b:s5+s3], $0x80, v4, vm0, $0xb8;
	[tilespmem:$0x13400] =	vst v63  }
0x50f: {  	_ = 	snop  }
0x510: {  	[tilespmem:s14], [sflag:$0x1] =	stream.indirect_vreg.gather [hbm4b:s6+s3], $0x80, v4, vm0, $0xb8;
	[tilespmem:$0x13400] =	vst v63  }
0x511: {  	_ = 	snop  }
0x512: {  	[tilespmem:s9], [sflag:$0x1] =	stream.indirect_vreg.gather [hbm4b:s1+s3], $0x80, v3, vm0, $0xb8;
	[tilespmem:$0x13400] =	vst v63  }
0x513: {  	s29 =	simm.s32 $0x3400  }
0x514: {  	[tilespmem:s29], [sflag:$0x1] =	stream.indirect_vreg.gather [hbm4b:s5+s3], $0x80, v3, vm0, $0xb8;
	[tilespmem:$0x13400] =	vst v63  }
0x515: {  	s25 =	simm.s32 $0x3C00  }
0x516: {  	[tilespmem:s25], [sflag:$0x1] =	stream.indirect_vreg.gather [hbm4b:s6+s3], $0x80, v3, vm0, $0xb8;
	[tilespmem:$0x13400] =	vst v63  }
0x517: {  	v3 =	vld.msk [tilespmem:$0x1010], $0xff;
	_ =	sdelay $0x4  }
0x518: {  	v63 =	vshrl.u32 v3, $0x3  }
0x519: {  	v4 =	vmul.u32 $0x30, v63  }
0x51a: {  	v3 =	vand.u32 $0x7, v3  }
0x51b: {  	v3 =	vor.u32 v3, v4  }
0x51c: {  	v3 =	vperm.xlane v3, v0;
	_ =	sdelay $0x1  }
0x51d: {  	v3 =	vadd.s32 v1, v3;
	_ =	sdelay $0x3  }
0x51e: {  	s13 =	simm.s32 $0x4400  }
0x51f: {  	[tilespmem:s13], [sflag:$0x1] =	stream.indirect_vreg.gather [hbm4b:s1+s3], $0x80, v3, vm0, $0xb8;
	[tilespmem:$0x13400] =	vst v63  }
0x520: {  	s26 =	simm.s32 $0x4C00  }
0x521: {  	[tilespmem:s26], [sflag:$0x1] =	stream.indirect_vreg.gather [hbm4b:s5+s3], $0x80, v3, vm0, $0xb8;
	[tilespmem:$0x13400] =	vst v63  }
0x522: {  	s28 =	simm.s32 $0x5400  }
0x523: {  	[tilespmem:s28], [sflag:$0x1] =	stream.indirect_vreg.gather [hbm4b:s6+s3], $0x80, v3, vm0, $0xb8;
	[tilespmem:$0x13400] =	vst v63  }
0x524: {  	s21 =	sld [smem:$0x7F7];
	_ =	swait.ge [sflag:s4], $0x4800  }
0x525: {  	s29 =	sld [smem:$0x7FA]  }
0x526: {  	[sflag:s4] =	ssyncset.done $0x0  }
0x527: {  	s12 =	simm.s32 $0xA400;
	[sflag:s4] =	ssyncadd.s32 $0xFFFFB800  }
0x528: {  	[hbm4b:s29+s3] =	stream.linear.scatter [tilespmem:s12], [sflag:$0x7], $0x4800, $0x38;
	[tilespmem:$0x13400] =	vst v63  }
0x529: {  	_ =	swait.ge [sflag:s19], $0x4800  }
0x52a: {  	s30 =	sld [smem:$0x7FB]  }
0x52b: {  	[sflag:s19] =	ssyncset.done $0x0  }
0x52c: {  	s2 =	simm.s32 $0xEC00;
	[sflag:s19] =	ssyncadd.s32 $0xFFFFB800  }
0x52d: {  	[hbm4b:s30+s3] =	stream.linear.scatter [tilespmem:s2], [sflag:$0x8], $0x4800, $0x38;
	[tilespmem:$0x13400] =	vst v63  }
0x52e: {  	_ =	swait.ge [sflag:s20], $0x4800  }
0x52f: {  	s31 =	sld [smem:$0x7FD]  }
0x530: {  	[sflag:s20] =	ssyncset.done $0x0  }
0x531: {  	s18 =	simm.s32 $0x1400;
	[sflag:s20] =	ssyncadd.s32 $0xFFFFB800  }
0x532: {  	[hbm4b:s31+s3] =	stream.linear.scatter [tilespmem:s18], [sflag:$0x5], $0x4800, $0x38;
	[tilespmem:$0x13400] =	vst v63  }
0x533: {  	_ =	swait.ge [sflag:s0], $0x4800  }
0x534: {  	[sflag:s0] =	ssyncset.done $0x0  }
0x535: {  	[sflag:s0] =	ssyncadd.s32 $0xFFFFB800  }
0x536: {  	_ =	swait.ge [sflag:s8], $0x4800  }
0x537: {  	[sflag:s8] =	ssyncset.done $0x0  }
0x538: {  	[sflag:s8] =	ssyncadd.s32 $0xFFFFB800  }
0x539: {  	p0 =	sne.s32 s21, $0x1;
	_ =	swait.ge [sflag:s22], $0x4800  }
.Ltmp0:
0x53a: {  	[sflag:s22] =	ssyncset.done $0x0;
	(pc) =	sbr.rel @p0 .LBB2_1-.Ltmp0, $4  }
0x53b: {  	[sflag:s22] =	ssyncadd.s32 $0xFFFFB800  }
0x53c: {  	_ =	swait.ge [sflag:s23], $0x4800  }
0x53d: {  	[sflag:s23] =	ssyncset.done $0x0  }
0x53e: {  	s7 =	sadd.s32 $0xFFFFFFFF, s21;
	[sflag:s23] =	ssyncadd.s32 $0xFFFFB800  }
0x53f: {  	_ =	sfence.sel $0x180000  }
0x540: {  	[bflag:$0x0] =	sbarrier.arrive $0xFFFF  }
0x541: {  	_ =	strace $0x90000047  }
0x542: {  	s0 =	stileid.u32;
	[bflag:$0x2] =	sbarrier.arrive $0xFFFF  }
0x543: {  	p0 =	sne.s32 s0, $0x0;
	s0 =	rddreg [dreg:$0x3]  }
0x544: {  	s0 =	sadd.s32 @!p0 $0x100000, s0  }
0x545: {  	[sflag:s0] =	ssyncadd.tile.s32 @!p0 $0x1;
	_ =	shalt  }
.Lfunc_end2:
_tile_overlayer_lowered:
.L_overlay_start_2:
0x546: {  	(tag) =	ssettag $0x2  }
0x547: {  	s0 =	rddreg [dreg:$0x0];
	s2 =	stileid.u32  }
0x548: {  	s1 =	rddreg [dreg:$0x1];
	p0 =	sne.s32 s2, $0x0  }
0x549: {  	s3 =	rddreg [dreg:$0x2];
	[bflag:$0x3] =	sbarrier.arrive $0xFFFF;
	s2 =	simm.s32 @!p0 $0x1C09  }
0x54a: {  	[timem:s3], [sflag:s2] =	dma.local @!p0 [hbm:s0], s1  }
0x54b: {  	s0 =	simm.s32 @!p0 $0x9  }
0x54c: {  	_ =	swait.ge @!p0 [sflag:s0], s1  }
0x54d: {  	s1 =	ssub.s32 @!p0 $0x0, s1;
	[sflag:s0] =	ssyncset.done @!p0 $0x0  }
0x54e: {  	[sflag:s0] =	ssyncadd.s32 @!p0 s1  }
0x54f: {  	[bflag:$0x3] =	sbarrier.arrive $0xFFFF  }
0x550: {  	_ =	shalt  }

</sc_bundles>
